<compile_context>
chip_gen: v7x
topology: tpu7x:2x2x1
jax: 0.10.2.dev20260603
libtpu: 0.0.44.dev20260713+nightly
codegen_flags: <defaults>
</compile_context>

<pallas_src>
import functools

import jax
import jax.numpy as jnp
from jax import lax
from jax.experimental import pallas as pl
from jax.experimental.pallas import tpu as pltpu
from jax.experimental.pallas import tpu_sc as plsc

N = 10000
E = 320000
AF = 128
BF = 16
D = 64
H = 128
G = 64

NC = 2
NS = 16
NW = NC * NS
PER_W = E // NW
CH = 80
NCH = PER_W // CH
ROWS_PER_SUB = N // NS

EB = 2000
NB = 2000

_F32 = jnp.float32


def _sp(x):
    return jnp.maximum(x, 0.0) + jnp.log1p(jnp.exp(-jnp.abs(x)))


def _mesh():
    return plsc.VectorSubcoreMesh(core_axis_name="c", subcore_axis_name="s")


def _gather2(t1, t2, row3, col3):
    @functools.partial(
        pl.kernel,
        out_type=[jax.ShapeDtypeStruct((E, 2 * D), _F32),
                  jax.ShapeDtypeStruct((E, 2 * D), _F32)],
        mesh=_mesh(),
        scratch_types=[
            pltpu.VMEM((NCH, CH), jnp.int32),
            pltpu.VMEM((NCH, CH), jnp.int32),
            pltpu.VMEM((CH, 2 * D), _F32),
            pltpu.VMEM((CH, 2 * D), _F32),
            pltpu.SemaphoreType.DMA,
            pltpu.SemaphoreType.DMA,
        ],
    )
    def k(t1_hbm, t2_hbm, row_hbm, col_hbm, r_hbm, c_hbm, ri, ci, rb, cb,
          sem1, sem2):
        wid = lax.axis_index("s") * NC + lax.axis_index("c")
        base = wid * PER_W
        pltpu.sync_copy(row_hbm.at[wid], ri)
        pltpu.sync_copy(col_hbm.at[wid], ci)

        @pl.loop(0, NCH)
        def _(j):
            c1 = pltpu.async_copy(t1_hbm.at[ri.at[j]], rb, sem1)
            c2 = pltpu.async_copy(t2_hbm.at[ci.at[j]], cb, sem2)
            c1.wait()
            c2.wait()
            off = base + j * CH
            pltpu.sync_copy(rb, r_hbm.at[pl.ds(off, CH)])
            pltpu.sync_copy(cb, c_hbm.at[pl.ds(off, CH)])

    return k(t1, t2, row3, col3)


def _node_tables(h2, cp):
    w1, b1 = cp['eu1']
    wn1, bn1 = cp['nu1']
    w1a, w1b = w1[0:D], w1[D:2 * D]
    wn1a = wn1[0:D]

    def body(h_ref, w1a_ref, w1b_ref, wn1a_ref, b1_ref, bn1_ref,
             t1_ref, t2_ref):
        h = h_ref[:, 0:D]
        t1_ref[:, 0:D] = (jnp.dot(h, w1a_ref[...],
                                  preferred_element_type=_F32) + b1_ref[...])
        t1_ref[:, D:2 * D] = (jnp.dot(h, wn1a_ref[...],
                                      preferred_element_type=_F32)
                              + bn1_ref[...])
        t2_ref[:, 0:D] = jnp.dot(h, w1b_ref[...], preferred_element_type=_F32)
        t2_ref[:, D:2 * D] = jnp.zeros((NB, D), _F32)

    hspec = pl.BlockSpec((NB, 2 * D), lambda i: (i, 0))
    wspec = pl.BlockSpec((D, D), lambda i: (0, 0))
    bspec = pl.BlockSpec((1, D), lambda i: (0, 0))
    return pl.pallas_call(
        body,
        grid=(N // NB,),
        in_specs=[hspec, wspec, wspec, wspec, bspec, bspec],
        out_specs=[hspec, hspec],
        out_shape=[jax.ShapeDtypeStruct((N, 2 * D), _F32),
                   jax.ShapeDtypeStruct((N, 2 * D), _F32)],
    )(h2, w1a, w1b, wn1a, b1.reshape(1, D), bn1.reshape(1, D))


def _scatter_add(msg, col3):
    @functools.partial(
        pl.kernel,
        out_type=jax.ShapeDtypeStruct((NC, N, D), _F32),
        mesh=_mesh(),
        scratch_types=[
            pltpu.VMEM((NCH, CH), jnp.int32),
            pltpu.VMEM((CH, D), _F32),
            pltpu.VMEM((104, D), _F32),
            pltpu.VMEM_SHARED((N, D), _F32),
        ],
    )
    def k(msg_hbm, col_hbm, out_hbm, ci, mb, zb, hsh):
        c = lax.axis_index("c")
        s = lax.axis_index("s")

        @pl.loop(0, 104)
        def _(r):
            @pl.loop(0, D, step=16)
            def _(q):
                zb[r, pl.ds(q, 16)] = jnp.zeros((16,), _F32)

        @pl.loop(0, 6)
        def _(t):
            pltpu.sync_copy(zb, hsh.at[pl.ds(s * 624 + t * 104, 104)])

        @pl.when(s == 0)
        def _():
            pltpu.sync_copy(zb.at[pl.ds(0, 16)], hsh.at[pl.ds(9984, 16)])

        plsc.subcore_barrier()

        wid = s * NC + c
        pltpu.sync_copy(col_hbm.at[wid], ci)

        @pl.loop(0, NCH)
        def _(j):
            off = wid * PER_W + j * CH
            pltpu.sync_copy(msg_hbm.at[pl.ds(off, CH)], mb)
            pltpu.sync_copy(mb, hsh.at[ci.at[j]], add=True)

        plsc.subcore_barrier()
        pltpu.sync_copy(hsh.at[pl.ds(s * 624, 624)],
                        out_hbm.at[c, pl.ds(s * 624, 624)])

        @pl.when(s == 0)
        def _():
            pltpu.sync_copy(hsh.at[pl.ds(9984, 16)],
                            out_hbm.at[c, pl.ds(9984, 16)])

    return k(msg, col3)


def _embed(x, w, b, bm):
    m, fin = x.shape
    fout = w.shape[1]

    def body(x_ref, w_ref, b_ref, o_ref):
        o_ref[...] = (jnp.dot(x_ref[...], w_ref[...],
                              preferred_element_type=_F32) + b_ref[...])

    return pl.pallas_call(
        body,
        grid=(m // bm,),
        in_specs=[pl.BlockSpec((bm, fin), lambda i: (i, 0)),
                  pl.BlockSpec((fin, fout), lambda i: (0, 0)),
                  pl.BlockSpec((1, fout), lambda i: (0, 0))],
        out_specs=pl.BlockSpec((bm, fout), lambda i: (i, 0)),
        out_shape=jax.ShapeDtypeStruct((m, fout), _F32),
    )(x, w, b.reshape(1, fout))


def _edge_mlp(r, c, e, cp):
    w1 = cp['eu1'][0]
    w2, b2 = cp['eu2']
    wn1 = cp['nu1'][0]
    wn2, bn2 = cp['nu2']
    w1c = w1[2 * D:3 * D]
    wn1b = wn1[D:2 * D]

    def body(r_ref, c_ref, e_ref, w1c_ref, w2_ref, b2_ref, wn1b_ref,
             wn2_ref, bn2_ref, en_ref, msg_ref):
        t = (r_ref[:, 0:D] + c_ref[:, 0:D]
             + jnp.dot(e_ref[...], w1c_ref[...], preferred_element_type=_F32))
        t = _sp(t)
        en = jnp.dot(t, w2_ref[...], preferred_element_type=_F32) + b2_ref[...]
        en_ref[...] = en
        u = _sp(r_ref[:, D:2 * D]
                + jnp.dot(en, wn1b_ref[...], preferred_element_type=_F32))
        msg_ref[...] = (jnp.dot(u, wn2_ref[...], preferred_element_type=_F32)
                        + bn2_ref[...])

    wspec = pl.BlockSpec((D, D), lambda i: (0, 0))
    bspec = pl.BlockSpec((1, D), lambda i: (0, 0))
    espec = pl.BlockSpec((EB, D), lambda i: (i, 0))
    gspec = pl.BlockSpec((EB, 2 * D), lambda i: (i, 0))
    return pl.pallas_call(
        body,
        grid=(E // EB,),
        in_specs=[gspec, gspec, espec,
                  wspec, wspec, bspec, wspec, wspec, bspec],
        out_specs=[espec, espec],
        out_shape=[jax.ShapeDtypeStruct((E, D), _F32),
                   jax.ShapeDtypeStruct((E, D), _F32)],
    )(r, c, e, w1c, w2, b2.reshape(1, D), wn1b, wn2, bn2.reshape(1, D))


def _bn_residual(parts, h2, g, b):
    def body(p_ref, h_ref, g_ref, b_ref, o_ref):
        s = p_ref[0] + p_ref[1]
        mu = jnp.mean(s, axis=0, keepdims=True)
        var = jnp.mean((s - mu) * (s - mu), axis=0, keepdims=True)
        hb = (s - mu) / jnp.sqrt(var + 1e-5) * g_ref[...] + b_ref[...]
        hold = h_ref[:, 0:D]
        o_ref[:, 0:D] = _sp(hb) + hold
        o_ref[:, D:2 * D] = jnp.zeros((N, D), _F32)

    return pl.pallas_call(
        body,
        grid=(1,),
        in_specs=[pl.BlockSpec((NC, N, D), lambda i: (0, 0, 0)),
                  pl.BlockSpec((N, 2 * D), lambda i: (0, 0)),
                  pl.BlockSpec((1, D), lambda i: (0, 0)),
                  pl.BlockSpec((1, D), lambda i: (0, 0))],
        out_specs=pl.BlockSpec((N, 2 * D), lambda i: (0, 0)),
        out_shape=jax.ShapeDtypeStruct((N, 2 * D), _F32),
    )(parts, h2, g.reshape(1, D), b.reshape(1, D))


def _readout(h, batch2, charge2, params):
    wc, bc = params['charge']
    w1, b1 = params['pred1']
    w2, b2 = params['pred2']
    w3, b3 = params['pred3']

    def body(h_ref, batch_ref, charge_ref, wc_ref, bc_ref, w1_ref, b1_ref,
             w2_ref, b2_ref, w3_ref, b3_ref, o_ref):
        gids = lax.broadcasted_iota(jnp.int32, (1, G), 1)
        onehot = (batch_ref[...] == gids).astype(_F32)
        dn = (((0,), (0,)), ((), ()))
        sums = lax.dot_general(onehot, h_ref[:, 0:D], dn,
                               preferred_element_type=_F32)
        ones = jnp.ones((N, 1), _F32)
        counts = lax.dot_general(onehot, ones, dn,
                                 preferred_element_type=_F32)
        gmean = sums / jnp.maximum(counts, 1.0)
        cf = charge_ref[...] * wc_ref[...] + bc_ref[...]
        gg = jnp.concatenate([gmean, cf], axis=1)
        o = _sp(jnp.dot(gg, w1_ref[...], preferred_element_type=_F32)
                + b1_ref[...])
        o = _sp(jnp.dot(o, w2_ref[...], preferred_element_type=_F32)
                + b2_ref[...])
        o_ref[...] = (jnp.dot(o, w3_ref[...], preferred_element_type=_F32)
                      + b3_ref[...])

    out = pl.pallas_call(
        body,
        grid=(1,),
        in_specs=[pl.BlockSpec((N, 2 * D), lambda i: (0, 0)),
                  pl.BlockSpec((N, 1), lambda i: (0, 0)),
                  pl.BlockSpec((G, 1), lambda i: (0, 0)),
                  pl.BlockSpec((1, 16), lambda i: (0, 0)),
                  pl.BlockSpec((1, 16), lambda i: (0, 0)),
                  pl.BlockSpec((D + 16, H), lambda i: (0, 0)),
                  pl.BlockSpec((1, H), lambda i: (0, 0)),
                  pl.BlockSpec((H, H), lambda i: (0, 0)),
                  pl.BlockSpec((1, H), lambda i: (0, 0)),
                  pl.BlockSpec((H, 1), lambda i: (0, 0)),
                  pl.BlockSpec((1, 1), lambda i: (0, 0))],
        out_specs=pl.BlockSpec((G, 1), lambda i: (0, 0)),
        out_shape=jax.ShapeDtypeStruct((G, 1), _F32),
    )(h, batch2, charge2, wc, bc.reshape(1, 16), w1, b1.reshape(1, H),
      w2, b2.reshape(1, H), w3, b3.reshape(1, 1))
    return out.reshape(G)


def kernel(x, edge_index, edge_attr, batch, charge, params):
    row3 = edge_index[0].reshape(NW, NCH, CH)
    col3 = edge_index[1].reshape(NW, NCH, CH)

    wa = jnp.pad(params['atom'][0], ((0, 0), (0, D)))
    ba = jnp.pad(params['atom'][1], (0, D))
    h2 = _embed(x, wa, ba, NB)
    e = _embed(edge_attr, params['bond'][0], params['bond'][1], EB)

    for cp in params['convs']:
        t1, t2 = _node_tables(h2, cp)
        r, c = _gather2(t1, t2, row3, col3)
        e, msg = _edge_mlp(r, c, e, cp)
        parts = _scatter_add(msg, col3)
        h2 = _bn_residual(parts, h2, cp['bn_g'], cp['bn_b'])

    return _readout(h2, batch.reshape(N, 1), charge.reshape(G, 1), params)

# --- scband reference (transcript-rebuilt; emitter-appended) ---
"""Pipeline reference for scband-cgcnnpy-g-74637941670349 (READ-ONLY COPY).

The authoritative reference and input builder live on the scoring server;
editing this copy changes nothing except your own understanding.
"""

import jax, jax.numpy as jnp
import numpy as np

N = 10000
E = 320000
AF = 128
BF = 16
D = 64
H = 128
G = 64
NUM_LAYERS = 3


def _lin(key, fin, fout):
    return (0.02 * jax.random.normal(key, (fin, fout), dtype=jnp.float32),
            jnp.zeros((fout,), dtype=jnp.float32))


def _dense(p, v):
    return v @ p[0] + p[1]


def setup_inputs(seed: int = 0) -> dict:
    key = jax.random.key(seed)
    ks = jax.random.split(key, 32)
    x = jax.random.normal(ks[0], (N, AF), dtype=jnp.float32)
    edge_index = jax.random.randint(ks[1], (2, E), 0, N, dtype=jnp.int32)
    edge_attr = jax.random.normal(ks[2], (E, BF), dtype=jnp.float32)
    batch = jnp.sort(jax.random.randint(ks[3], (N,), 0, G, dtype=jnp.int32))
    charge = jax.random.uniform(ks[4], (G,), dtype=jnp.float32)
    convs = []
    ki = 5
    for _ in range(NUM_LAYERS):
        convs.append({
            'nu1': _lin(ks[ki + 0], D + D, D),
            'nu2': _lin(ks[ki + 1], D, D),
            'eu1': _lin(ks[ki + 2], 2 * D + D, D),
            'eu2': _lin(ks[ki + 3], D, D),
            'bn_g': jnp.ones((D,), dtype=jnp.float32),
            'bn_b': jnp.zeros((D,), dtype=jnp.float32),
        })
        ki += 4
    params = {
        'atom': _lin(ks[ki + 0], AF, D),
        'bond': _lin(ks[ki + 1], BF, D),
        'convs': convs,
        'charge': _lin(ks[ki + 2], 1, 16),
        'pred1': _lin(ks[ki + 3], D + 16, H),
        'pred2': _lin(ks[ki + 4], H, H),
        'pred3': _lin(ks[ki + 5], H, 1),
    }
    return {'x': x, 'edge_index': edge_index, 'edge_attr': edge_attr,
            'batch': batch, 'charge': charge, 'params': params}


def _forward(x, edge_attr, charge, params, edge_index, batch):
    h = _dense(params['atom'], x)
    e = _dense(params['bond'], edge_attr)
    row = edge_index[0]
    col = edge_index[1]
    for cp in params['convs']:
        hr = h[row]
        hc = h[col]
        edge_input = jnp.concatenate([hr, hc, e], axis=1)
        e_new = _dense(cp['eu2'], jax.nn.softplus(_dense(cp['eu1'], edge_input)))
        msg = _dense(cp['nu2'], jax.nn.softplus(_dense(cp['nu1'], jnp.concatenate([hr, e_new], axis=1))))
        h_new = jnp.zeros_like(h).at[col].add(msg)
        mean = jnp.mean(h_new, axis=0)
        var = jnp.var(h_new, axis=0)
        h_bn = (h_new - mean) / jnp.sqrt(var + 1e-5) * cp['bn_g'] + cp['bn_b']
        h = jax.nn.softplus(h_bn) + h
        e = e_new
    sums = jax.ops.segment_sum(h, batch, num_segments=G)
    counts = jax.ops.segment_sum(jnp.ones((h.shape[0], 1), dtype=h.dtype), batch, num_segments=G)
    g = sums / jnp.maximum(counts, 1.0)
    cf = _dense(params['charge'], charge.reshape(-1, 1))
    g = jnp.concatenate([g, cf], axis=1)
    o = jax.nn.softplus(_dense(params['pred1'], g))
    o = jax.nn.softplus(_dense(params['pred2'], o))
    o = _dense(params['pred3'], o)
    return o.squeeze(-1)


def reference(x, edge_index, edge_attr, batch, charge, params):
    return _forward(x, edge_attr, charge, params, edge_index, batch)

if __name__ == "__main__":
    import jax
    _d = setup_inputs()
    print(jax.jit(kernel)(*tuple(_d.values())))

</pallas_src>

<mosaic_0001>
#map = affine_map<(d0, d1) -> (0, 0)>
#map1 = affine_map<(d0, d1) -> (0, 0, 0)>
module attributes {stable_mosaic.version = 14 : i64} {
  func.func @k(%arg0: i32, %arg1: i32, %arg2: memref<10000x128xf32, #tpu.memory_space<hbm>>, %arg3: memref<10000x128xf32, #tpu.memory_space<hbm>>, %arg4: memref<32x125x80xi32, #tpu.memory_space<hbm>>, %arg5: memref<32x125x80xi32, #tpu.memory_space<hbm>>, %arg6: memref<320000x128xf32, #tpu.memory_space<hbm>>, %arg7: memref<320000x128xf32, #tpu.memory_space<hbm>>, %arg8: memref<125x80xi32, #tpu.memory_space<vmem>>, %arg9: memref<125x80xi32, #tpu.memory_space<vmem>>, %arg10: memref<80x128xf32, #tpu.memory_space<vmem>>, %arg11: memref<80x128xf32, #tpu.memory_space<vmem>>, %arg12: memref<!tpu.dma_semaphore, #tpu.memory_space<semaphore_mem>>, %arg13: memref<!tpu.dma_semaphore, #tpu.memory_space<semaphore_mem>>) attributes {dimension_semantics = [#tpu.dimension_semantics<core_parallel>, #tpu.dimension_semantics<subcore_parallel>], iteration_bounds = array<i64: 2, 16>, scalar_prefetch = 0 : i64, scratch_operands = 6 : i64, tpu.core_type = #tpu.core_type<sc_vector_subcore>, window_params = [{transform_indices = #map}, {transform_indices = #map}, {transform_indices = #map1}, {transform_indices = #map1}, {transform_indices = #map}, {transform_indices = #map}]} {
    %mul3A = arith.constant 2 : i32
    %mul3A_0 = arith.muli %arg1, %mul3A : i32
    %add3A = arith.addi %mul3A_0, %arg0 : i32
    %mul3A_1 = arith.constant 10000 : i32
    %mul3A_2 = arith.muli %add3A, %mul3A_1 : i32
    "tpu.region"() ({
      %run_scoped3A = tpu.sem_alloc : memref<!tpu.dma_semaphore, #tpu.memory_space<semaphore_mem>>
      %dma_start3A = arith.constant 0 : i32
      %dma_start3A_7 = arith.constant 0 : i32
      %dma_start3A_8 = tpu.memref_slice %arg4[%add3A, %dma_start3A, %dma_start3A_7] : memref<32x125x80xi32, #tpu.memory_space<hbm>> -> memref<1x125x80xi32, #tpu.memory_space<hbm>>
      %dma_start3A_9 = tpu.memref_squeeze %dma_start3A_8 : memref<1x125x80xi32, #tpu.memory_space<hbm>> -> memref<125x80xi32, #tpu.memory_space<hbm>>
      %dma_start3A_10 = arith.constant 0 : i32
      %dma_start3A_11 = arith.constant 0 : i32
      %dma_start3A_12 = tpu.memref_slice %arg4[%add3A, %dma_start3A_10, %dma_start3A_11] : memref<32x125x80xi32, #tpu.memory_space<hbm>> -> memref<1x125x80xi32, #tpu.memory_space<hbm>>
      %dma_start3A_13 = tpu.memref_squeeze %dma_start3A_12 : memref<1x125x80xi32, #tpu.memory_space<hbm>> -> memref<125x80xi32, #tpu.memory_space<hbm>>
      tpu.enqueue_dma source(%dma_start3A_13 : memref<125x80xi32, #tpu.memory_space<hbm>>) target(%arg8 : memref<125x80xi32, #tpu.memory_space<vmem>>) target_semaphore(%run_scoped3A : memref<!tpu.dma_semaphore, #tpu.memory_space<semaphore_mem>>)
      %dma_wait3A = arith.constant 0 : i32
      %dma_wait3A_14 = arith.constant 0 : i32
      %dma_wait3A_15 = tpu.memref_slice %arg4[%add3A, %dma_wait3A, %dma_wait3A_14] : memref<32x125x80xi32, #tpu.memory_space<hbm>> -> memref<1x125x80xi32, #tpu.memory_space<hbm>>
      %dma_wait3A_16 = tpu.memref_squeeze %dma_wait3A_15 : memref<1x125x80xi32, #tpu.memory_space<hbm>> -> memref<125x80xi32, #tpu.memory_space<hbm>>
      %dma_wait3A_17 = arith.constant 0 : i32
      %dma_wait3A_18 = arith.constant 0 : i32
      %dma_wait3A_19 = tpu.memref_slice %arg4[%add3A, %dma_wait3A_17, %dma_wait3A_18] : memref<32x125x80xi32, #tpu.memory_space<hbm>> -> memref<1x125x80xi32, #tpu.memory_space<hbm>>
      %dma_wait3A_20 = tpu.memref_squeeze %dma_wait3A_19 : memref<1x125x80xi32, #tpu.memory_space<hbm>> -> memref<125x80xi32, #tpu.memory_space<hbm>>
      tpu.wait_dma2 semaphore(%run_scoped3A : memref<!tpu.dma_semaphore, #tpu.memory_space<semaphore_mem>>) src(%dma_wait3A_20 : memref<125x80xi32, #tpu.memory_space<hbm>>) dst(%arg8 : memref<125x80xi32, #tpu.memory_space<vmem>>)
      tpu.yield
    }) : () -> ()
    "tpu.region"() ({
      %run_scoped3A = tpu.sem_alloc : memref<!tpu.dma_semaphore, #tpu.memory_space<semaphore_mem>>
      %dma_start3A = arith.constant 0 : i32
      %dma_start3A_7 = arith.constant 0 : i32
      %dma_start3A_8 = tpu.memref_slice %arg5[%add3A, %dma_start3A, %dma_start3A_7] : memref<32x125x80xi32, #tpu.memory_space<hbm>> -> memref<1x125x80xi32, #tpu.memory_space<hbm>>
      %dma_start3A_9 = tpu.memref_squeeze %dma_start3A_8 : memref<1x125x80xi32, #tpu.memory_space<hbm>> -> memref<125x80xi32, #tpu.memory_space<hbm>>
      %dma_start3A_10 = arith.constant 0 : i32
      %dma_start3A_11 = arith.constant 0 : i32
      %dma_start3A_12 = tpu.memref_slice %arg5[%add3A, %dma_start3A_10, %dma_start3A_11] : memref<32x125x80xi32, #tpu.memory_space<hbm>> -> memref<1x125x80xi32, #tpu.memory_space<hbm>>
      %dma_start3A_13 = tpu.memref_squeeze %dma_start3A_12 : memref<1x125x80xi32, #tpu.memory_space<hbm>> -> memref<125x80xi32, #tpu.memory_space<hbm>>
      tpu.enqueue_dma source(%dma_start3A_13 : memref<125x80xi32, #tpu.memory_space<hbm>>) target(%arg9 : memref<125x80xi32, #tpu.memory_space<vmem>>) target_semaphore(%run_scoped3A : memref<!tpu.dma_semaphore, #tpu.memory_space<semaphore_mem>>)
      %dma_wait3A = arith.constant 0 : i32
      %dma_wait3A_14 = arith.constant 0 : i32
      %dma_wait3A_15 = tpu.memref_slice %arg5[%add3A, %dma_wait3A, %dma_wait3A_14] : memref<32x125x80xi32, #tpu.memory_space<hbm>> -> memref<1x125x80xi32, #tpu.memory_space<hbm>>
      %dma_wait3A_16 = tpu.memref_squeeze %dma_wait3A_15 : memref<1x125x80xi32, #tpu.memory_space<hbm>> -> memref<125x80xi32, #tpu.memory_space<hbm>>
      %dma_wait3A_17 = arith.constant 0 : i32
      %dma_wait3A_18 = arith.constant 0 : i32
      %dma_wait3A_19 = tpu.memref_slice %arg5[%add3A, %dma_wait3A_17, %dma_wait3A_18] : memref<32x125x80xi32, #tpu.memory_space<hbm>> -> memref<1x125x80xi32, #tpu.memory_space<hbm>>
      %dma_wait3A_20 = tpu.memref_squeeze %dma_wait3A_19 : memref<1x125x80xi32, #tpu.memory_space<hbm>> -> memref<125x80xi32, #tpu.memory_space<hbm>>
      tpu.wait_dma2 semaphore(%run_scoped3A : memref<!tpu.dma_semaphore, #tpu.memory_space<semaphore_mem>>) src(%dma_wait3A_20 : memref<125x80xi32, #tpu.memory_space<hbm>>) dst(%arg9 : memref<125x80xi32, #tpu.memory_space<vmem>>)
      tpu.yield
    }) : () -> ()
    %scan3A = arith.constant 0 : i32
    %scan3A_3 = arith.constant 125 : i32
    %scan3A_4 = arith.addi %scan3A, %scan3A_3 : i32
    %scan3A_5 = arith.constant 1 : i32
    scf.for %scan3A_7 = %scan3A to %scan3A_4 step %scan3A_5  : i32 {
      %mul3A_8 = arith.constant 1 : i32
      %mul3A_9 = arith.muli %scan3A_7, %mul3A_8 : i32
      %add3A_10 = arith.constant 0 : i32
      %add3A_11 = arith.addi %add3A_10, %mul3A_9 : i32
      %dma_start3A = arith.constant 0 : i32
      %dma_start3A_12 = tpu.memref_slice %arg8[%add3A_11, %dma_start3A] : memref<125x80xi32, #tpu.memory_space<vmem>> -> memref<1x80xi32, #tpu.memory_space<vmem>>
      %dma_start3A_13 = tpu.memref_squeeze %dma_start3A_12 : memref<1x80xi32, #tpu.memory_space<vmem>> -> memref<80xi32, #tpu.memory_space<vmem>>
      %dma_start3A_14 = arith.constant 0 : i32
      %dma_start3A_15 = arith.constant 0 : i32
      %dma_start3A_16 = tpu.memref_slice %arg2[%dma_start3A_14, %dma_start3A_15] : memref<10000x128xf32, #tpu.memory_space<hbm>> -> memref<10000x128xf32, #tpu.memory_space<hbm>>
      tpu.enqueue_indirect_dma source(%dma_start3A_16 : memref<10000x128xf32, #tpu.memory_space<hbm>>) target(%arg10 : memref<80x128xf32, #tpu.memory_space<vmem>>) offsets(%dma_start3A_13 : memref<80xi32, #tpu.memory_space<vmem>>) semaphore(%arg12 : memref<!tpu.dma_semaphore, #tpu.memory_space<semaphore_mem>>)
      %dma_start3A_17 = arith.constant 0 : i32
      %dma_start3A_18 = tpu.memref_slice %arg9[%add3A_11, %dma_start3A_17] : memref<125x80xi32, #tpu.memory_space<vmem>> -> memref<1x80xi32, #tpu.memory_space<vmem>>
      %dma_start3A_19 = tpu.memref_squeeze %dma_start3A_18 : memref<1x80xi32, #tpu.memory_space<vmem>> -> memref<80xi32, #tpu.memory_space<vmem>>
      %dma_start3A_20 = arith.constant 0 : i32
      %dma_start3A_21 = arith.constant 0 : i32
      %dma_start3A_22 = tpu.memref_slice %arg3[%dma_start3A_20, %dma_start3A_21] : memref<10000x128xf32, #tpu.memory_space<hbm>> -> memref<10000x128xf32, #tpu.memory_space<hbm>>
      tpu.enqueue_indirect_dma source(%dma_start3A_22 : memref<10000x128xf32, #tpu.memory_space<hbm>>) target(%arg11 : memref<80x128xf32, #tpu.memory_space<vmem>>) offsets(%dma_start3A_19 : memref<80xi32, #tpu.memory_space<vmem>>) semaphore(%arg13 : memref<!tpu.dma_semaphore, #tpu.memory_space<semaphore_mem>>)
      %dma_wait3A = arith.constant 0 : i32
      %dma_wait3A_23 = tpu.memref_slice %arg8[%add3A_11, %dma_wait3A] : memref<125x80xi32, #tpu.memory_space<vmem>> -> memref<1x80xi32, #tpu.memory_space<vmem>>
      %dma_wait3A_24 = tpu.memref_squeeze %dma_wait3A_23 : memref<1x80xi32, #tpu.memory_space<vmem>> -> memref<80xi32, #tpu.memory_space<vmem>>
      %dma_wait3A_25 = arith.constant 0 : i32
      %dma_wait3A_26 = arith.constant 0 : i32
      %dma_wait3A_27 = tpu.memref_slice %arg2[%dma_wait3A_25, %dma_wait3A_26] : memref<10000x128xf32, #tpu.memory_space<hbm>> -> memref<10000x128xf32, #tpu.memory_space<hbm>>
      tpu.wait_indirect_dma semaphore(%arg12 : memref<!tpu.dma_semaphore, #tpu.memory_space<semaphore_mem>>) src(%dma_wait3A_27 : memref<10000x128xf32, #tpu.memory_space<hbm>>) dst(%arg10 : memref<80x128xf32, #tpu.memory_space<vmem>>)
      %dma_wait3A_28 = arith.constant 0 : i32
      %dma_wait3A_29 = tpu.memref_slice %arg9[%add3A_11, %dma_wait3A_28] : memref<125x80xi32, #tpu.memory_space<vmem>> -> memref<1x80xi32, #tpu.memory_space<vmem>>
      %dma_wait3A_30 = tpu.memref_squeeze %dma_wait3A_29 : memref<1x80xi32, #tpu.memory_space<vmem>> -> memref<80xi32, #tpu.memory_space<vmem>>
      %dma_wait3A_31 = arith.constant 0 : i32
      %dma_wait3A_32 = arith.constant 0 : i32
      %dma_wait3A_33 = tpu.memref_slice %arg3[%dma_wait3A_31, %dma_wait3A_32] : memref<10000x128xf32, #tpu.memory_space<hbm>> -> memref<10000x128xf32, #tpu.memory_space<hbm>>
      tpu.wait_indirect_dma semaphore(%arg13 : memref<!tpu.dma_semaphore, #tpu.memory_space<semaphore_mem>>) src(%dma_wait3A_33 : memref<10000x128xf32, #tpu.memory_space<hbm>>) dst(%arg11 : memref<80x128xf32, #tpu.memory_space<vmem>>)
      %mul3A_34 = arith.constant 80 : i32
      %mul3A_35 = arith.muli %add3A_11, %mul3A_34 : i32
      %add3A_36 = arith.addi %mul3A_2, %mul3A_35 : i32
      "tpu.region"() ({
        %run_scoped3A = tpu.sem_alloc : memref<!tpu.dma_semaphore, #tpu.memory_space<semaphore_mem>>
        %dma_start3A_37 = arith.constant 0 : i32
        %dma_start3A_38 = tpu.memref_slice %arg6[%add3A_36, %dma_start3A_37] : memref<320000x128xf32, #tpu.memory_space<hbm>> -> memref<80x128xf32, #tpu.memory_space<hbm>>
        %dma_start3A_39 = arith.constant 0 : i32
        %dma_start3A_40 = tpu.memref_slice %arg6[%add3A_36, %dma_start3A_39] : memref<320000x128xf32, #tpu.memory_space<hbm>> -> memref<80x128xf32, #tpu.memory_space<hbm>>
        tpu.enqueue_dma source(%arg10 : memref<80x128xf32, #tpu.memory_space<vmem>>) target(%dma_start3A_40 : memref<80x128xf32, #tpu.memory_space<hbm>>) target_semaphore(%run_scoped3A : memref<!tpu.dma_semaphore, #tpu.memory_space<semaphore_mem>>)
        %dma_wait3A_41 = arith.constant 0 : i32
        %dma_wait3A_42 = tpu.memref_slice %arg6[%add3A_36, %dma_wait3A_41] : memref<320000x128xf32, #tpu.memory_space<hbm>> -> memref<80x128xf32, #tpu.memory_space<hbm>>
        %dma_wait3A_43 = arith.constant 0 : i32
        %dma_wait3A_44 = tpu.memref_slice %arg6[%add3A_36, %dma_wait3A_43] : memref<320000x128xf32, #tpu.memory_space<hbm>> -> memref<80x128xf32, #tpu.memory_space<hbm>>
        tpu.wait_dma2 semaphore(%run_scoped3A : memref<!tpu.dma_semaphore, #tpu.memory_space<semaphore_mem>>) src(%arg10 : memref<80x128xf32, #tpu.memory_space<vmem>>) dst(%dma_wait3A_44 : memref<80x128xf32, #tpu.memory_space<hbm>>)
        tpu.yield
      }) : () -> ()
      "tpu.region"() ({
        %run_scoped3A = tpu.sem_alloc : memref<!tpu.dma_semaphore, #tpu.memory_space<semaphore_mem>>
        %dma_start3A_37 = arith.constant 0 : i32
        %dma_start3A_38 = tpu.memref_slice %arg7[%add3A_36, %dma_start3A_37] : memref<320000x128xf32, #tpu.memory_space<hbm>> -> memref<80x128xf32, #tpu.memory_space<hbm>>
        %dma_start3A_39 = arith.constant 0 : i32
        %dma_start3A_40 = tpu.memref_slice %arg7[%add3A_36, %dma_start3A_39] : memref<320000x128xf32, #tpu.memory_space<hbm>> -> memref<80x128xf32, #tpu.memory_space<hbm>>
        tpu.enqueue_dma source(%arg11 : memref<80x128xf32, #tpu.memory_space<vmem>>) target(%dma_start3A_40 : memref<80x128xf32, #tpu.memory_space<hbm>>) target_semaphore(%run_scoped3A : memref<!tpu.dma_semaphore, #tpu.memory_space<semaphore_mem>>)
        %dma_wait3A_41 = arith.constant 0 : i32
        %dma_wait3A_42 = tpu.memref_slice %arg7[%add3A_36, %dma_wait3A_41] : memref<320000x128xf32, #tpu.memory_space<hbm>> -> memref<80x128xf32, #tpu.memory_space<hbm>>
        %dma_wait3A_43 = arith.constant 0 : i32
        %dma_wait3A_44 = tpu.memref_slice %arg7[%add3A_36, %dma_wait3A_43] : memref<320000x128xf32, #tpu.memory_space<hbm>> -> memref<80x128xf32, #tpu.memory_space<hbm>>
        tpu.wait_dma2 semaphore(%run_scoped3A : memref<!tpu.dma_semaphore, #tpu.memory_space<semaphore_mem>>) src(%arg11 : memref<80x128xf32, #tpu.memory_space<vmem>>) dst(%dma_wait3A_44 : memref<80x128xf32, #tpu.memory_space<hbm>>)
        tpu.yield
      }) : () -> ()
    }
    %scan3A_6 = arith.constant 125 : i32
    return
  }
}

#map = affine_map<(d0, d1) -> (0, 0)>
#map1 = affine_map<(d0, d1) -> (0, 0, 0)>
module attributes {stable_mosaic.version = 14 : i64} {
  func.func @k(%arg0: i32, %arg1: i32, %arg2: memref<320000x64xf32, #tpu.memory_space<hbm>>, %arg3: memref<32x125x80xi32, #tpu.memory_space<hbm>>, %arg4: memref<2x10000x64xf32, #tpu.memory_space<hbm>>, %arg5: memref<125x80xi32, #tpu.memory_space<vmem>>, %arg6: memref<80x64xf32, #tpu.memory_space<vmem>>, %arg7: memref<104x64xf32, #tpu.memory_space<vmem>>, %arg8: memref<10000x64xf32, #tpu.memory_space<vmem_shared>>) attributes {dimension_semantics = [#tpu.dimension_semantics<core_parallel>, #tpu.dimension_semantics<subcore_parallel>], iteration_bounds = array<i64: 2, 16>, scalar_prefetch = 0 : i64, scratch_operands = 4 : i64, tpu.core_type = #tpu.core_type<sc_vector_subcore>, window_params = [{transform_indices = #map}, {transform_indices = #map1}, {transform_indices = #map1}]} {
    %scan3A = arith.constant 0 : i32
    %scan3A_0 = arith.constant 104 : i32
    %scan3A_1 = arith.addi %scan3A, %scan3A_0 : i32
    %scan3A_2 = arith.constant 1 : i32
    scf.for %scan3A_27 = %scan3A to %scan3A_1 step %scan3A_2  : i32 {
      %mul3A_28 = arith.constant 1 : i32
      %mul3A_29 = arith.muli %scan3A_27, %mul3A_28 : i32
      %add3A_30 = arith.constant 0 : i32
      %add3A_31 = arith.addi %add3A_30, %mul3A_29 : i32
      %scan3A_32 = arith.constant 0 : i32
      %scan3A_33 = arith.constant 4 : i32
      %scan3A_34 = arith.addi %scan3A_32, %scan3A_33 : i32
      %scan3A_35 = arith.constant 1 : i32
      scf.for %scan3A_37 = %scan3A_32 to %scan3A_34 step %scan3A_35  : i32 {
        %mul3A_38 = arith.constant 16 : i32
        %mul3A_39 = arith.muli %scan3A_37, %mul3A_38 : i32
        %add3A_40 = arith.constant 0 : i32
        %add3A_41 = arith.addi %add3A_40, %mul3A_39 : i32
        %broadcast_in_dim3A = arith.constant 0.000000e+00 : f32
        %broadcast_in_dim3A_42 = vector.broadcast %broadcast_in_dim3A : f32 to vector<16xf32>
        %swap3A = arith.index_cast %add3A_31 : i32 to index
        %swap3A_43 = arith.index_cast %add3A_41 : i32 to index
        %swap3A_44 = tpu.vector_load %arg7[%swap3A, %swap3A_43] {strides = array<i32>} : memref<104x64xf32, #tpu.memory_space<vmem>>, vector<1x16xf32>,
        %swap3A_45 = vector.shape_cast %swap3A_44 : vector<1x16xf32> to vector<16xf32>
        %swap3A_46 = vector.shape_cast %broadcast_in_dim3A_42 : vector<16xf32> to vector<1x16xf32>
        tpu.vector_store %arg7[%swap3A, %swap3A_43], %swap3A_46 {strides = array<i32>} : memref<104x64xf32, #tpu.memory_space<vmem>>, vector<1x16xf32>,
      }
      %scan3A_36 = arith.constant 4 : i32
    }
    %scan3A_3 = arith.constant 104 : i32
    %scan3A_4 = arith.constant 0 : i32
    %scan3A_5 = arith.constant 6 : i32
    %scan3A_6 = arith.addi %scan3A_4, %scan3A_5 : i32
    %scan3A_7 = arith.constant 1 : i32
    scf.for %scan3A_27 = %scan3A_4 to %scan3A_6 step %scan3A_7  : i32 {
      %mul3A_28 = arith.constant 1 : i32
      %mul3A_29 = arith.muli %scan3A_27, %mul3A_28 : i32
      %add3A_30 = arith.constant 0 : i32
      %add3A_31 = arith.addi %add3A_30, %mul3A_29 : i32
      %mul3A_32 = arith.constant 624 : i32
      %mul3A_33 = arith.muli %arg1, %mul3A_32 : i32
      %mul3A_34 = arith.constant 104 : i32
      %mul3A_35 = arith.muli %add3A_31, %mul3A_34 : i32
      %add3A_36 = arith.addi %mul3A_33, %mul3A_35 : i32
      "tpu.region"() ({
        %run_scoped3A = tpu.sem_alloc : memref<!tpu.dma_semaphore, #tpu.memory_space<semaphore_mem>>
        %dma_start3A = arith.constant 0 : i32
        %dma_start3A_37 = tpu.memref_slice %arg8[%add3A_36, %dma_start3A] : memref<10000x64xf32, #tpu.memory_space<vmem_shared>> -> memref<104x64xf32, #tpu.memory_space<vmem_shared>>
        %dma_start3A_38 = arith.constant 0 : i32
        %dma_start3A_39 = tpu.memref_slice %arg8[%add3A_36, %dma_start3A_38] : memref<10000x64xf32, #tpu.memory_space<vmem_shared>> -> memref<104x64xf32, #tpu.memory_space<vmem_shared>>
        tpu.enqueue_dma source(%arg7 : memref<104x64xf32, #tpu.memory_space<vmem>>) target(%dma_start3A_39 : memref<104x64xf32, #tpu.memory_space<vmem_shared>>) target_semaphore(%run_scoped3A : memref<!tpu.dma_semaphore, #tpu.memory_space<semaphore_mem>>)
        %dma_wait3A = arith.constant 0 : i32
        %dma_wait3A_40 = tpu.memref_slice %arg8[%add3A_36, %dma_wait3A] : memref<10000x64xf32, #tpu.memory_space<vmem_shared>> -> memref<104x64xf32, #tpu.memory_space<vmem_shared>>
        %dma_wait3A_41 = arith.constant 0 : i32
        %dma_wait3A_42 = tpu.memref_slice %arg8[%add3A_36, %dma_wait3A_41] : memref<10000x64xf32, #tpu.memory_space<vmem_shared>> -> memref<104x64xf32, #tpu.memory_space<vmem_shared>>
        tpu.wait_dma2 semaphore(%run_scoped3A : memref<!tpu.dma_semaphore, #tpu.memory_space<semaphore_mem>>) src(%arg7 : memref<104x64xf32, #tpu.memory_space<vmem>>) dst(%dma_wait3A_42 : memref<104x64xf32, #tpu.memory_space<vmem_shared>>)
        tpu.yield
      }) : () -> ()
    }
    %scan3A_8 = arith.constant 6 : i32
    %eq3A = arith.constant 0 : i32
    %eq3A_9 = arith.cmpi eq, %arg1, %eq3A : i32
    %convert_element_type3A = arith.extui %eq3A_9 : i1 to i32
    %cond3A = arith.constant 0 : i32
    %cond3A_10 = arith.cmpi ne, %convert_element_type3A, %cond3A : i32
    scf.if %cond3A_10 {
      "tpu.region"() ({
        %run_scoped3A = tpu.sem_alloc : memref<!tpu.dma_semaphore, #tpu.memory_space<semaphore_mem>>
        %dma_start3A = arith.constant 0 : i32
        %dma_start3A_27 = arith.constant 0 : i32
        %dma_start3A_28 = tpu.memref_slice %arg7[%dma_start3A, %dma_start3A_27] : memref<104x64xf32, #tpu.memory_space<vmem>> -> memref<16x64xf32, #tpu.memory_space<vmem>>
        %dma_start3A_29 = arith.constant 9984 : i32
        %dma_start3A_30 = arith.constant 0 : i32
        %dma_start3A_31 = tpu.memref_slice %arg8[%dma_start3A_29, %dma_start3A_30] : memref<10000x64xf32, #tpu.memory_space<vmem_shared>> -> memref<16x64xf32, #tpu.memory_space<vmem_shared>>
        %dma_start3A_32 = arith.constant 9984 : i32
        %dma_start3A_33 = arith.constant 0 : i32
        %dma_start3A_34 = tpu.memref_slice %arg8[%dma_start3A_32, %dma_start3A_33] : memref<10000x64xf32, #tpu.memory_space<vmem_shared>> -> memref<16x64xf32, #tpu.memory_space<vmem_shared>>
        %dma_start3A_35 = arith.constant 0 : i32
        %dma_start3A_36 = arith.constant 0 : i32
        %dma_start3A_37 = tpu.memref_slice %arg7[%dma_start3A_35, %dma_start3A_36] : memref<104x64xf32, #tpu.memory_space<vmem>> -> memref<16x64xf32, #tpu.memory_space<vmem>>
        tpu.enqueue_dma source(%dma_start3A_37 : memref<16x64xf32, #tpu.memory_space<vmem>>) target(%dma_start3A_34 : memref<16x64xf32, #tpu.memory_space<vmem_shared>>) target_semaphore(%run_scoped3A : memref<!tpu.dma_semaphore, #tpu.memory_space<semaphore_mem>>)
        %dma_wait3A = arith.constant 0 : i32
        %dma_wait3A_38 = arith.constant 0 : i32
        %dma_wait3A_39 = tpu.memref_slice %arg7[%dma_wait3A, %dma_wait3A_38] : memref<104x64xf32, #tpu.memory_space<vmem>> -> memref<16x64xf32, #tpu.memory_space<vmem>>
        %dma_wait3A_40 = arith.constant 9984 : i32
        %dma_wait3A_41 = arith.constant 0 : i32
        %dma_wait3A_42 = tpu.memref_slice %arg8[%dma_wait3A_40, %dma_wait3A_41] : memref<10000x64xf32, #tpu.memory_space<vmem_shared>> -> memref<16x64xf32, #tpu.memory_space<vmem_shared>>
        %dma_wait3A_43 = arith.constant 9984 : i32
        %dma_wait3A_44 = arith.constant 0 : i32
        %dma_wait3A_45 = tpu.memref_slice %arg8[%dma_wait3A_43, %dma_wait3A_44] : memref<10000x64xf32, #tpu.memory_space<vmem_shared>> -> memref<16x64xf32, #tpu.memory_space<vmem_shared>>
        %dma_wait3A_46 = arith.constant 0 : i32
        %dma_wait3A_47 = arith.constant 0 : i32
        %dma_wait3A_48 = tpu.memref_slice %arg7[%dma_wait3A_46, %dma_wait3A_47] : memref<104x64xf32, #tpu.memory_space<vmem>> -> memref<16x64xf32, #tpu.memory_space<vmem>>
        tpu.wait_dma2 semaphore(%run_scoped3A : memref<!tpu.dma_semaphore, #tpu.memory_space<semaphore_mem>>) src(%dma_wait3A_48 : memref<16x64xf32, #tpu.memory_space<vmem>>) dst(%dma_wait3A_45 : memref<16x64xf32, #tpu.memory_space<vmem_shared>>)
        tpu.yield
      }) : () -> ()
    } else {
    }
    %barrier3A = arith.constant 0 : index
    tpu.barrier barrier_id(%barrier3A)
    %mul3A = arith.constant 2 : i32
    %mul3A_11 = arith.muli %arg1, %mul3A : i32
    %add3A = arith.addi %mul3A_11, %arg0 : i32
    "tpu.region"() ({
      %run_scoped3A = tpu.sem_alloc : memref<!tpu.dma_semaphore, #tpu.memory_space<semaphore_mem>>
      %dma_start3A = arith.constant 0 : i32
      %dma_start3A_27 = arith.constant 0 : i32
      %dma_start3A_28 = tpu.memref_slice %arg3[%add3A, %dma_start3A, %dma_start3A_27] : memref<32x125x80xi32, #tpu.memory_space<hbm>> -> memref<1x125x80xi32, #tpu.memory_space<hbm>>
      %dma_start3A_29 = tpu.memref_squeeze %dma_start3A_28 : memref<1x125x80xi32, #tpu.memory_space<hbm>> -> memref<125x80xi32, #tpu.memory_space<hbm>>
      %dma_start3A_30 = arith.constant 0 : i32
      %dma_start3A_31 = arith.constant 0 : i32
      %dma_start3A_32 = tpu.memref_slice %arg3[%add3A, %dma_start3A_30, %dma_start3A_31] : memref<32x125x80xi32, #tpu.memory_space<hbm>> -> memref<1x125x80xi32, #tpu.memory_space<hbm>>
      %dma_start3A_33 = tpu.memref_squeeze %dma_start3A_32 : memref<1x125x80xi32, #tpu.memory_space<hbm>> -> memref<125x80xi32, #tpu.memory_space<hbm>>
      tpu.enqueue_dma source(%dma_start3A_33 : memref<125x80xi32, #tpu.memory_space<hbm>>) target(%arg5 : memref<125x80xi32, #tpu.memory_space<vmem>>) target_semaphore(%run_scoped3A : memref<!tpu.dma_semaphore, #tpu.memory_space<semaphore_mem>>)
      %dma_wait3A = arith.constant 0 : i32
      %dma_wait3A_34 = arith.constant 0 : i32
      %dma_wait3A_35 = tpu.memref_slice %arg3[%add3A, %dma_wait3A, %dma_wait3A_34] : memref<32x125x80xi32, #tpu.memory_space<hbm>> -> memref<1x125x80xi32, #tpu.memory_space<hbm>>
      %dma_wait3A_36 = tpu.memref_squeeze %dma_wait3A_35 : memref<1x125x80xi32, #tpu.memory_space<hbm>> -> memref<125x80xi32, #tpu.memory_space<hbm>>
      %dma_wait3A_37 = arith.constant 0 : i32
      %dma_wait3A_38 = arith.constant 0 : i32
      %dma_wait3A_39 = tpu.memref_slice %arg3[%add3A, %dma_wait3A_37, %dma_wait3A_38] : memref<32x125x80xi32, #tpu.memory_space<hbm>> -> memref<1x125x80xi32, #tpu.memory_space<hbm>>
      %dma_wait3A_40 = tpu.memref_squeeze %dma_wait3A_39 : memref<1x125x80xi32, #tpu.memory_space<hbm>> -> memref<125x80xi32, #tpu.memory_space<hbm>>
      tpu.wait_dma2 semaphore(%run_scoped3A : memref<!tpu.dma_semaphore, #tpu.memory_space<semaphore_mem>>) src(%dma_wait3A_40 : memref<125x80xi32, #tpu.memory_space<hbm>>) dst(%arg5 : memref<125x80xi32, #tpu.memory_space<vmem>>)
      tpu.yield
    }) : () -> ()
    %scan3A_12 = arith.constant 0 : i32
    %scan3A_13 = arith.constant 125 : i32
    %scan3A_14 = arith.addi %scan3A_12, %scan3A_13 : i32
    %scan3A_15 = arith.constant 1 : i32
    scf.for %scan3A_27 = %scan3A_12 to %scan3A_14 step %scan3A_15  : i32 {
      %mul3A_28 = arith.constant 1 : i32
      %mul3A_29 = arith.muli %scan3A_27, %mul3A_28 : i32
      %add3A_30 = arith.constant 0 : i32
      %add3A_31 = arith.addi %add3A_30, %mul3A_29 : i32
      %mul3A_32 = arith.constant 10000 : i32
      %mul3A_33 = arith.muli %add3A, %mul3A_32 : i32
      %mul3A_34 = arith.constant 80 : i32
      %mul3A_35 = arith.muli %add3A_31, %mul3A_34 : i32
      %add3A_36 = arith.addi %mul3A_33, %mul3A_35 : i32
      "tpu.region"() ({
        %run_scoped3A = tpu.sem_alloc : memref<!tpu.dma_semaphore, #tpu.memory_space<semaphore_mem>>
        %dma_start3A = arith.constant 0 : i32
        %dma_start3A_37 = tpu.memref_slice %arg2[%add3A_36, %dma_start3A] : memref<320000x64xf32, #tpu.memory_space<hbm>> -> memref<80x64xf32, #tpu.memory_space<hbm>>
        %dma_start3A_38 = arith.constant 0 : i32
        %dma_start3A_39 = tpu.memref_slice %arg2[%add3A_36, %dma_start3A_38] : memref<320000x64xf32, #tpu.memory_space<hbm>> -> memref<80x64xf32, #tpu.memory_space<hbm>>
        tpu.enqueue_dma source(%dma_start3A_39 : memref<80x64xf32, #tpu.memory_space<hbm>>) target(%arg6 : memref<80x64xf32, #tpu.memory_space<vmem>>) target_semaphore(%run_scoped3A : memref<!tpu.dma_semaphore, #tpu.memory_space<semaphore_mem>>)
        %dma_wait3A = arith.constant 0 : i32
        %dma_wait3A_40 = tpu.memref_slice %arg2[%add3A_36, %dma_wait3A] : memref<320000x64xf32, #tpu.memory_space<hbm>> -> memref<80x64xf32, #tpu.memory_space<hbm>>
        %dma_wait3A_41 = arith.constant 0 : i32
        %dma_wait3A_42 = tpu.memref_slice %arg2[%add3A_36, %dma_wait3A_41] : memref<320000x64xf32, #tpu.memory_space<hbm>> -> memref<80x64xf32, #tpu.memory_space<hbm>>
        tpu.wait_dma2 semaphore(%run_scoped3A : memref<!tpu.dma_semaphore, #tpu.memory_space<semaphore_mem>>) src(%dma_wait3A_42 : memref<80x64xf32, #tpu.memory_space<hbm>>) dst(%arg6 : memref<80x64xf32, #tpu.memory_space<vmem>>)
        tpu.yield
      }) : () -> ()
      "tpu.region"() ({
        %run_scoped3A = tpu.sem_alloc : memref<!tpu.dma_semaphore, #tpu.memory_space<semaphore_mem>>
        %dma_start3A = arith.constant 0 : i32
        %dma_start3A_37 = tpu.memref_slice %arg5[%add3A_31, %dma_start3A] : memref<125x80xi32, #tpu.memory_space<vmem>> -> memref<1x80xi32, #tpu.memory_space<vmem>>
        %dma_start3A_38 = tpu.memref_squeeze %dma_start3A_37 : memref<1x80xi32, #tpu.memory_space<vmem>> -> memref<80xi32, #tpu.memory_space<vmem>>
        %dma_start3A_39 = arith.constant 0 : i32
        %dma_start3A_40 = arith.constant 0 : i32
        %dma_start3A_41 = tpu.memref_slice %arg8[%dma_start3A_39, %dma_start3A_40] : memref<10000x64xf32, #tpu.memory_space<vmem_shared>> -> memref<10000x64xf32, #tpu.memory_space<vmem_shared>>
        tpu.enqueue_indirect_dma source(%arg6 : memref<80x64xf32, #tpu.memory_space<vmem>>) target(%dma_start3A_41 : memref<10000x64xf32, #tpu.memory_space<vmem_shared>>) offsets(%dma_start3A_38 : memref<80xi32, #tpu.memory_space<vmem>>) semaphore(%run_scoped3A : memref<!tpu.dma_semaphore, #tpu.memory_space<semaphore_mem>>) {add = true}
        %dma_wait3A = arith.constant 0 : i32
        %dma_wait3A_42 = tpu.memref_slice %arg5[%add3A_31, %dma_wait3A] : memref<125x80xi32, #tpu.memory_space<vmem>> -> memref<1x80xi32, #tpu.memory_space<vmem>>
        %dma_wait3A_43 = tpu.memref_squeeze %dma_wait3A_42 : memref<1x80xi32, #tpu.memory_space<vmem>> -> memref<80xi32, #tpu.memory_space<vmem>>
        %dma_wait3A_44 = arith.constant 0 : i32
        %dma_wait3A_45 = arith.constant 0 : i32
        %dma_wait3A_46 = tpu.memref_slice %arg8[%dma_wait3A_44, %dma_wait3A_45] : memref<10000x64xf32, #tpu.memory_space<vmem_shared>> -> memref<10000x64xf32, #tpu.memory_space<vmem_shared>>
        tpu.wait_indirect_dma semaphore(%run_scoped3A : memref<!tpu.dma_semaphore, #tpu.memory_space<semaphore_mem>>) src(%arg6 : memref<80x64xf32, #tpu.memory_space<vmem>>) dst(%dma_wait3A_46 : memref<10000x64xf32, #tpu.memory_space<vmem_shared>>)
        tpu.yield
      }) : () -> ()
    }
    %scan3A_16 = arith.constant 125 : i32
    %barrier3A_17 = arith.constant 0 : index
    tpu.barrier barrier_id(%barrier3A_17)
    %mul3A_18 = arith.constant 624 : i32
    %mul3A_19 = arith.muli %arg1, %mul3A_18 : i32
    %mul3A_20 = arith.constant 624 : i32
    %mul3A_21 = arith.muli %arg1, %mul3A_20 : i32
    "tpu.region"() ({
      %run_scoped3A = tpu.sem_alloc : memref<!tpu.dma_semaphore, #tpu.memory_space<semaphore_mem>>
      %dma_start3A = arith.constant 0 : i32
      %dma_start3A_27 = tpu.memref_slice %arg4[%arg0, %mul3A_21, %dma_start3A] : memref<2x10000x64xf32, #tpu.memory_space<hbm>> -> memref<1x624x64xf32, #tpu.memory_space<hbm>>
      %dma_start3A_28 = tpu.memref_squeeze %dma_start3A_27 : memref<1x624x64xf32, #tpu.memory_space<hbm>> -> memref<624x64xf32, #tpu.memory_space<hbm>>
      %dma_start3A_29 = arith.constant 0 : i32
      %dma_start3A_30 = tpu.memref_slice %arg8[%mul3A_19, %dma_start3A_29] : memref<10000x64xf32, #tpu.memory_space<vmem_shared>> -> memref<624x64xf32, #tpu.memory_space<vmem_shared>>
      tpu.enqueue_dma source(%dma_start3A_30 : memref<624x64xf32, #tpu.memory_space<vmem_shared>>) target(%dma_start3A_28 : memref<624x64xf32, #tpu.memory_space<hbm>>) target_semaphore(%run_scoped3A : memref<!tpu.dma_semaphore, #tpu.memory_space<semaphore_mem>>)
      %dma_wait3A = arith.constant 0 : i32
      %dma_wait3A_31 = tpu.memref_slice %arg4[%arg0, %mul3A_21, %dma_wait3A] : memref<2x10000x64xf32, #tpu.memory_space<hbm>> -> memref<1x624x64xf32, #tpu.memory_space<hbm>>
      %dma_wait3A_32 = tpu.memref_squeeze %dma_wait3A_31 : memref<1x624x64xf32, #tpu.memory_space<hbm>> -> memref<624x64xf32, #tpu.memory_space<hbm>>
      %dma_wait3A_33 = arith.constant 0 : i32
      %dma_wait3A_34 = tpu.memref_slice %arg8[%mul3A_19, %dma_wait3A_33] : memref<10000x64xf32, #tpu.memory_space<vmem_shared>> -> memref<624x64xf32, #tpu.memory_space<vmem_shared>>
      tpu.wait_dma2 semaphore(%run_scoped3A : memref<!tpu.dma_semaphore, #tpu.memory_space<semaphore_mem>>) src(%dma_wait3A_34 : memref<624x64xf32, #tpu.memory_space<vmem_shared>>) dst(%dma_wait3A_32 : memref<624x64xf32, #tpu.memory_space<hbm>>)
      tpu.yield
    }) : () -> ()
    %eq3A_22 = arith.constant 0 : i32
    %eq3A_23 = arith.cmpi eq, %arg1, %eq3A_22 : i32
    %convert_element_type3A_24 = arith.extui %eq3A_23 : i1 to i32
    %cond3A_25 = arith.constant 0 : i32
    %cond3A_26 = arith.cmpi ne, %convert_element_type3A_24, %cond3A_25 : i32
    scf.if %cond3A_26 {
      "tpu.region"() ({
        %run_scoped3A = tpu.sem_alloc : memref<!tpu.dma_semaphore, #tpu.memory_space<semaphore_mem>>
        %dma_start3A = arith.constant 9984 : i32
        %dma_start3A_27 = arith.constant 0 : i32
        %dma_start3A_28 = tpu.memref_slice %arg4[%arg0, %dma_start3A, %dma_start3A_27] : memref<2x10000x64xf32, #tpu.memory_space<hbm>> -> memref<1x16x64xf32, #tpu.memory_space<hbm>>
        %dma_start3A_29 = tpu.memref_squeeze %dma_start3A_28 : memref<1x16x64xf32, #tpu.memory_space<hbm>> -> memref<16x64xf32, #tpu.memory_space<hbm>>
        %dma_start3A_30 = arith.constant 9984 : i32
        %dma_start3A_31 = arith.constant 0 : i32
        %dma_start3A_32 = tpu.memref_slice %arg8[%dma_start3A_30, %dma_start3A_31] : memref<10000x64xf32, #tpu.memory_space<vmem_shared>> -> memref<16x64xf32, #tpu.memory_space<vmem_shared>>
        tpu.enqueue_dma source(%dma_start3A_32 : memref<16x64xf32, #tpu.memory_space<vmem_shared>>) target(%dma_start3A_29 : memref<16x64xf32, #tpu.memory_space<hbm>>) target_semaphore(%run_scoped3A : memref<!tpu.dma_semaphore, #tpu.memory_space<semaphore_mem>>)
        %dma_wait3A = arith.constant 9984 : i32
        %dma_wait3A_33 = arith.constant 0 : i32
        %dma_wait3A_34 = tpu.memref_slice %arg4[%arg0, %dma_wait3A, %dma_wait3A_33] : memref<2x10000x64xf32, #tpu.memory_space<hbm>> -> memref<1x16x64xf32, #tpu.memory_space<hbm>>
        %dma_wait3A_35 = tpu.memref_squeeze %dma_wait3A_34 : memref<1x16x64xf32, #tpu.memory_space<hbm>> -> memref<16x64xf32, #tpu.memory_space<hbm>>
        %dma_wait3A_36 = arith.constant 9984 : i32
        %dma_wait3A_37 = arith.constant 0 : i32
        %dma_wait3A_38 = tpu.memref_slice %arg8[%dma_wait3A_36, %dma_wait3A_37] : memref<10000x64xf32, #tpu.memory_space<vmem_shared>> -> memref<16x64xf32, #tpu.memory_space<vmem_shared>>
        tpu.wait_dma2 semaphore(%run_scoped3A : memref<!tpu.dma_semaphore, #tpu.memory_space<semaphore_mem>>) src(%dma_wait3A_38 : memref<16x64xf32, #tpu.memory_space<vmem_shared>>) dst(%dma_wait3A_35 : memref<16x64xf32, #tpu.memory_space<hbm>>)
        tpu.yield
      }) : () -> ()
    } else {
    }
    return
  }
}

#map = affine_map<(d0, d1) -> (0, 0)>
#map1 = affine_map<(d0, d1) -> (0, 0, 0)>
module attributes {stable_mosaic.version = 14 : i64} {
  func.func @k(%arg0: i32, %arg1: i32, %arg2: memref<320000x64xf32, #tpu.memory_space<hbm>>, %arg3: memref<32x125x80xi32, #tpu.memory_space<hbm>>, %arg4: memref<2x10000x64xf32, #tpu.memory_space<hbm>>, %arg5: memref<125x80xi32, #tpu.memory_space<vmem>>, %arg6: memref<80x64xf32, #tpu.memory_space<vmem>>, %arg7: memref<104x64xf32, #tpu.memory_space<vmem>>, %arg8: memref<10000x64xf32, #tpu.memory_space<vmem_shared>>) attributes {dimension_semantics = [#tpu.dimension_semantics<core_parallel>, #tpu.dimension_semantics<subcore_parallel>], iteration_bounds = array<i64: 2, 16>, scalar_prefetch = 0 : i64, scratch_operands = 4 : i64, tpu.core_type = #tpu.core_type<sc_vector_subcore>, window_params = [{transform_indices = #map}, {transform_indices = #map1}, {transform_indices = #map1}]} {
    %scan3A = arith.constant 0 : i32
    %scan3A_0 = arith.constant 104 : i32
    %scan3A_1 = arith.addi %scan3A, %scan3A_0 : i32
    %scan3A_2 = arith.constant 1 : i32
    scf.for %scan3A_27 = %scan3A to %scan3A_1 step %scan3A_2  : i32 {
      %mul3A_28 = arith.constant 1 : i32
      %mul3A_29 = arith.muli %scan3A_27, %mul3A_28 : i32
      %add3A_30 = arith.constant 0 : i32
      %add3A_31 = arith.addi %add3A_30, %mul3A_29 : i32
      %scan3A_32 = arith.constant 0 : i32
      %scan3A_33 = arith.constant 4 : i32
      %scan3A_34 = arith.addi %scan3A_32, %scan3A_33 : i32
      %scan3A_35 = arith.constant 1 : i32
      scf.for %scan3A_37 = %scan3A_32 to %scan3A_34 step %scan3A_35  : i32 {
        %mul3A_38 = arith.constant 16 : i32
        %mul3A_39 = arith.muli %scan3A_37, %mul3A_38 : i32
        %add3A_40 = arith.constant 0 : i32
        %add3A_41 = arith.addi %add3A_40, %mul3A_39 : i32
        %broadcast_in_dim3A = arith.constant 0.000000e+00 : f32
        %broadcast_in_dim3A_42 = vector.broadcast %broadcast_in_dim3A : f32 to vector<16xf32>
        %swap3A = arith.index_cast %add3A_31 : i32 to index
        %swap3A_43 = arith.index_cast %add3A_41 : i32 to index
        %swap3A_44 = tpu.vector_load %arg7[%swap3A, %swap3A_43] {strides = array<i32>} : memref<104x64xf32, #tpu.memory_space<vmem>>, vector<1x16xf32>,
        %swap3A_45 = vector.shape_cast %swap3A_44 : vector<1x16xf32> to vector<16xf32>
        %swap3A_46 = vector.shape_cast %broadcast_in_dim3A_42 : vector<16xf32> to vector<1x16xf32>
        tpu.vector_store %arg7[%swap3A, %swap3A_43], %swap3A_46 {strides = array<i32>} : memref<104x64xf32, #tpu.memory_space<vmem>>, vector<1x16xf32>,
      }
      %scan3A_36 = arith.constant 4 : i32
    }
    %scan3A_3 = arith.constant 104 : i32
    %scan3A_4 = arith.constant 0 : i32
    %scan3A_5 = arith.constant 6 : i32
    %scan3A_6 = arith.addi %scan3A_4, %scan3A_5 : i32
    %scan3A_7 = arith.constant 1 : i32
    scf.for %scan3A_27 = %scan3A_4 to %scan3A_6 step %scan3A_7  : i32 {
      %mul3A_28 = arith.constant 1 : i32
      %mul3A_29 = arith.muli %scan3A_27, %mul3A_28 : i32
      %add3A_30 = arith.constant 0 : i32
      %add3A_31 = arith.addi %add3A_30, %mul3A_29 : i32
      %mul3A_32 = arith.constant 624 : i32
      %mul3A_33 = arith.muli %arg1, %mul3A_32 : i32
      %mul3A_34 = arith.constant 104 : i32
      %mul3A_35 = arith.muli %add3A_31, %mul3A_34 : i32
      %add3A_36 = arith.addi %mul3A_33, %mul3A_35 : i32
      "tpu.region"() ({
        %run_scoped3A = tpu.sem_alloc : memref<!tpu.dma_semaphore, #tpu.memory_space<semaphore_mem>>
        %dma_start3A = arith.constant 0 : i32
        %dma_start3A_37 = tpu.memref_slice %arg8[%add3A_36, %dma_start3A] : memref<10000x64xf32, #tpu.memory_space<vmem_shared>> -> memref<104x64xf32, #tpu.memory_space<vmem_shared>>
        %dma_start3A_38 = arith.constant 0 : i32
        %dma_start3A_39 = tpu.memref_slice %arg8[%add3A_36, %dma_start3A_38] : memref<10000x64xf32, #tpu.memory_space<vmem_shared>> -> memref<104x64xf32, #tpu.memory_space<vmem_shared>>
        tpu.enqueue_dma source(%arg7 : memref<104x64xf32, #tpu.memory_space<vmem>>) target(%dma_start3A_39 : memref<104x64xf32, #tpu.memory_space<vmem_shared>>) target_semaphore(%run_scoped3A : memref<!tpu.dma_semaphore, #tpu.memory_space<semaphore_mem>>)
        %dma_wait3A = arith.constant 0 : i32
        %dma_wait3A_40 = tpu.memref_slice %arg8[%add3A_36, %dma_wait3A] : memref<10000x64xf32, #tpu.memory_space<vmem_shared>> -> memref<104x64xf32, #tpu.memory_space<vmem_shared>>
        %dma_wait3A_41 = arith.constant 0 : i32
        %dma_wait3A_42 = tpu.memref_slice %arg8[%add3A_36, %dma_wait3A_41] : memref<10000x64xf32, #tpu.memory_space<vmem_shared>> -> memref<104x64xf32, #tpu.memory_space<vmem_shared>>
        tpu.wait_dma2 semaphore(%run_scoped3A : memref<!tpu.dma_semaphore, #tpu.memory_space<semaphore_mem>>) src(%arg7 : memref<104x64xf32, #tpu.memory_space<vmem>>) dst(%dma_wait3A_42 : memref<104x64xf32, #tpu.memory_space<vmem_shared>>)
        tpu.yield
      }) : () -> ()
    }
    %scan3A_8 = arith.constant 6 : i32
    %eq3A = arith.constant 0 : i32
    %eq3A_9 = arith.cmpi eq, %arg1, %eq3A : i32
    %convert_element_type3A = arith.extui %eq3A_9 : i1 to i32
    %cond3A = arith.constant 0 : i32
    %cond3A_10 = arith.cmpi ne, %convert_element_type3A, %cond3A : i32
    scf.if %cond3A_10 {
      "tpu.region"() ({
        %run_scoped3A = tpu.sem_alloc : memref<!tpu.dma_semaphore, #tpu.memory_space<semaphore_mem>>
        %dma_start3A = arith.constant 0 : i32
        %dma_start3A_27 = arith.constant 0 : i32
        %dma_start3A_28 = tpu.memref_slice %arg7[%dma_start3A, %dma_start3A_27] : memref<104x64xf32, #tpu.memory_space<vmem>> -> memref<16x64xf32, #tpu.memory_space<vmem>>
        %dma_start3A_29 = arith.constant 9984 : i32
        %dma_start3A_30 = arith.constant 0 : i32
        %dma_start3A_31 = tpu.memref_slice %arg8[%dma_start3A_29, %dma_start3A_30] : memref<10000x64xf32, #tpu.memory_space<vmem_shared>> -> memref<16x64xf32, #tpu.memory_space<vmem_shared>>
        %dma_start3A_32 = arith.constant 9984 : i32
        %dma_start3A_33 = arith.constant 0 : i32
        %dma_start3A_34 = tpu.memref_slice %arg8[%dma_start3A_32, %dma_start3A_33] : memref<10000x64xf32, #tpu.memory_space<vmem_shared>> -> memref<16x64xf32, #tpu.memory_space<vmem_shared>>
        %dma_start3A_35 = arith.constant 0 : i32
        %dma_start3A_36 = arith.constant 0 : i32
        %dma_start3A_37 = tpu.memref_slice %arg7[%dma_start3A_35, %dma_start3A_36] : memref<104x64xf32, #tpu.memory_space<vmem>> -> memref<16x64xf32, #tpu.memory_space<vmem>>
        tpu.enqueue_dma source(%dma_start3A_37 : memref<16x64xf32, #tpu.memory_space<vmem>>) target(%dma_start3A_34 : memref<16x64xf32, #tpu.memory_space<vmem_shared>>) target_semaphore(%run_scoped3A : memref<!tpu.dma_semaphore, #tpu.memory_space<semaphore_mem>>)
        %dma_wait3A = arith.constant 0 : i32
        %dma_wait3A_38 = arith.constant 0 : i32
        %dma_wait3A_39 = tpu.memref_slice %arg7[%dma_wait3A, %dma_wait3A_38] : memref<104x64xf32, #tpu.memory_space<vmem>> -> memref<16x64xf32, #tpu.memory_space<vmem>>
        %dma_wait3A_40 = arith.constant 9984 : i32
        %dma_wait3A_41 = arith.constant 0 : i32
        %dma_wait3A_42 = tpu.memref_slice %arg8[%dma_wait3A_40, %dma_wait3A_41] : memref<10000x64xf32, #tpu.memory_space<vmem_shared>> -> memref<16x64xf32, #tpu.memory_space<vmem_shared>>
        %dma_wait3A_43 = arith.constant 9984 : i32
        %dma_wait3A_44 = arith.constant 0 : i32
        %dma_wait3A_45 = tpu.memref_slice %arg8[%dma_wait3A_43, %dma_wait3A_44] : memref<10000x64xf32, #tpu.memory_space<vmem_shared>> -> memref<16x64xf32, #tpu.memory_space<vmem_shared>>
        %dma_wait3A_46 = arith.constant 0 : i32
        %dma_wait3A_47 = arith.constant 0 : i32
        %dma_wait3A_48 = tpu.memref_slice %arg7[%dma_wait3A_46, %dma_wait3A_47] : memref<104x64xf32, #tpu.memory_space<vmem>> -> memref<16x64xf32, #tpu.memory_space<vmem>>
        tpu.wait_dma2 semaphore(%run_scoped3A : memref<!tpu.dma_semaphore, #tpu.memory_space<semaphore_mem>>) src(%dma_wait3A_48 : memref<16x64xf32, #tpu.memory_space<vmem>>) dst(%dma_wait3A_45 : memref<16x64xf32, #tpu.memory_space<vmem_shared>>)
        tpu.yield
      }) : () -> ()
    } else {
    }
    %barrier3A = arith.constant 0 : index
    tpu.barrier barrier_id(%barrier3A)
    %mul3A = arith.constant 2 : i32
    %mul3A_11 = arith.muli %arg1, %mul3A : i32
    %add3A = arith.addi %mul3A_11, %arg0 : i32
    "tpu.region"() ({
      %run_scoped3A = tpu.sem_alloc : memref<!tpu.dma_semaphore, #tpu.memory_space<semaphore_mem>>
      %dma_start3A = arith.constant 0 : i32
      %dma_start3A_27 = arith.constant 0 : i32
      %dma_start3A_28 = tpu.memref_slice %arg3[%add3A, %dma_start3A, %dma_start3A_27] : memref<32x125x80xi32, #tpu.memory_space<hbm>> -> memref<1x125x80xi32, #tpu.memory_space<hbm>>
      %dma_start3A_29 = tpu.memref_squeeze %dma_start3A_28 : memref<1x125x80xi32, #tpu.memory_space<hbm>> -> memref<125x80xi32, #tpu.memory_space<hbm>>
      %dma_start3A_30 = arith.constant 0 : i32
      %dma_start3A_31 = arith.constant 0 : i32
      %dma_start3A_32 = tpu.memref_slice %arg3[%add3A, %dma_start3A_30, %dma_start3A_31] : memref<32x125x80xi32, #tpu.memory_space<hbm>> -> memref<1x125x80xi32, #tpu.memory_space<hbm>>
      %dma_start3A_33 = tpu.memref_squeeze %dma_start3A_32 : memref<1x125x80xi32, #tpu.memory_space<hbm>> -> memref<125x80xi32, #tpu.memory_space<hbm>>
      tpu.enqueue_dma source(%dma_start3A_33 : memref<125x80xi32, #tpu.memory_space<hbm>>) target(%arg5 : memref<125x80xi32, #tpu.memory_space<vmem>>) target_semaphore(%run_scoped3A : memref<!tpu.dma_semaphore, #tpu.memory_space<semaphore_mem>>)
      %dma_wait3A = arith.constant 0 : i32
      %dma_wait3A_34 = arith.constant 0 : i32
      %dma_wait3A_35 = tpu.memref_slice %arg3[%add3A, %dma_wait3A, %dma_wait3A_34] : memref<32x125x80xi32, #tpu.memory_space<hbm>> -> memref<1x125x80xi32, #tpu.memory_space<hbm>>
      %dma_wait3A_36 = tpu.memref_squeeze %dma_wait3A_35 : memref<1x125x80xi32, #tpu.memory_space<hbm>> -> memref<125x80xi32, #tpu.memory_space<hbm>>
      %dma_wait3A_37 = arith.constant 0 : i32
      %dma_wait3A_38 = arith.constant 0 : i32
      %dma_wait3A_39 = tpu.memref_slice %arg3[%add3A, %dma_wait3A_37, %dma_wait3A_38] : memref<32x125x80xi32, #tpu.memory_space<hbm>> -> memref<1x125x80xi32, #tpu.memory_space<hbm>>
      %dma_wait3A_40 = tpu.memref_squeeze %dma_wait3A_39 : memref<1x125x80xi32, #tpu.memory_space<hbm>> -> memref<125x80xi32, #tpu.memory_space<hbm>>
      tpu.wait_dma2 semaphore(%run_scoped3A : memref<!tpu.dma_semaphore, #tpu.memory_space<semaphore_mem>>) src(%dma_wait3A_40 : memref<125x80xi32, #tpu.memory_space<hbm>>) dst(%arg5 : memref<125x80xi32, #tpu.memory_space<vmem>>)
      tpu.yield
    }) : () -> ()
    %scan3A_12 = arith.constant 0 : i32
    %scan3A_13 = arith.constant 125 : i32
    %scan3A_14 = arith.addi %scan3A_12, %scan3A_13 : i32
    %scan3A_15 = arith.constant 1 : i32
    scf.for %scan3A_27 = %scan3A_12 to %scan3A_14 step %scan3A_15  : i32 {
      %mul3A_28 = arith.constant 1 : i32
      %mul3A_29 = arith.muli %scan3A_27, %mul3A_28 : i32
      %add3A_30 = arith.constant 0 : i32
      %add3A_31 = arith.addi %add3A_30, %mul3A_29 : i32
      %mul3A_32 = arith.constant 10000 : i32
      %mul3A_33 = arith.muli %add3A, %mul3A_32 : i32
      %mul3A_34 = arith.constant 80 : i32
      %mul3A_35 = arith.muli %add3A_31, %mul3A_34 : i32
      %add3A_36 = arith.addi %mul3A_33, %mul3A_35 : i32
      "tpu.region"() ({
        %run_scoped3A = tpu.sem_alloc : memref<!tpu.dma_semaphore, #tpu.memory_space<semaphore_mem>>
        %dma_start3A = arith.constant 0 : i32
        %dma_start3A_37 = tpu.memref_slice %arg2[%add3A_36, %dma_start3A] : memref<320000x64xf32, #tpu.memory_space<hbm>> -> memref<80x64xf32, #tpu.memory_space<hbm>>
        %dma_start3A_38 = arith.constant 0 : i32
        %dma_start3A_39 = tpu.memref_slice %arg2[%add3A_36, %dma_start3A_38] : memref<320000x64xf32, #tpu.memory_space<hbm>> -> memref<80x64xf32, #tpu.memory_space<hbm>>
        tpu.enqueue_dma source(%dma_start3A_39 : memref<80x64xf32, #tpu.memory_space<hbm>>) target(%arg6 : memref<80x64xf32, #tpu.memory_space<vmem>>) target_semaphore(%run_scoped3A : memref<!tpu.dma_semaphore, #tpu.memory_space<semaphore_mem>>)
        %dma_wait3A = arith.constant 0 : i32
        %dma_wait3A_40 = tpu.memref_slice %arg2[%add3A_36, %dma_wait3A] : memref<320000x64xf32, #tpu.memory_space<hbm>> -> memref<80x64xf32, #tpu.memory_space<hbm>>
        %dma_wait3A_41 = arith.constant 0 : i32
        %dma_wait3A_42 = tpu.memref_slice %arg2[%add3A_36, %dma_wait3A_41] : memref<320000x64xf32, #tpu.memory_space<hbm>> -> memref<80x64xf32, #tpu.memory_space<hbm>>
        tpu.wait_dma2 semaphore(%run_scoped3A : memref<!tpu.dma_semaphore, #tpu.memory_space<semaphore_mem>>) src(%dma_wait3A_42 : memref<80x64xf32, #tpu.memory_space<hbm>>) dst(%arg6 : memref<80x64xf32, #tpu.memory_space<vmem>>)
        tpu.yield
      }) : () -> ()
      "tpu.region"() ({
        %run_scoped3A = tpu.sem_alloc : memref<!tpu.dma_semaphore, #tpu.memory_space<semaphore_mem>>
        %dma_start3A = arith.constant 0 : i32
        %dma_start3A_37 = tpu.memref_slice %arg5[%add3A_31, %dma_start3A] : memref<125x80xi32, #tpu.memory_space<vmem>> -> memref<1x80xi32, #tpu.memory_space<vmem>>
        %dma_start3A_38 = tpu.memref_squeeze %dma_start3A_37 : memref<1x80xi32, #tpu.memory_space<vmem>> -> memref<80xi32, #tpu.memory_space<vmem>>
        %dma_start3A_39 = arith.constant 0 : i32
        %dma_start3A_40 = arith.constant 0 : i32
        %dma_start3A_41 = tpu.memref_slice %arg8[%dma_start3A_39, %dma_start3A_40] : memref<10000x64xf32, #tpu.memory_space<vmem_shared>> -> memref<10000x64xf32, #tpu.memory_space<vmem_shared>>
        tpu.enqueue_indirect_dma source(%arg6 : memref<80x64xf32, #tpu.memory_space<vmem>>) target(%dma_start3A_41 : memref<10000x64xf32, #tpu.memory_space<vmem_shared>>) offsets(%dma_start3A_38 : memref<80xi32, #tpu.memory_space<vmem>>) semaphore(%run_scoped3A : memref<!tpu.dma_semaphore, #tpu.memory_space<semaphore_mem>>) {add = true}
        %dma_wait3A = arith.constant 0 : i32
        %dma_wait3A_42 = tpu.memref_slice %arg5[%add3A_31, %dma_wait3A] : memref<125x80xi32, #tpu.memory_space<vmem>> -> memref<1x80xi32, #tpu.memory_space<vmem>>
        %dma_wait3A_43 = tpu.memref_squeeze %dma_wait3A_42 : memref<1x80xi32, #tpu.memory_space<vmem>> -> memref<80xi32, #tpu.memory_space<vmem>>
        %dma_wait3A_44 = arith.constant 0 : i32
        %dma_wait3A_45 = arith.constant 0 : i32
        %dma_wait3A_46 = tpu.memref_slice %arg8[%dma_wait3A_44, %dma_wait3A_45] : memref<10000x64xf32, #tpu.memory_space<vmem_shared>> -> memref<10000x64xf32, #tpu.memory_space<vmem_shared>>
        tpu.wait_indirect_dma semaphore(%run_scoped3A : memref<!tpu.dma_semaphore, #tpu.memory_space<semaphore_mem>>) src(%arg6 : memref<80x64xf32, #tpu.memory_space<vmem>>) dst(%dma_wait3A_46 : memref<10000x64xf32, #tpu.memory_space<vmem_shared>>)
        tpu.yield
      }) : () -> ()
    }
    %scan3A_16 = arith.constant 125 : i32
    %barrier3A_17 = arith.constant 0 : index
    tpu.barrier barrier_id(%barrier3A_17)
    %mul3A_18 = arith.constant 624 : i32
    %mul3A_19 = arith.muli %arg1, %mul3A_18 : i32
    %mul3A_20 = arith.constant 624 : i32
    %mul3A_21 = arith.muli %arg1, %mul3A_20 : i32
    "tpu.region"() ({
      %run_scoped3A = tpu.sem_alloc : memref<!tpu.dma_semaphore, #tpu.memory_space<semaphore_mem>>
      %dma_start3A = arith.constant 0 : i32
      %dma_start3A_27 = tpu.memref_slice %arg4[%arg0, %mul3A_21, %dma_start3A] : memref<2x10000x64xf32, #tpu.memory_space<hbm>> -> memref<1x624x64xf32, #tpu.memory_space<hbm>>
      %dma_start3A_28 = tpu.memref_squeeze %dma_start3A_27 : memref<1x624x64xf32, #tpu.memory_space<hbm>> -> memref<624x64xf32, #tpu.memory_space<hbm>>
      %dma_start3A_29 = arith.constant 0 : i32
      %dma_start3A_30 = tpu.memref_slice %arg8[%mul3A_19, %dma_start3A_29] : memref<10000x64xf32, #tpu.memory_space<vmem_shared>> -> memref<624x64xf32, #tpu.memory_space<vmem_shared>>
      tpu.enqueue_dma source(%dma_start3A_30 : memref<624x64xf32, #tpu.memory_space<vmem_shared>>) target(%dma_start3A_28 : memref<624x64xf32, #tpu.memory_space<hbm>>) target_semaphore(%run_scoped3A : memref<!tpu.dma_semaphore, #tpu.memory_space<semaphore_mem>>)
      %dma_wait3A = arith.constant 0 : i32
      %dma_wait3A_31 = tpu.memref_slice %arg4[%arg0, %mul3A_21, %dma_wait3A] : memref<2x10000x64xf32, #tpu.memory_space<hbm>> -> memref<1x624x64xf32, #tpu.memory_space<hbm>>
      %dma_wait3A_32 = tpu.memref_squeeze %dma_wait3A_31 : memref<1x624x64xf32, #tpu.memory_space<hbm>> -> memref<624x64xf32, #tpu.memory_space<hbm>>
      %dma_wait3A_33 = arith.constant 0 : i32
      %dma_wait3A_34 = tpu.memref_slice %arg8[%mul3A_19, %dma_wait3A_33] : memref<10000x64xf32, #tpu.memory_space<vmem_shared>> -> memref<624x64xf32, #tpu.memory_space<vmem_shared>>
      tpu.wait_dma2 semaphore(%run_scoped3A : memref<!tpu.dma_semaphore, #tpu.memory_space<semaphore_mem>>) src(%dma_wait3A_34 : memref<624x64xf32, #tpu.memory_space<vmem_shared>>) dst(%dma_wait3A_32 : memref<624x64xf32, #tpu.memory_space<hbm>>)
      tpu.yield
    }) : () -> ()
    %eq3A_22 = arith.constant 0 : i32
    %eq3A_23 = arith.cmpi eq, %arg1, %eq3A_22 : i32
    %convert_element_type3A_24 = arith.extui %eq3A_23 : i1 to i32
    %cond3A_25 = arith.constant 0 : i32
    %cond3A_26 = arith.cmpi ne, %convert_element_type3A_24, %cond3A_25 : i32
    scf.if %cond3A_26 {
      "tpu.region"() ({
        %run_scoped3A = tpu.sem_alloc : memref<!tpu.dma_semaphore, #tpu.memory_space<semaphore_mem>>
        %dma_start3A = arith.constant 9984 : i32
        %dma_start3A_27 = arith.constant 0 : i32
        %dma_start3A_28 = tpu.memref_slice %arg4[%arg0, %dma_start3A, %dma_start3A_27] : memref<2x10000x64xf32, #tpu.memory_space<hbm>> -> memref<1x16x64xf32, #tpu.memory_space<hbm>>
        %dma_start3A_29 = tpu.memref_squeeze %dma_start3A_28 : memref<1x16x64xf32, #tpu.memory_space<hbm>> -> memref<16x64xf32, #tpu.memory_space<hbm>>
        %dma_start3A_30 = arith.constant 9984 : i32
        %dma_start3A_31 = arith.constant 0 : i32
        %dma_start3A_32 = tpu.memref_slice %arg8[%dma_start3A_30, %dma_start3A_31] : memref<10000x64xf32, #tpu.memory_space<vmem_shared>> -> memref<16x64xf32, #tpu.memory_space<vmem_shared>>
        tpu.enqueue_dma source(%dma_start3A_32 : memref<16x64xf32, #tpu.memory_space<vmem_shared>>) target(%dma_start3A_29 : memref<16x64xf32, #tpu.memory_space<hbm>>) target_semaphore(%run_scoped3A : memref<!tpu.dma_semaphore, #tpu.memory_space<semaphore_mem>>)
        %dma_wait3A = arith.constant 9984 : i32
        %dma_wait3A_33 = arith.constant 0 : i32
        %dma_wait3A_34 = tpu.memref_slice %arg4[%arg0, %dma_wait3A, %dma_wait3A_33] : memref<2x10000x64xf32, #tpu.memory_space<hbm>> -> memref<1x16x64xf32, #tpu.memory_space<hbm>>
        %dma_wait3A_35 = tpu.memref_squeeze %dma_wait3A_34 : memref<1x16x64xf32, #tpu.memory_space<hbm>> -> memref<16x64xf32, #tpu.memory_space<hbm>>
        %dma_wait3A_36 = arith.constant 9984 : i32
        %dma_wait3A_37 = arith.constant 0 : i32
        %dma_wait3A_38 = tpu.memref_slice %arg8[%dma_wait3A_36, %dma_wait3A_37] : memref<10000x64xf32, #tpu.memory_space<vmem_shared>> -> memref<16x64xf32, #tpu.memory_space<vmem_shared>>
        tpu.wait_dma2 semaphore(%run_scoped3A : memref<!tpu.dma_semaphore, #tpu.memory_space<semaphore_mem>>) src(%dma_wait3A_38 : memref<16x64xf32, #tpu.memory_space<vmem_shared>>) dst(%dma_wait3A_35 : memref<16x64xf32, #tpu.memory_space<hbm>>)
        tpu.yield
      }) : () -> ()
    } else {
    }
    return
  }
}

#map = affine_map<(d0, d1) -> (0, 0)>
#map1 = affine_map<(d0, d1) -> (0, 0, 0)>
module attributes {stable_mosaic.version = 14 : i64} {
  func.func @k(%arg0: i32, %arg1: i32, %arg2: memref<10000x128xf32, #tpu.memory_space<hbm>>, %arg3: memref<10000x128xf32, #tpu.memory_space<hbm>>, %arg4: memref<32x125x80xi32, #tpu.memory_space<hbm>>, %arg5: memref<32x125x80xi32, #tpu.memory_space<hbm>>, %arg6: memref<320000x128xf32, #tpu.memory_space<hbm>>, %arg7: memref<320000x128xf32, #tpu.memory_space<hbm>>, %arg8: memref<125x80xi32, #tpu.memory_space<vmem>>, %arg9: memref<125x80xi32, #tpu.memory_space<vmem>>, %arg10: memref<80x128xf32, #tpu.memory_space<vmem>>, %arg11: memref<80x128xf32, #tpu.memory_space<vmem>>, %arg12: memref<!tpu.dma_semaphore, #tpu.memory_space<semaphore_mem>>, %arg13: memref<!tpu.dma_semaphore, #tpu.memory_space<semaphore_mem>>) attributes {dimension_semantics = [#tpu.dimension_semantics<core_parallel>, #tpu.dimension_semantics<subcore_parallel>], iteration_bounds = array<i64: 2, 16>, scalar_prefetch = 0 : i64, scratch_operands = 6 : i64, tpu.core_type = #tpu.core_type<sc_vector_subcore>, window_params = [{transform_indices = #map}, {transform_indices = #map}, {transform_indices = #map1}, {transform_indices = #map1}, {transform_indices = #map}, {transform_indices = #map}]} {
    %mul3A = arith.constant 2 : i32
    %mul3A_0 = arith.muli %arg1, %mul3A : i32
    %add3A = arith.addi %mul3A_0, %arg0 : i32
    %mul3A_1 = arith.constant 10000 : i32
    %mul3A_2 = arith.muli %add3A, %mul3A_1 : i32
    "tpu.region"() ({
      %run_scoped3A = tpu.sem_alloc : memref<!tpu.dma_semaphore, #tpu.memory_space<semaphore_mem>>
      %dma_start3A = arith.constant 0 : i32
      %dma_start3A_7 = arith.constant 0 : i32
      %dma_start3A_8 = tpu.memref_slice %arg4[%add3A, %dma_start3A, %dma_start3A_7] : memref<32x125x80xi32, #tpu.memory_space<hbm>> -> memref<1x125x80xi32, #tpu.memory_space<hbm>>
      %dma_start3A_9 = tpu.memref_squeeze %dma_start3A_8 : memref<1x125x80xi32, #tpu.memory_space<hbm>> -> memref<125x80xi32, #tpu.memory_space<hbm>>
      %dma_start3A_10 = arith.constant 0 : i32
      %dma_start3A_11 = arith.constant 0 : i32
      %dma_start3A_12 = tpu.memref_slice %arg4[%add3A, %dma_start3A_10, %dma_start3A_11] : memref<32x125x80xi32, #tpu.memory_space<hbm>> -> memref<1x125x80xi32, #tpu.memory_space<hbm>>
      %dma_start3A_13 = tpu.memref_squeeze %dma_start3A_12 : memref<1x125x80xi32, #tpu.memory_space<hbm>> -> memref<125x80xi32, #tpu.memory_space<hbm>>
      tpu.enqueue_dma source(%dma_start3A_13 : memref<125x80xi32, #tpu.memory_space<hbm>>) target(%arg8 : memref<125x80xi32, #tpu.memory_space<vmem>>) target_semaphore(%run_scoped3A : memref<!tpu.dma_semaphore, #tpu.memory_space<semaphore_mem>>)
      %dma_wait3A = arith.constant 0 : i32
      %dma_wait3A_14 = arith.constant 0 : i32
      %dma_wait3A_15 = tpu.memref_slice %arg4[%add3A, %dma_wait3A, %dma_wait3A_14] : memref<32x125x80xi32, #tpu.memory_space<hbm>> -> memref<1x125x80xi32, #tpu.memory_space<hbm>>
      %dma_wait3A_16 = tpu.memref_squeeze %dma_wait3A_15 : memref<1x125x80xi32, #tpu.memory_space<hbm>> -> memref<125x80xi32, #tpu.memory_space<hbm>>
      %dma_wait3A_17 = arith.constant 0 : i32
      %dma_wait3A_18 = arith.constant 0 : i32
      %dma_wait3A_19 = tpu.memref_slice %arg4[%add3A, %dma_wait3A_17, %dma_wait3A_18] : memref<32x125x80xi32, #tpu.memory_space<hbm>> -> memref<1x125x80xi32, #tpu.memory_space<hbm>>
      %dma_wait3A_20 = tpu.memref_squeeze %dma_wait3A_19 : memref<1x125x80xi32, #tpu.memory_space<hbm>> -> memref<125x80xi32, #tpu.memory_space<hbm>>
      tpu.wait_dma2 semaphore(%run_scoped3A : memref<!tpu.dma_semaphore, #tpu.memory_space<semaphore_mem>>) src(%dma_wait3A_20 : memref<125x80xi32, #tpu.memory_space<hbm>>) dst(%arg8 : memref<125x80xi32, #tpu.memory_space<vmem>>)
      tpu.yield
    }) : () -> ()
    "tpu.region"() ({
      %run_scoped3A = tpu.sem_alloc : memref<!tpu.dma_semaphore, #tpu.memory_space<semaphore_mem>>
      %dma_start3A = arith.constant 0 : i32
      %dma_start3A_7 = arith.constant 0 : i32
      %dma_start3A_8 = tpu.memref_slice %arg5[%add3A, %dma_start3A, %dma_start3A_7] : memref<32x125x80xi32, #tpu.memory_space<hbm>> -> memref<1x125x80xi32, #tpu.memory_space<hbm>>
      %dma_start3A_9 = tpu.memref_squeeze %dma_start3A_8 : memref<1x125x80xi32, #tpu.memory_space<hbm>> -> memref<125x80xi32, #tpu.memory_space<hbm>>
      %dma_start3A_10 = arith.constant 0 : i32
      %dma_start3A_11 = arith.constant 0 : i32
      %dma_start3A_12 = tpu.memref_slice %arg5[%add3A, %dma_start3A_10, %dma_start3A_11] : memref<32x125x80xi32, #tpu.memory_space<hbm>> -> memref<1x125x80xi32, #tpu.memory_space<hbm>>
      %dma_start3A_13 = tpu.memref_squeeze %dma_start3A_12 : memref<1x125x80xi32, #tpu.memory_space<hbm>> -> memref<125x80xi32, #tpu.memory_space<hbm>>
      tpu.enqueue_dma source(%dma_start3A_13 : memref<125x80xi32, #tpu.memory_space<hbm>>) target(%arg9 : memref<125x80xi32, #tpu.memory_space<vmem>>) target_semaphore(%run_scoped3A : memref<!tpu.dma_semaphore, #tpu.memory_space<semaphore_mem>>)
      %dma_wait3A = arith.constant 0 : i32
      %dma_wait3A_14 = arith.constant 0 : i32
      %dma_wait3A_15 = tpu.memref_slice %arg5[%add3A, %dma_wait3A, %dma_wait3A_14] : memref<32x125x80xi32, #tpu.memory_space<hbm>> -> memref<1x125x80xi32, #tpu.memory_space<hbm>>
      %dma_wait3A_16 = tpu.memref_squeeze %dma_wait3A_15 : memref<1x125x80xi32, #tpu.memory_space<hbm>> -> memref<125x80xi32, #tpu.memory_space<hbm>>
      %dma_wait3A_17 = arith.constant 0 : i32
      %dma_wait3A_18 = arith.constant 0 : i32
      %dma_wait3A_19 = tpu.memref_slice %arg5[%add3A, %dma_wait3A_17, %dma_wait3A_18] : memref<32x125x80xi32, #tpu.memory_space<hbm>> -> memref<1x125x80xi32, #tpu.memory_space<hbm>>
      %dma_wait3A_20 = tpu.memref_squeeze %dma_wait3A_19 : memref<1x125x80xi32, #tpu.memory_space<hbm>> -> memref<125x80xi32, #tpu.memory_space<hbm>>
      tpu.wait_dma2 semaphore(%run_scoped3A : memref<!tpu.dma_semaphore, #tpu.memory_space<semaphore_mem>>) src(%dma_wait3A_20 : memref<125x80xi32, #tpu.memory_space<hbm>>) dst(%arg9 : memref<125x80xi32, #tpu.memory_space<vmem>>)
      tpu.yield
    }) : () -> ()
    %scan3A = arith.constant 0 : i32
    %scan3A_3 = arith.constant 125 : i32
    %scan3A_4 = arith.addi %scan3A, %scan3A_3 : i32
    %scan3A_5 = arith.constant 1 : i32
    scf.for %scan3A_7 = %scan3A to %scan3A_4 step %scan3A_5  : i32 {
      %mul3A_8 = arith.constant 1 : i32
      %mul3A_9 = arith.muli %scan3A_7, %mul3A_8 : i32
      %add3A_10 = arith.constant 0 : i32
      %add3A_11 = arith.addi %add3A_10, %mul3A_9 : i32
      %dma_start3A = arith.constant 0 : i32
      %dma_start3A_12 = tpu.memref_slice %arg8[%add3A_11, %dma_start3A] : memref<125x80xi32, #tpu.memory_space<vmem>> -> memref<1x80xi32, #tpu.memory_space<vmem>>
      %dma_start3A_13 = tpu.memref_squeeze %dma_start3A_12 : memref<1x80xi32, #tpu.memory_space<vmem>> -> memref<80xi32, #tpu.memory_space<vmem>>
      %dma_start3A_14 = arith.constant 0 : i32
      %dma_start3A_15 = arith.constant 0 : i32
      %dma_start3A_16 = tpu.memref_slice %arg2[%dma_start3A_14, %dma_start3A_15] : memref<10000x128xf32, #tpu.memory_space<hbm>> -> memref<10000x128xf32, #tpu.memory_space<hbm>>
      tpu.enqueue_indirect_dma source(%dma_start3A_16 : memref<10000x128xf32, #tpu.memory_space<hbm>>) target(%arg10 : memref<80x128xf32, #tpu.memory_space<vmem>>) offsets(%dma_start3A_13 : memref<80xi32, #tpu.memory_space<vmem>>) semaphore(%arg12 : memref<!tpu.dma_semaphore, #tpu.memory_space<semaphore_mem>>)
      %dma_start3A_17 = arith.constant 0 : i32
      %dma_start3A_18 = tpu.memref_slice %arg9[%add3A_11, %dma_start3A_17] : memref<125x80xi32, #tpu.memory_space<vmem>> -> memref<1x80xi32, #tpu.memory_space<vmem>>
      %dma_start3A_19 = tpu.memref_squeeze %dma_start3A_18 : memref<1x80xi32, #tpu.memory_space<vmem>> -> memref<80xi32, #tpu.memory_space<vmem>>
      %dma_start3A_20 = arith.constant 0 : i32
      %dma_start3A_21 = arith.constant 0 : i32
      %dma_start3A_22 = tpu.memref_slice %arg3[%dma_start3A_20, %dma_start3A_21] : memref<10000x128xf32, #tpu.memory_space<hbm>> -> memref<10000x128xf32, #tpu.memory_space<hbm>>
      tpu.enqueue_indirect_dma source(%dma_start3A_22 : memref<10000x128xf32, #tpu.memory_space<hbm>>) target(%arg11 : memref<80x128xf32, #tpu.memory_space<vmem>>) offsets(%dma_start3A_19 : memref<80xi32, #tpu.memory_space<vmem>>) semaphore(%arg13 : memref<!tpu.dma_semaphore, #tpu.memory_space<semaphore_mem>>)
      %dma_wait3A = arith.constant 0 : i32
      %dma_wait3A_23 = tpu.memref_slice %arg8[%add3A_11, %dma_wait3A] : memref<125x80xi32, #tpu.memory_space<vmem>> -> memref<1x80xi32, #tpu.memory_space<vmem>>
      %dma_wait3A_24 = tpu.memref_squeeze %dma_wait3A_23 : memref<1x80xi32, #tpu.memory_space<vmem>> -> memref<80xi32, #tpu.memory_space<vmem>>
      %dma_wait3A_25 = arith.constant 0 : i32
      %dma_wait3A_26 = arith.constant 0 : i32
      %dma_wait3A_27 = tpu.memref_slice %arg2[%dma_wait3A_25, %dma_wait3A_26] : memref<10000x128xf32, #tpu.memory_space<hbm>> -> memref<10000x128xf32, #tpu.memory_space<hbm>>
      tpu.wait_indirect_dma semaphore(%arg12 : memref<!tpu.dma_semaphore, #tpu.memory_space<semaphore_mem>>) src(%dma_wait3A_27 : memref<10000x128xf32, #tpu.memory_space<hbm>>) dst(%arg10 : memref<80x128xf32, #tpu.memory_space<vmem>>)
      %dma_wait3A_28 = arith.constant 0 : i32
      %dma_wait3A_29 = tpu.memref_slice %arg9[%add3A_11, %dma_wait3A_28] : memref<125x80xi32, #tpu.memory_space<vmem>> -> memref<1x80xi32, #tpu.memory_space<vmem>>
      %dma_wait3A_30 = tpu.memref_squeeze %dma_wait3A_29 : memref<1x80xi32, #tpu.memory_space<vmem>> -> memref<80xi32, #tpu.memory_space<vmem>>
      %dma_wait3A_31 = arith.constant 0 : i32
      %dma_wait3A_32 = arith.constant 0 : i32
      %dma_wait3A_33 = tpu.memref_slice %arg3[%dma_wait3A_31, %dma_wait3A_32] : memref<10000x128xf32, #tpu.memory_space<hbm>> -> memref<10000x128xf32, #tpu.memory_space<hbm>>
      tpu.wait_indirect_dma semaphore(%arg13 : memref<!tpu.dma_semaphore, #tpu.memory_space<semaphore_mem>>) src(%dma_wait3A_33 : memref<10000x128xf32, #tpu.memory_space<hbm>>) dst(%arg11 : memref<80x128xf32, #tpu.memory_space<vmem>>)
      %mul3A_34 = arith.constant 80 : i32
      %mul3A_35 = arith.muli %add3A_11, %mul3A_34 : i32
      %add3A_36 = arith.addi %mul3A_2, %mul3A_35 : i32
      "tpu.region"() ({
        %run_scoped3A = tpu.sem_alloc : memref<!tpu.dma_semaphore, #tpu.memory_space<semaphore_mem>>
        %dma_start3A_37 = arith.constant 0 : i32
        %dma_start3A_38 = tpu.memref_slice %arg6[%add3A_36, %dma_start3A_37] : memref<320000x128xf32, #tpu.memory_space<hbm>> -> memref<80x128xf32, #tpu.memory_space<hbm>>
        %dma_start3A_39 = arith.constant 0 : i32
        %dma_start3A_40 = tpu.memref_slice %arg6[%add3A_36, %dma_start3A_39] : memref<320000x128xf32, #tpu.memory_space<hbm>> -> memref<80x128xf32, #tpu.memory_space<hbm>>
        tpu.enqueue_dma source(%arg10 : memref<80x128xf32, #tpu.memory_space<vmem>>) target(%dma_start3A_40 : memref<80x128xf32, #tpu.memory_space<hbm>>) target_semaphore(%run_scoped3A : memref<!tpu.dma_semaphore, #tpu.memory_space<semaphore_mem>>)
        %dma_wait3A_41 = arith.constant 0 : i32
        %dma_wait3A_42 = tpu.memref_slice %arg6[%add3A_36, %dma_wait3A_41] : memref<320000x128xf32, #tpu.memory_space<hbm>> -> memref<80x128xf32, #tpu.memory_space<hbm>>
        %dma_wait3A_43 = arith.constant 0 : i32
        %dma_wait3A_44 = tpu.memref_slice %arg6[%add3A_36, %dma_wait3A_43] : memref<320000x128xf32, #tpu.memory_space<hbm>> -> memref<80x128xf32, #tpu.memory_space<hbm>>
        tpu.wait_dma2 semaphore(%run_scoped3A : memref<!tpu.dma_semaphore, #tpu.memory_space<semaphore_mem>>) src(%arg10 : memref<80x128xf32, #tpu.memory_space<vmem>>) dst(%dma_wait3A_44 : memref<80x128xf32, #tpu.memory_space<hbm>>)
        tpu.yield
      }) : () -> ()
      "tpu.region"() ({
        %run_scoped3A = tpu.sem_alloc : memref<!tpu.dma_semaphore, #tpu.memory_space<semaphore_mem>>
        %dma_start3A_37 = arith.constant 0 : i32
        %dma_start3A_38 = tpu.memref_slice %arg7[%add3A_36, %dma_start3A_37] : memref<320000x128xf32, #tpu.memory_space<hbm>> -> memref<80x128xf32, #tpu.memory_space<hbm>>
        %dma_start3A_39 = arith.constant 0 : i32
        %dma_start3A_40 = tpu.memref_slice %arg7[%add3A_36, %dma_start3A_39] : memref<320000x128xf32, #tpu.memory_space<hbm>> -> memref<80x128xf32, #tpu.memory_space<hbm>>
        tpu.enqueue_dma source(%arg11 : memref<80x128xf32, #tpu.memory_space<vmem>>) target(%dma_start3A_40 : memref<80x128xf32, #tpu.memory_space<hbm>>) target_semaphore(%run_scoped3A : memref<!tpu.dma_semaphore, #tpu.memory_space<semaphore_mem>>)
        %dma_wait3A_41 = arith.constant 0 : i32
        %dma_wait3A_42 = tpu.memref_slice %arg7[%add3A_36, %dma_wait3A_41] : memref<320000x128xf32, #tpu.memory_space<hbm>> -> memref<80x128xf32, #tpu.memory_space<hbm>>
        %dma_wait3A_43 = arith.constant 0 : i32
        %dma_wait3A_44 = tpu.memref_slice %arg7[%add3A_36, %dma_wait3A_43] : memref<320000x128xf32, #tpu.memory_space<hbm>> -> memref<80x128xf32, #tpu.memory_space<hbm>>
        tpu.wait_dma2 semaphore(%run_scoped3A : memref<!tpu.dma_semaphore, #tpu.memory_space<semaphore_mem>>) src(%arg11 : memref<80x128xf32, #tpu.memory_space<vmem>>) dst(%dma_wait3A_44 : memref<80x128xf32, #tpu.memory_space<hbm>>)
        tpu.yield
      }) : () -> ()
    }
    %scan3A_6 = arith.constant 125 : i32
    return
  }
}

#map = affine_map<(d0, d1) -> (0, 0)>
#map1 = affine_map<(d0, d1) -> (0, 0, 0)>
module attributes {stable_mosaic.version = 14 : i64} {
  func.func @k(%arg0: i32, %arg1: i32, %arg2: memref<10000x128xf32, #tpu.memory_space<hbm>>, %arg3: memref<10000x128xf32, #tpu.memory_space<hbm>>, %arg4: memref<32x125x80xi32, #tpu.memory_space<hbm>>, %arg5: memref<32x125x80xi32, #tpu.memory_space<hbm>>, %arg6: memref<320000x128xf32, #tpu.memory_space<hbm>>, %arg7: memref<320000x128xf32, #tpu.memory_space<hbm>>, %arg8: memref<125x80xi32, #tpu.memory_space<vmem>>, %arg9: memref<125x80xi32, #tpu.memory_space<vmem>>, %arg10: memref<80x128xf32, #tpu.memory_space<vmem>>, %arg11: memref<80x128xf32, #tpu.memory_space<vmem>>, %arg12: memref<!tpu.dma_semaphore, #tpu.memory_space<semaphore_mem>>, %arg13: memref<!tpu.dma_semaphore, #tpu.memory_space<semaphore_mem>>) attributes {dimension_semantics = [#tpu.dimension_semantics<core_parallel>, #tpu.dimension_semantics<subcore_parallel>], iteration_bounds = array<i64: 2, 16>, scalar_prefetch = 0 : i64, scratch_operands = 6 : i64, tpu.core_type = #tpu.core_type<sc_vector_subcore>, window_params = [{transform_indices = #map}, {transform_indices = #map}, {transform_indices = #map1}, {transform_indices = #map1}, {transform_indices = #map}, {transform_indices = #map}]} {
    %mul3A = arith.constant 2 : i32
    %mul3A_0 = arith.muli %arg1, %mul3A : i32
    %add3A = arith.addi %mul3A_0, %arg0 : i32
    %mul3A_1 = arith.constant 10000 : i32
    %mul3A_2 = arith.muli %add3A, %mul3A_1 : i32
    "tpu.region"() ({
      %run_scoped3A = tpu.sem_alloc : memref<!tpu.dma_semaphore, #tpu.memory_space<semaphore_mem>>
      %dma_start3A = arith.constant 0 : i32
      %dma_start3A_7 = arith.constant 0 : i32
      %dma_start3A_8 = tpu.memref_slice %arg4[%add3A, %dma_start3A, %dma_start3A_7] : memref<32x125x80xi32, #tpu.memory_space<hbm>> -> memref<1x125x80xi32, #tpu.memory_space<hbm>>
      %dma_start3A_9 = tpu.memref_squeeze %dma_start3A_8 : memref<1x125x80xi32, #tpu.memory_space<hbm>> -> memref<125x80xi32, #tpu.memory_space<hbm>>
      %dma_start3A_10 = arith.constant 0 : i32
      %dma_start3A_11 = arith.constant 0 : i32
      %dma_start3A_12 = tpu.memref_slice %arg4[%add3A, %dma_start3A_10, %dma_start3A_11] : memref<32x125x80xi32, #tpu.memory_space<hbm>> -> memref<1x125x80xi32, #tpu.memory_space<hbm>>
      %dma_start3A_13 = tpu.memref_squeeze %dma_start3A_12 : memref<1x125x80xi32, #tpu.memory_space<hbm>> -> memref<125x80xi32, #tpu.memory_space<hbm>>
      tpu.enqueue_dma source(%dma_start3A_13 : memref<125x80xi32, #tpu.memory_space<hbm>>) target(%arg8 : memref<125x80xi32, #tpu.memory_space<vmem>>) target_semaphore(%run_scoped3A : memref<!tpu.dma_semaphore, #tpu.memory_space<semaphore_mem>>)
      %dma_wait3A = arith.constant 0 : i32
      %dma_wait3A_14 = arith.constant 0 : i32
      %dma_wait3A_15 = tpu.memref_slice %arg4[%add3A, %dma_wait3A, %dma_wait3A_14] : memref<32x125x80xi32, #tpu.memory_space<hbm>> -> memref<1x125x80xi32, #tpu.memory_space<hbm>>
      %dma_wait3A_16 = tpu.memref_squeeze %dma_wait3A_15 : memref<1x125x80xi32, #tpu.memory_space<hbm>> -> memref<125x80xi32, #tpu.memory_space<hbm>>
      %dma_wait3A_17 = arith.constant 0 : i32
      %dma_wait3A_18 = arith.constant 0 : i32
      %dma_wait3A_19 = tpu.memref_slice %arg4[%add3A, %dma_wait3A_17, %dma_wait3A_18] : memref<32x125x80xi32, #tpu.memory_space<hbm>> -> memref<1x125x80xi32, #tpu.memory_space<hbm>>
      %dma_wait3A_20 = tpu.memref_squeeze %dma_wait3A_19 : memref<1x125x80xi32, #tpu.memory_space<hbm>> -> memref<125x80xi32, #tpu.memory_space<hbm>>
      tpu.wait_dma2 semaphore(%run_scoped3A : memref<!tpu.dma_semaphore, #tpu.memory_space<semaphore_mem>>) src(%dma_wait3A_20 : memref<125x80xi32, #tpu.memory_space<hbm>>) dst(%arg8 : memref<125x80xi32, #tpu.memory_space<vmem>>)
      tpu.yield
    }) : () -> ()
    "tpu.region"() ({
      %run_scoped3A = tpu.sem_alloc : memref<!tpu.dma_semaphore, #tpu.memory_space<semaphore_mem>>
      %dma_start3A = arith.constant 0 : i32
      %dma_start3A_7 = arith.constant 0 : i32
      %dma_start3A_8 = tpu.memref_slice %arg5[%add3A, %dma_start3A, %dma_start3A_7] : memref<32x125x80xi32, #tpu.memory_space<hbm>> -> memref<1x125x80xi32, #tpu.memory_space<hbm>>
      %dma_start3A_9 = tpu.memref_squeeze %dma_start3A_8 : memref<1x125x80xi32, #tpu.memory_space<hbm>> -> memref<125x80xi32, #tpu.memory_space<hbm>>
      %dma_start3A_10 = arith.constant 0 : i32
      %dma_start3A_11 = arith.constant 0 : i32
      %dma_start3A_12 = tpu.memref_slice %arg5[%add3A, %dma_start3A_10, %dma_start3A_11] : memref<32x125x80xi32, #tpu.memory_space<hbm>> -> memref<1x125x80xi32, #tpu.memory_space<hbm>>
      %dma_start3A_13 = tpu.memref_squeeze %dma_start3A_12 : memref<1x125x80xi32, #tpu.memory_space<hbm>> -> memref<125x80xi32, #tpu.memory_space<hbm>>
      tpu.enqueue_dma source(%dma_start3A_13 : memref<125x80xi32, #tpu.memory_space<hbm>>) target(%arg9 : memref<125x80xi32, #tpu.memory_space<vmem>>) target_semaphore(%run_scoped3A : memref<!tpu.dma_semaphore, #tpu.memory_space<semaphore_mem>>)
      %dma_wait3A = arith.constant 0 : i32
      %dma_wait3A_14 = arith.constant 0 : i32
      %dma_wait3A_15 = tpu.memref_slice %arg5[%add3A, %dma_wait3A, %dma_wait3A_14] : memref<32x125x80xi32, #tpu.memory_space<hbm>> -> memref<1x125x80xi32, #tpu.memory_space<hbm>>
      %dma_wait3A_16 = tpu.memref_squeeze %dma_wait3A_15 : memref<1x125x80xi32, #tpu.memory_space<hbm>> -> memref<125x80xi32, #tpu.memory_space<hbm>>
      %dma_wait3A_17 = arith.constant 0 : i32
      %dma_wait3A_18 = arith.constant 0 : i32
      %dma_wait3A_19 = tpu.memref_slice %arg5[%add3A, %dma_wait3A_17, %dma_wait3A_18] : memref<32x125x80xi32, #tpu.memory_space<hbm>> -> memref<1x125x80xi32, #tpu.memory_space<hbm>>
      %dma_wait3A_20 = tpu.memref_squeeze %dma_wait3A_19 : memref<1x125x80xi32, #tpu.memory_space<hbm>> -> memref<125x80xi32, #tpu.memory_space<hbm>>
      tpu.wait_dma2 semaphore(%run_scoped3A : memref<!tpu.dma_semaphore, #tpu.memory_space<semaphore_mem>>) src(%dma_wait3A_20 : memref<125x80xi32, #tpu.memory_space<hbm>>) dst(%arg9 : memref<125x80xi32, #tpu.memory_space<vmem>>)
      tpu.yield
    }) : () -> ()
    %scan3A = arith.constant 0 : i32
    %scan3A_3 = arith.constant 125 : i32
    %scan3A_4 = arith.addi %scan3A, %scan3A_3 : i32
    %scan3A_5 = arith.constant 1 : i32
    scf.for %scan3A_7 = %scan3A to %scan3A_4 step %scan3A_5  : i32 {
      %mul3A_8 = arith.constant 1 : i32
      %mul3A_9 = arith.muli %scan3A_7, %mul3A_8 : i32
      %add3A_10 = arith.constant 0 : i32
      %add3A_11 = arith.addi %add3A_10, %mul3A_9 : i32
      %dma_start3A = arith.constant 0 : i32
      %dma_start3A_12 = tpu.memref_slice %arg8[%add3A_11, %dma_start3A] : memref<125x80xi32, #tpu.memory_space<vmem>> -> memref<1x80xi32, #tpu.memory_space<vmem>>
      %dma_start3A_13 = tpu.memref_squeeze %dma_start3A_12 : memref<1x80xi32, #tpu.memory_space<vmem>> -> memref<80xi32, #tpu.memory_space<vmem>>
      %dma_start3A_14 = arith.constant 0 : i32
      %dma_start3A_15 = arith.constant 0 : i32
      %dma_start3A_16 = tpu.memref_slice %arg2[%dma_start3A_14, %dma_start3A_15] : memref<10000x128xf32, #tpu.memory_space<hbm>> -> memref<10000x128xf32, #tpu.memory_space<hbm>>
      tpu.enqueue_indirect_dma source(%dma_start3A_16 : memref<10000x128xf32, #tpu.memory_space<hbm>>) target(%arg10 : memref<80x128xf32, #tpu.memory_space<vmem>>) offsets(%dma_start3A_13 : memref<80xi32, #tpu.memory_space<vmem>>) semaphore(%arg12 : memref<!tpu.dma_semaphore, #tpu.memory_space<semaphore_mem>>)
      %dma_start3A_17 = arith.constant 0 : i32
      %dma_start3A_18 = tpu.memref_slice %arg9[%add3A_11, %dma_start3A_17] : memref<125x80xi32, #tpu.memory_space<vmem>> -> memref<1x80xi32, #tpu.memory_space<vmem>>
      %dma_start3A_19 = tpu.memref_squeeze %dma_start3A_18 : memref<1x80xi32, #tpu.memory_space<vmem>> -> memref<80xi32, #tpu.memory_space<vmem>>
      %dma_start3A_20 = arith.constant 0 : i32
      %dma_start3A_21 = arith.constant 0 : i32
      %dma_start3A_22 = tpu.memref_slice %arg3[%dma_start3A_20, %dma_start3A_21] : memref<10000x128xf32, #tpu.memory_space<hbm>> -> memref<10000x128xf32, #tpu.memory_space<hbm>>
      tpu.enqueue_indirect_dma source(%dma_start3A_22 : memref<10000x128xf32, #tpu.memory_space<hbm>>) target(%arg11 : memref<80x128xf32, #tpu.memory_space<vmem>>) offsets(%dma_start3A_19 : memref<80xi32, #tpu.memory_space<vmem>>) semaphore(%arg13 : memref<!tpu.dma_semaphore, #tpu.memory_space<semaphore_mem>>)
      %dma_wait3A = arith.constant 0 : i32
      %dma_wait3A_23 = tpu.memref_slice %arg8[%add3A_11, %dma_wait3A] : memref<125x80xi32, #tpu.memory_space<vmem>> -> memref<1x80xi32, #tpu.memory_space<vmem>>
      %dma_wait3A_24 = tpu.memref_squeeze %dma_wait3A_23 : memref<1x80xi32, #tpu.memory_space<vmem>> -> memref<80xi32, #tpu.memory_space<vmem>>
      %dma_wait3A_25 = arith.constant 0 : i32
      %dma_wait3A_26 = arith.constant 0 : i32
      %dma_wait3A_27 = tpu.memref_slice %arg2[%dma_wait3A_25, %dma_wait3A_26] : memref<10000x128xf32, #tpu.memory_space<hbm>> -> memref<10000x128xf32, #tpu.memory_space<hbm>>
      tpu.wait_indirect_dma semaphore(%arg12 : memref<!tpu.dma_semaphore, #tpu.memory_space<semaphore_mem>>) src(%dma_wait3A_27 : memref<10000x128xf32, #tpu.memory_space<hbm>>) dst(%arg10 : memref<80x128xf32, #tpu.memory_space<vmem>>)
      %dma_wait3A_28 = arith.constant 0 : i32
      %dma_wait3A_29 = tpu.memref_slice %arg9[%add3A_11, %dma_wait3A_28] : memref<125x80xi32, #tpu.memory_space<vmem>> -> memref<1x80xi32, #tpu.memory_space<vmem>>
      %dma_wait3A_30 = tpu.memref_squeeze %dma_wait3A_29 : memref<1x80xi32, #tpu.memory_space<vmem>> -> memref<80xi32, #tpu.memory_space<vmem>>
      %dma_wait3A_31 = arith.constant 0 : i32
      %dma_wait3A_32 = arith.constant 0 : i32
      %dma_wait3A_33 = tpu.memref_slice %arg3[%dma_wait3A_31, %dma_wait3A_32] : memref<10000x128xf32, #tpu.memory_space<hbm>> -> memref<10000x128xf32, #tpu.memory_space<hbm>>
      tpu.wait_indirect_dma semaphore(%arg13 : memref<!tpu.dma_semaphore, #tpu.memory_space<semaphore_mem>>) src(%dma_wait3A_33 : memref<10000x128xf32, #tpu.memory_space<hbm>>) dst(%arg11 : memref<80x128xf32, #tpu.memory_space<vmem>>)
      %mul3A_34 = arith.constant 80 : i32
      %mul3A_35 = arith.muli %add3A_11, %mul3A_34 : i32
      %add3A_36 = arith.addi %mul3A_2, %mul3A_35 : i32
      "tpu.region"() ({
        %run_scoped3A = tpu.sem_alloc : memref<!tpu.dma_semaphore, #tpu.memory_space<semaphore_mem>>
        %dma_start3A_37 = arith.constant 0 : i32
        %dma_start3A_38 = tpu.memref_slice %arg6[%add3A_36, %dma_start3A_37] : memref<320000x128xf32, #tpu.memory_space<hbm>> -> memref<80x128xf32, #tpu.memory_space<hbm>>
        %dma_start3A_39 = arith.constant 0 : i32
        %dma_start3A_40 = tpu.memref_slice %arg6[%add3A_36, %dma_start3A_39] : memref<320000x128xf32, #tpu.memory_space<hbm>> -> memref<80x128xf32, #tpu.memory_space<hbm>>
        tpu.enqueue_dma source(%arg10 : memref<80x128xf32, #tpu.memory_space<vmem>>) target(%dma_start3A_40 : memref<80x128xf32, #tpu.memory_space<hbm>>) target_semaphore(%run_scoped3A : memref<!tpu.dma_semaphore, #tpu.memory_space<semaphore_mem>>)
        %dma_wait3A_41 = arith.constant 0 : i32
        %dma_wait3A_42 = tpu.memref_slice %arg6[%add3A_36, %dma_wait3A_41] : memref<320000x128xf32, #tpu.memory_space<hbm>> -> memref<80x128xf32, #tpu.memory_space<hbm>>
        %dma_wait3A_43 = arith.constant 0 : i32
        %dma_wait3A_44 = tpu.memref_slice %arg6[%add3A_36, %dma_wait3A_43] : memref<320000x128xf32, #tpu.memory_space<hbm>> -> memref<80x128xf32, #tpu.memory_space<hbm>>
        tpu.wait_dma2 semaphore(%run_scoped3A : memref<!tpu.dma_semaphore, #tpu.memory_space<semaphore_mem>>) src(%arg10 : memref<80x128xf32, #tpu.memory_space<vmem>>) dst(%dma_wait3A_44 : memref<80x128xf32, #tpu.memory_space<hbm>>)
        tpu.yield
      }) : () -> ()
      "tpu.region"() ({
        %run_scoped3A = tpu.sem_alloc : memref<!tpu.dma_semaphore, #tpu.memory_space<semaphore_mem>>
        %dma_start3A_37 = arith.constant 0 : i32
        %dma_start3A_38 = tpu.memref_slice %arg7[%add3A_36, %dma_start3A_37] : memref<320000x128xf32, #tpu.memory_space<hbm>> -> memref<80x128xf32, #tpu.memory_space<hbm>>
        %dma_start3A_39 = arith.constant 0 : i32
        %dma_start3A_40 = tpu.memref_slice %arg7[%add3A_36, %dma_start3A_39] : memref<320000x128xf32, #tpu.memory_space<hbm>> -> memref<80x128xf32, #tpu.memory_space<hbm>>
        tpu.enqueue_dma source(%arg11 : memref<80x128xf32, #tpu.memory_space<vmem>>) target(%dma_start3A_40 : memref<80x128xf32, #tpu.memory_space<hbm>>) target_semaphore(%run_scoped3A : memref<!tpu.dma_semaphore, #tpu.memory_space<semaphore_mem>>)
        %dma_wait3A_41 = arith.constant 0 : i32
        %dma_wait3A_42 = tpu.memref_slice %arg7[%add3A_36, %dma_wait3A_41] : memref<320000x128xf32, #tpu.memory_space<hbm>> -> memref<80x128xf32, #tpu.memory_space<hbm>>
        %dma_wait3A_43 = arith.constant 0 : i32
        %dma_wait3A_44 = tpu.memref_slice %arg7[%add3A_36, %dma_wait3A_43] : memref<320000x128xf32, #tpu.memory_space<hbm>> -> memref<80x128xf32, #tpu.memory_space<hbm>>
        tpu.wait_dma2 semaphore(%run_scoped3A : memref<!tpu.dma_semaphore, #tpu.memory_space<semaphore_mem>>) src(%arg11 : memref<80x128xf32, #tpu.memory_space<vmem>>) dst(%dma_wait3A_44 : memref<80x128xf32, #tpu.memory_space<hbm>>)
        tpu.yield
      }) : () -> ()
    }
    %scan3A_6 = arith.constant 125 : i32
    return
  }
}

#map = affine_map<(d0, d1) -> (0, 0)>
#map1 = affine_map<(d0, d1) -> (0, 0, 0)>
module attributes {stable_mosaic.version = 14 : i64} {
  func.func @k(%arg0: i32, %arg1: i32, %arg2: memref<320000x64xf32, #tpu.memory_space<hbm>>, %arg3: memref<32x125x80xi32, #tpu.memory_space<hbm>>, %arg4: memref<2x10000x64xf32, #tpu.memory_space<hbm>>, %arg5: memref<125x80xi32, #tpu.memory_space<vmem>>, %arg6: memref<80x64xf32, #tpu.memory_space<vmem>>, %arg7: memref<104x64xf32, #tpu.memory_space<vmem>>, %arg8: memref<10000x64xf32, #tpu.memory_space<vmem_shared>>) attributes {dimension_semantics = [#tpu.dimension_semantics<core_parallel>, #tpu.dimension_semantics<subcore_parallel>], iteration_bounds = array<i64: 2, 16>, scalar_prefetch = 0 : i64, scratch_operands = 4 : i64, tpu.core_type = #tpu.core_type<sc_vector_subcore>, window_params = [{transform_indices = #map}, {transform_indices = #map1}, {transform_indices = #map1}]} {
    %scan3A = arith.constant 0 : i32
    %scan3A_0 = arith.constant 104 : i32
    %scan3A_1 = arith.addi %scan3A, %scan3A_0 : i32
    %scan3A_2 = arith.constant 1 : i32
    scf.for %scan3A_27 = %scan3A to %scan3A_1 step %scan3A_2  : i32 {
      %mul3A_28 = arith.constant 1 : i32
      %mul3A_29 = arith.muli %scan3A_27, %mul3A_28 : i32
      %add3A_30 = arith.constant 0 : i32
      %add3A_31 = arith.addi %add3A_30, %mul3A_29 : i32
      %scan3A_32 = arith.constant 0 : i32
      %scan3A_33 = arith.constant 4 : i32
      %scan3A_34 = arith.addi %scan3A_32, %scan3A_33 : i32
      %scan3A_35 = arith.constant 1 : i32
      scf.for %scan3A_37 = %scan3A_32 to %scan3A_34 step %scan3A_35  : i32 {
        %mul3A_38 = arith.constant 16 : i32
        %mul3A_39 = arith.muli %scan3A_37, %mul3A_38 : i32
        %add3A_40 = arith.constant 0 : i32
        %add3A_41 = arith.addi %add3A_40, %mul3A_39 : i32
        %broadcast_in_dim3A = arith.constant 0.000000e+00 : f32
        %broadcast_in_dim3A_42 = vector.broadcast %broadcast_in_dim3A : f32 to vector<16xf32>
        %swap3A = arith.index_cast %add3A_31 : i32 to index
        %swap3A_43 = arith.index_cast %add3A_41 : i32 to index
        %swap3A_44 = tpu.vector_load %arg7[%swap3A, %swap3A_43] {strides = array<i32>} : memref<104x64xf32, #tpu.memory_space<vmem>>, vector<1x16xf32>,
        %swap3A_45 = vector.shape_cast %swap3A_44 : vector<1x16xf32> to vector<16xf32>
        %swap3A_46 = vector.shape_cast %broadcast_in_dim3A_42 : vector<16xf32> to vector<1x16xf32>
        tpu.vector_store %arg7[%swap3A, %swap3A_43], %swap3A_46 {strides = array<i32>} : memref<104x64xf32, #tpu.memory_space<vmem>>, vector<1x16xf32>,
      }
      %scan3A_36 = arith.constant 4 : i32
    }
    %scan3A_3 = arith.constant 104 : i32
    %scan3A_4 = arith.constant 0 : i32
    %scan3A_5 = arith.constant 6 : i32
    %scan3A_6 = arith.addi %scan3A_4, %scan3A_5 : i32
    %scan3A_7 = arith.constant 1 : i32
    scf.for %scan3A_27 = %scan3A_4 to %scan3A_6 step %scan3A_7  : i32 {
      %mul3A_28 = arith.constant 1 : i32
      %mul3A_29 = arith.muli %scan3A_27, %mul3A_28 : i32
      %add3A_30 = arith.constant 0 : i32
      %add3A_31 = arith.addi %add3A_30, %mul3A_29 : i32
      %mul3A_32 = arith.constant 624 : i32
      %mul3A_33 = arith.muli %arg1, %mul3A_32 : i32
      %mul3A_34 = arith.constant 104 : i32
      %mul3A_35 = arith.muli %add3A_31, %mul3A_34 : i32
      %add3A_36 = arith.addi %mul3A_33, %mul3A_35 : i32
      "tpu.region"() ({
        %run_scoped3A = tpu.sem_alloc : memref<!tpu.dma_semaphore, #tpu.memory_space<semaphore_mem>>
        %dma_start3A = arith.constant 0 : i32
        %dma_start3A_37 = tpu.memref_slice %arg8[%add3A_36, %dma_start3A] : memref<10000x64xf32, #tpu.memory_space<vmem_shared>> -> memref<104x64xf32, #tpu.memory_space<vmem_shared>>
        %dma_start3A_38 = arith.constant 0 : i32
        %dma_start3A_39 = tpu.memref_slice %arg8[%add3A_36, %dma_start3A_38] : memref<10000x64xf32, #tpu.memory_space<vmem_shared>> -> memref<104x64xf32, #tpu.memory_space<vmem_shared>>
        tpu.enqueue_dma source(%arg7 : memref<104x64xf32, #tpu.memory_space<vmem>>) target(%dma_start3A_39 : memref<104x64xf32, #tpu.memory_space<vmem_shared>>) target_semaphore(%run_scoped3A : memref<!tpu.dma_semaphore, #tpu.memory_space<semaphore_mem>>)
        %dma_wait3A = arith.constant 0 : i32
        %dma_wait3A_40 = tpu.memref_slice %arg8[%add3A_36, %dma_wait3A] : memref<10000x64xf32, #tpu.memory_space<vmem_shared>> -> memref<104x64xf32, #tpu.memory_space<vmem_shared>>
        %dma_wait3A_41 = arith.constant 0 : i32
        %dma_wait3A_42 = tpu.memref_slice %arg8[%add3A_36, %dma_wait3A_41] : memref<10000x64xf32, #tpu.memory_space<vmem_shared>> -> memref<104x64xf32, #tpu.memory_space<vmem_shared>>
        tpu.wait_dma2 semaphore(%run_scoped3A : memref<!tpu.dma_semaphore, #tpu.memory_space<semaphore_mem>>) src(%arg7 : memref<104x64xf32, #tpu.memory_space<vmem>>) dst(%dma_wait3A_42 : memref<104x64xf32, #tpu.memory_space<vmem_shared>>)
        tpu.yield
      }) : () -> ()
    }
    %scan3A_8 = arith.constant 6 : i32
    %eq3A = arith.constant 0 : i32
    %eq3A_9 = arith.cmpi eq, %arg1, %eq3A : i32
    %convert_element_type3A = arith.extui %eq3A_9 : i1 to i32
    %cond3A = arith.constant 0 : i32
    %cond3A_10 = arith.cmpi ne, %convert_element_type3A, %cond3A : i32
    scf.if %cond3A_10 {
      "tpu.region"() ({
        %run_scoped3A = tpu.sem_alloc : memref<!tpu.dma_semaphore, #tpu.memory_space<semaphore_mem>>
        %dma_start3A = arith.constant 0 : i32
        %dma_start3A_27 = arith.constant 0 : i32
        %dma_start3A_28 = tpu.memref_slice %arg7[%dma_start3A, %dma_start3A_27] : memref<104x64xf32, #tpu.memory_space<vmem>> -> memref<16x64xf32, #tpu.memory_space<vmem>>
        %dma_start3A_29 = arith.constant 9984 : i32
        %dma_start3A_30 = arith.constant 0 : i32
        %dma_start3A_31 = tpu.memref_slice %arg8[%dma_start3A_29, %dma_start3A_30] : memref<10000x64xf32, #tpu.memory_space<vmem_shared>> -> memref<16x64xf32, #tpu.memory_space<vmem_shared>>
        %dma_start3A_32 = arith.constant 9984 : i32
        %dma_start3A_33 = arith.constant 0 : i32
        %dma_start3A_34 = tpu.memref_slice %arg8[%dma_start3A_32, %dma_start3A_33] : memref<10000x64xf32, #tpu.memory_space<vmem_shared>> -> memref<16x64xf32, #tpu.memory_space<vmem_shared>>
        %dma_start3A_35 = arith.constant 0 : i32
        %dma_start3A_36 = arith.constant 0 : i32
        %dma_start3A_37 = tpu.memref_slice %arg7[%dma_start3A_35, %dma_start3A_36] : memref<104x64xf32, #tpu.memory_space<vmem>> -> memref<16x64xf32, #tpu.memory_space<vmem>>
        tpu.enqueue_dma source(%dma_start3A_37 : memref<16x64xf32, #tpu.memory_space<vmem>>) target(%dma_start3A_34 : memref<16x64xf32, #tpu.memory_space<vmem_shared>>) target_semaphore(%run_scoped3A : memref<!tpu.dma_semaphore, #tpu.memory_space<semaphore_mem>>)
        %dma_wait3A = arith.constant 0 : i32
        %dma_wait3A_38 = arith.constant 0 : i32
        %dma_wait3A_39 = tpu.memref_slice %arg7[%dma_wait3A, %dma_wait3A_38] : memref<104x64xf32, #tpu.memory_space<vmem>> -> memref<16x64xf32, #tpu.memory_space<vmem>>
        %dma_wait3A_40 = arith.constant 9984 : i32
        %dma_wait3A_41 = arith.constant 0 : i32
        %dma_wait3A_42 = tpu.memref_slice %arg8[%dma_wait3A_40, %dma_wait3A_41] : memref<10000x64xf32, #tpu.memory_space<vmem_shared>> -> memref<16x64xf32, #tpu.memory_space<vmem_shared>>
        %dma_wait3A_43 = arith.constant 9984 : i32
        %dma_wait3A_44 = arith.constant 0 : i32
        %dma_wait3A_45 = tpu.memref_slice %arg8[%dma_wait3A_43, %dma_wait3A_44] : memref<10000x64xf32, #tpu.memory_space<vmem_shared>> -> memref<16x64xf32, #tpu.memory_space<vmem_shared>>
        %dma_wait3A_46 = arith.constant 0 : i32
        %dma_wait3A_47 = arith.constant 0 : i32
        %dma_wait3A_48 = tpu.memref_slice %arg7[%dma_wait3A_46, %dma_wait3A_47] : memref<104x64xf32, #tpu.memory_space<vmem>> -> memref<16x64xf32, #tpu.memory_space<vmem>>
        tpu.wait_dma2 semaphore(%run_scoped3A : memref<!tpu.dma_semaphore, #tpu.memory_space<semaphore_mem>>) src(%dma_wait3A_48 : memref<16x64xf32, #tpu.memory_space<vmem>>) dst(%dma_wait3A_45 : memref<16x64xf32, #tpu.memory_space<vmem_shared>>)
        tpu.yield
      }) : () -> ()
    } else {
    }
    %barrier3A = arith.constant 0 : index
    tpu.barrier barrier_id(%barrier3A)
    %mul3A = arith.constant 2 : i32
    %mul3A_11 = arith.muli %arg1, %mul3A : i32
    %add3A = arith.addi %mul3A_11, %arg0 : i32
    "tpu.region"() ({
      %run_scoped3A = tpu.sem_alloc : memref<!tpu.dma_semaphore, #tpu.memory_space<semaphore_mem>>
      %dma_start3A = arith.constant 0 : i32
      %dma_start3A_27 = arith.constant 0 : i32
      %dma_start3A_28 = tpu.memref_slice %arg3[%add3A, %dma_start3A, %dma_start3A_27] : memref<32x125x80xi32, #tpu.memory_space<hbm>> -> memref<1x125x80xi32, #tpu.memory_space<hbm>>
      %dma_start3A_29 = tpu.memref_squeeze %dma_start3A_28 : memref<1x125x80xi32, #tpu.memory_space<hbm>> -> memref<125x80xi32, #tpu.memory_space<hbm>>
      %dma_start3A_30 = arith.constant 0 : i32
      %dma_start3A_31 = arith.constant 0 : i32
      %dma_start3A_32 = tpu.memref_slice %arg3[%add3A, %dma_start3A_30, %dma_start3A_31] : memref<32x125x80xi32, #tpu.memory_space<hbm>> -> memref<1x125x80xi32, #tpu.memory_space<hbm>>
      %dma_start3A_33 = tpu.memref_squeeze %dma_start3A_32 : memref<1x125x80xi32, #tpu.memory_space<hbm>> -> memref<125x80xi32, #tpu.memory_space<hbm>>
      tpu.enqueue_dma source(%dma_start3A_33 : memref<125x80xi32, #tpu.memory_space<hbm>>) target(%arg5 : memref<125x80xi32, #tpu.memory_space<vmem>>) target_semaphore(%run_scoped3A : memref<!tpu.dma_semaphore, #tpu.memory_space<semaphore_mem>>)
      %dma_wait3A = arith.constant 0 : i32
      %dma_wait3A_34 = arith.constant 0 : i32
      %dma_wait3A_35 = tpu.memref_slice %arg3[%add3A, %dma_wait3A, %dma_wait3A_34] : memref<32x125x80xi32, #tpu.memory_space<hbm>> -> memref<1x125x80xi32, #tpu.memory_space<hbm>>
      %dma_wait3A_36 = tpu.memref_squeeze %dma_wait3A_35 : memref<1x125x80xi32, #tpu.memory_space<hbm>> -> memref<125x80xi32, #tpu.memory_space<hbm>>
      %dma_wait3A_37 = arith.constant 0 : i32
      %dma_wait3A_38 = arith.constant 0 : i32
      %dma_wait3A_39 = tpu.memref_slice %arg3[%add3A, %dma_wait3A_37, %dma_wait3A_38] : memref<32x125x80xi32, #tpu.memory_space<hbm>> -> memref<1x125x80xi32, #tpu.memory_space<hbm>>
      %dma_wait3A_40 = tpu.memref_squeeze %dma_wait3A_39 : memref<1x125x80xi32, #tpu.memory_space<hbm>> -> memref<125x80xi32, #tpu.memory_space<hbm>>
      tpu.wait_dma2 semaphore(%run_scoped3A : memref<!tpu.dma_semaphore, #tpu.memory_space<semaphore_mem>>) src(%dma_wait3A_40 : memref<125x80xi32, #tpu.memory_space<hbm>>) dst(%arg5 : memref<125x80xi32, #tpu.memory_space<vmem>>)
      tpu.yield
    }) : () -> ()
    %scan3A_12 = arith.constant 0 : i32
    %scan3A_13 = arith.constant 125 : i32
    %scan3A_14 = arith.addi %scan3A_12, %scan3A_13 : i32
    %scan3A_15 = arith.constant 1 : i32
    scf.for %scan3A_27 = %scan3A_12 to %scan3A_14 step %scan3A_15  : i32 {
      %mul3A_28 = arith.constant 1 : i32
      %mul3A_29 = arith.muli %scan3A_27, %mul3A_28 : i32
      %add3A_30 = arith.constant 0 : i32
      %add3A_31 = arith.addi %add3A_30, %mul3A_29 : i32
      %mul3A_32 = arith.constant 10000 : i32
      %mul3A_33 = arith.muli %add3A, %mul3A_32 : i32
      %mul3A_34 = arith.constant 80 : i32
      %mul3A_35 = arith.muli %add3A_31, %mul3A_34 : i32
      %add3A_36 = arith.addi %mul3A_33, %mul3A_35 : i32
      "tpu.region"() ({
        %run_scoped3A = tpu.sem_alloc : memref<!tpu.dma_semaphore, #tpu.memory_space<semaphore_mem>>
        %dma_start3A = arith.constant 0 : i32
        %dma_start3A_37 = tpu.memref_slice %arg2[%add3A_36, %dma_start3A] : memref<320000x64xf32, #tpu.memory_space<hbm>> -> memref<80x64xf32, #tpu.memory_space<hbm>>
        %dma_start3A_38 = arith.constant 0 : i32
        %dma_start3A_39 = tpu.memref_slice %arg2[%add3A_36, %dma_start3A_38] : memref<320000x64xf32, #tpu.memory_space<hbm>> -> memref<80x64xf32, #tpu.memory_space<hbm>>
        tpu.enqueue_dma source(%dma_start3A_39 : memref<80x64xf32, #tpu.memory_space<hbm>>) target(%arg6 : memref<80x64xf32, #tpu.memory_space<vmem>>) target_semaphore(%run_scoped3A : memref<!tpu.dma_semaphore, #tpu.memory_space<semaphore_mem>>)
        %dma_wait3A = arith.constant 0 : i32
        %dma_wait3A_40 = tpu.memref_slice %arg2[%add3A_36, %dma_wait3A] : memref<320000x64xf32, #tpu.memory_space<hbm>> -> memref<80x64xf32, #tpu.memory_space<hbm>>
        %dma_wait3A_41 = arith.constant 0 : i32
        %dma_wait3A_42 = tpu.memref_slice %arg2[%add3A_36, %dma_wait3A_41] : memref<320000x64xf32, #tpu.memory_space<hbm>> -> memref<80x64xf32, #tpu.memory_space<hbm>>
        tpu.wait_dma2 semaphore(%run_scoped3A : memref<!tpu.dma_semaphore, #tpu.memory_space<semaphore_mem>>) src(%dma_wait3A_42 : memref<80x64xf32, #tpu.memory_space<hbm>>) dst(%arg6 : memref<80x64xf32, #tpu.memory_space<vmem>>)
        tpu.yield
      }) : () -> ()
      "tpu.region"() ({
        %run_scoped3A = tpu.sem_alloc : memref<!tpu.dma_semaphore, #tpu.memory_space<semaphore_mem>>
        %dma_start3A = arith.constant 0 : i32
        %dma_start3A_37 = tpu.memref_slice %arg5[%add3A_31, %dma_start3A] : memref<125x80xi32, #tpu.memory_space<vmem>> -> memref<1x80xi32, #tpu.memory_space<vmem>>
        %dma_start3A_38 = tpu.memref_squeeze %dma_start3A_37 : memref<1x80xi32, #tpu.memory_space<vmem>> -> memref<80xi32, #tpu.memory_space<vmem>>
        %dma_start3A_39 = arith.constant 0 : i32
        %dma_start3A_40 = arith.constant 0 : i32
        %dma_start3A_41 = tpu.memref_slice %arg8[%dma_start3A_39, %dma_start3A_40] : memref<10000x64xf32, #tpu.memory_space<vmem_shared>> -> memref<10000x64xf32, #tpu.memory_space<vmem_shared>>
        tpu.enqueue_indirect_dma source(%arg6 : memref<80x64xf32, #tpu.memory_space<vmem>>) target(%dma_start3A_41 : memref<10000x64xf32, #tpu.memory_space<vmem_shared>>) offsets(%dma_start3A_38 : memref<80xi32, #tpu.memory_space<vmem>>) semaphore(%run_scoped3A : memref<!tpu.dma_semaphore, #tpu.memory_space<semaphore_mem>>) {add = true}
        %dma_wait3A = arith.constant 0 : i32
        %dma_wait3A_42 = tpu.memref_slice %arg5[%add3A_31, %dma_wait3A] : memref<125x80xi32, #tpu.memory_space<vmem>> -> memref<1x80xi32, #tpu.memory_space<vmem>>
        %dma_wait3A_43 = tpu.memref_squeeze %dma_wait3A_42 : memref<1x80xi32, #tpu.memory_space<vmem>> -> memref<80xi32, #tpu.memory_space<vmem>>
        %dma_wait3A_44 = arith.constant 0 : i32
        %dma_wait3A_45 = arith.constant 0 : i32
        %dma_wait3A_46 = tpu.memref_slice %arg8[%dma_wait3A_44, %dma_wait3A_45] : memref<10000x64xf32, #tpu.memory_space<vmem_shared>> -> memref<10000x64xf32, #tpu.memory_space<vmem_shared>>
        tpu.wait_indirect_dma semaphore(%run_scoped3A : memref<!tpu.dma_semaphore, #tpu.memory_space<semaphore_mem>>) src(%arg6 : memref<80x64xf32, #tpu.memory_space<vmem>>) dst(%dma_wait3A_46 : memref<10000x64xf32, #tpu.memory_space<vmem_shared>>)
        tpu.yield
      }) : () -> ()
    }
    %scan3A_16 = arith.constant 125 : i32
    %barrier3A_17 = arith.constant 0 : index
    tpu.barrier barrier_id(%barrier3A_17)
    %mul3A_18 = arith.constant 624 : i32
    %mul3A_19 = arith.muli %arg1, %mul3A_18 : i32
    %mul3A_20 = arith.constant 624 : i32
    %mul3A_21 = arith.muli %arg1, %mul3A_20 : i32
    "tpu.region"() ({
      %run_scoped3A = tpu.sem_alloc : memref<!tpu.dma_semaphore, #tpu.memory_space<semaphore_mem>>
      %dma_start3A = arith.constant 0 : i32
      %dma_start3A_27 = tpu.memref_slice %arg4[%arg0, %mul3A_21, %dma_start3A] : memref<2x10000x64xf32, #tpu.memory_space<hbm>> -> memref<1x624x64xf32, #tpu.memory_space<hbm>>
      %dma_start3A_28 = tpu.memref_squeeze %dma_start3A_27 : memref<1x624x64xf32, #tpu.memory_space<hbm>> -> memref<624x64xf32, #tpu.memory_space<hbm>>
      %dma_start3A_29 = arith.constant 0 : i32
      %dma_start3A_30 = tpu.memref_slice %arg8[%mul3A_19, %dma_start3A_29] : memref<10000x64xf32, #tpu.memory_space<vmem_shared>> -> memref<624x64xf32, #tpu.memory_space<vmem_shared>>
      tpu.enqueue_dma source(%dma_start3A_30 : memref<624x64xf32, #tpu.memory_space<vmem_shared>>) target(%dma_start3A_28 : memref<624x64xf32, #tpu.memory_space<hbm>>) target_semaphore(%run_scoped3A : memref<!tpu.dma_semaphore, #tpu.memory_space<semaphore_mem>>)
      %dma_wait3A = arith.constant 0 : i32
      %dma_wait3A_31 = tpu.memref_slice %arg4[%arg0, %mul3A_21, %dma_wait3A] : memref<2x10000x64xf32, #tpu.memory_space<hbm>> -> memref<1x624x64xf32, #tpu.memory_space<hbm>>
      %dma_wait3A_32 = tpu.memref_squeeze %dma_wait3A_31 : memref<1x624x64xf32, #tpu.memory_space<hbm>> -> memref<624x64xf32, #tpu.memory_space<hbm>>
      %dma_wait3A_33 = arith.constant 0 : i32
      %dma_wait3A_34 = tpu.memref_slice %arg8[%mul3A_19, %dma_wait3A_33] : memref<10000x64xf32, #tpu.memory_space<vmem_shared>> -> memref<624x64xf32, #tpu.memory_space<vmem_shared>>
      tpu.wait_dma2 semaphore(%run_scoped3A : memref<!tpu.dma_semaphore, #tpu.memory_space<semaphore_mem>>) src(%dma_wait3A_34 : memref<624x64xf32, #tpu.memory_space<vmem_shared>>) dst(%dma_wait3A_32 : memref<624x64xf32, #tpu.memory_space<hbm>>)
      tpu.yield
    }) : () -> ()
    %eq3A_22 = arith.constant 0 : i32
    %eq3A_23 = arith.cmpi eq, %arg1, %eq3A_22 : i32
    %convert_element_type3A_24 = arith.extui %eq3A_23 : i1 to i32
    %cond3A_25 = arith.constant 0 : i32
    %cond3A_26 = arith.cmpi ne, %convert_element_type3A_24, %cond3A_25 : i32
    scf.if %cond3A_26 {
      "tpu.region"() ({
        %run_scoped3A = tpu.sem_alloc : memref<!tpu.dma_semaphore, #tpu.memory_space<semaphore_mem>>
        %dma_start3A = arith.constant 9984 : i32
        %dma_start3A_27 = arith.constant 0 : i32
        %dma_start3A_28 = tpu.memref_slice %arg4[%arg0, %dma_start3A, %dma_start3A_27] : memref<2x10000x64xf32, #tpu.memory_space<hbm>> -> memref<1x16x64xf32, #tpu.memory_space<hbm>>
        %dma_start3A_29 = tpu.memref_squeeze %dma_start3A_28 : memref<1x16x64xf32, #tpu.memory_space<hbm>> -> memref<16x64xf32, #tpu.memory_space<hbm>>
        %dma_start3A_30 = arith.constant 9984 : i32
        %dma_start3A_31 = arith.constant 0 : i32
        %dma_start3A_32 = tpu.memref_slice %arg8[%dma_start3A_30, %dma_start3A_31] : memref<10000x64xf32, #tpu.memory_space<vmem_shared>> -> memref<16x64xf32, #tpu.memory_space<vmem_shared>>
        tpu.enqueue_dma source(%dma_start3A_32 : memref<16x64xf32, #tpu.memory_space<vmem_shared>>) target(%dma_start3A_29 : memref<16x64xf32, #tpu.memory_space<hbm>>) target_semaphore(%run_scoped3A : memref<!tpu.dma_semaphore, #tpu.memory_space<semaphore_mem>>)
        %dma_wait3A = arith.constant 9984 : i32
        %dma_wait3A_33 = arith.constant 0 : i32
        %dma_wait3A_34 = tpu.memref_slice %arg4[%arg0, %dma_wait3A, %dma_wait3A_33] : memref<2x10000x64xf32, #tpu.memory_space<hbm>> -> memref<1x16x64xf32, #tpu.memory_space<hbm>>
        %dma_wait3A_35 = tpu.memref_squeeze %dma_wait3A_34 : memref<1x16x64xf32, #tpu.memory_space<hbm>> -> memref<16x64xf32, #tpu.memory_space<hbm>>
        %dma_wait3A_36 = arith.constant 9984 : i32
        %dma_wait3A_37 = arith.constant 0 : i32
        %dma_wait3A_38 = tpu.memref_slice %arg8[%dma_wait3A_36, %dma_wait3A_37] : memref<10000x64xf32, #tpu.memory_space<vmem_shared>> -> memref<16x64xf32, #tpu.memory_space<vmem_shared>>
        tpu.wait_dma2 semaphore(%run_scoped3A : memref<!tpu.dma_semaphore, #tpu.memory_space<semaphore_mem>>) src(%dma_wait3A_38 : memref<16x64xf32, #tpu.memory_space<vmem_shared>>) dst(%dma_wait3A_35 : memref<16x64xf32, #tpu.memory_space<hbm>>)
        tpu.yield
      }) : () -> ()
    } else {
    }
    return
  }
}

module attributes {stable_mosaic.version = 14 : i64} {
  func.func @body(%arg0: i32, %arg1: memref<2000x128xf32, #tpu.memory_space<vmem>>, %arg2: memref<128x128xf32, #tpu.memory_space<vmem>>, %arg3: memref<1x128xf32, #tpu.memory_space<vmem>>, %arg4: memref<2000x128xf32, #tpu.memory_space<vmem>>) attributes {dimension_semantics = [#tpu.dimension_semantics<arbitrary>], iteration_bounds = array<i64: 5>, scalar_prefetch = 0 : i64, scratch_operands = 0 : i64, tpu.core_type = #tpu.core_type<tc>, window_params = [{transform_indices = @transform_0, window_bounds = array<i64: 2000, 128>}, {pipeline_mode = #tpu.pipeline_mode<synchronous>, transform_indices = @transform_1, window_bounds = array<i64: 128, 128>}, {pipeline_mode = #tpu.pipeline_mode<synchronous>, transform_indices = @transform_2, window_bounds = array<i64: 1, 128>}, {transform_indices = @transform_3, window_bounds = array<i64: 2000, 128>}]} {
    %get3A = arith.constant 0 : index
    %get3A_0 = arith.constant 0 : index
    %get3A_1 = vector.load %arg1[%get3A, %get3A_0] : memref<2000x128xf32, #tpu.memory_space<vmem>>, vector<2000x128xf32>
    %get3A_2 = arith.constant 0 : index
    %get3A_3 = arith.constant 0 : index
    %get3A_4 = vector.load %arg2[%get3A_2, %get3A_3] : memref<128x128xf32, #tpu.memory_space<vmem>>, vector<128x128xf32>
    %dot_general3A = arith.constant dense<0.000000e+00> : vector<2000x128xf32>
    %dot_general3A_5 = tpu.matmul %get3A_1, %get3A_4, %dot_general3A {dimension_numbers = #tpu.dot_dimension_numbers<[1], [0], [0], [1], [0, 0, 1, 1], [], []>, transpose_lhs_hint = false} : vector<2000x128xf32>, vector<128x128xf32>, vector<2000x128xf32> -> vector<2000x128xf32>
    %get3A_6 = arith.constant 0 : index
    %get3A_7 = arith.constant 0 : index
    %get3A_8 = vector.load %arg3[%get3A_6, %get3A_7] : memref<1x128xf32, #tpu.memory_space<vmem>>, vector<1x128xf32>
    %add3A = vector.broadcast %get3A_8 : vector<1x128xf32> to vector<2000x128xf32>
    %add3A_9 = arith.addf %dot_general3A_5, %add3A : vector<2000x128xf32>
    %swap3A = arith.constant 0 : index
    %swap3A_10 = arith.constant 0 : index
    %swap3A_11 = vector.load %arg4[%swap3A, %swap3A_10] : memref<2000x128xf32, #tpu.memory_space<vmem>>, vector<2000x128xf32>
    tpu.vector_store %arg4[%swap3A, %swap3A_10], %add3A_9 {strides = array<i32>} : memref<2000x128xf32, #tpu.memory_space<vmem>>, vector<2000x128xf32>,
    return
  }
  func.func @transform_0(%arg0: i32) -> (i32, i32) {
    %c0_i32 = arith.constant 0 : i32
    %c0_i32_0 = arith.constant 0 : i32
    return %arg0, %c0_i32 : i32, i32
  }
  func.func @transform_1(%arg0: i32) -> (i32, i32) {
    %c0_i32 = arith.constant 0 : i32
    %c0_i32_0 = arith.constant 0 : i32
    %c0_i32_1 = arith.constant 0 : i32
    return %c0_i32, %c0_i32_0 : i32, i32
  }
  func.func @transform_2(%arg0: i32) -> (i32, i32) {
    %c0_i32 = arith.constant 0 : i32
    %c0_i32_0 = arith.constant 0 : i32
    %c0_i32_1 = arith.constant 0 : i32
    return %c0_i32, %c0_i32_0 : i32, i32
  }
  func.func @transform_3(%arg0: i32) -> (i32, i32) {
    %c0_i32 = arith.constant 0 : i32
    %c0_i32_0 = arith.constant 0 : i32
    return %arg0, %c0_i32 : i32, i32
  }
}

module attributes {stable_mosaic.version = 14 : i64} {
  func.func @body(%arg0: i32, %arg1: memref<2000x128xf32, #tpu.memory_space<vmem>>, %arg2: memref<64x64xf32, #tpu.memory_space<vmem>>, %arg3: memref<64x64xf32, #tpu.memory_space<vmem>>, %arg4: memref<64x64xf32, #tpu.memory_space<vmem>>, %arg5: memref<1x64xf32, #tpu.memory_space<vmem>>, %arg6: memref<1x64xf32, #tpu.memory_space<vmem>>, %arg7: memref<2000x128xf32, #tpu.memory_space<vmem>>, %arg8: memref<2000x128xf32, #tpu.memory_space<vmem>>) attributes {dimension_semantics = [#tpu.dimension_semantics<arbitrary>], iteration_bounds = array<i64: 5>, scalar_prefetch = 0 : i64, scratch_operands = 0 : i64, tpu.core_type = #tpu.core_type<tc>, window_params = [{transform_indices = @transform_0, window_bounds = array<i64: 2000, 128>}, {pipeline_mode = #tpu.pipeline_mode<synchronous>, transform_indices = @transform_1, window_bounds = array<i64: 64, 64>}, {pipeline_mode = #tpu.pipeline_mode<synchronous>, transform_indices = @transform_2, window_bounds = array<i64: 64, 64>}, {pipeline_mode = #tpu.pipeline_mode<synchronous>, transform_indices = @transform_3, window_bounds = array<i64: 64, 64>}, {pipeline_mode = #tpu.pipeline_mode<synchronous>, transform_indices = @transform_4, window_bounds = array<i64: 1, 64>}, {pipeline_mode = #tpu.pipeline_mode<synchronous>, transform_indices = @transform_5, window_bounds = array<i64: 1, 64>}, {transform_indices = @transform_6, window_bounds = array<i64: 2000, 128>}, {transform_indices = @transform_7, window_bounds = array<i64: 2000, 128>}]} {
    %get3A = arith.constant 0 : index
    %get3A_0 = arith.constant 0 : index
    %get3A_1 = vector.load %arg1[%get3A, %get3A_0] : memref<2000x128xf32, #tpu.memory_space<vmem>>, vector<2000x64xf32>
    %get3A_2 = arith.constant 0 : index
    %get3A_3 = arith.constant 0 : index
    %get3A_4 = vector.load %arg2[%get3A_2, %get3A_3] : memref<64x64xf32, #tpu.memory_space<vmem>>, vector<64x64xf32>
    %dot_general3A = arith.constant dense<0.000000e+00> : vector<2000x64xf32>
    %dot_general3A_5 = tpu.matmul %get3A_1, %get3A_4, %dot_general3A {dimension_numbers = #tpu.dot_dimension_numbers<[1], [0], [0], [1], [0, 0, 1, 1], [], []>, transpose_lhs_hint = false} : vector<2000x64xf32>, vector<64x64xf32>, vector<2000x64xf32> -> vector<2000x64xf32>
    %get3A_6 = arith.constant 0 : index
    %get3A_7 = arith.constant 0 : index
    %get3A_8 = vector.load %arg5[%get3A_6, %get3A_7] : memref<1x64xf32, #tpu.memory_space<vmem>>, vector<1x64xf32>
    %add3A = vector.broadcast %get3A_8 : vector<1x64xf32> to vector<2000x64xf32>
    %add3A_9 = arith.addf %dot_general3A_5, %add3A : vector<2000x64xf32>
    %swap3A = arith.constant 0 : index
    %swap3A_10 = arith.constant 0 : index
    %swap3A_11 = vector.load %arg7[%swap3A, %swap3A_10] : memref<2000x128xf32, #tpu.memory_space<vmem>>, vector<2000x64xf32>
    tpu.vector_store %arg7[%swap3A, %swap3A_10], %add3A_9 {strides = array<i32>} : memref<2000x128xf32, #tpu.memory_space<vmem>>, vector<2000x64xf32>,
    %get3A_12 = arith.constant 0 : index
    %get3A_13 = arith.constant 0 : index
    %get3A_14 = vector.load %arg4[%get3A_12, %get3A_13] : memref<64x64xf32, #tpu.memory_space<vmem>>, vector<64x64xf32>
    %dot_general3A_15 = arith.constant dense<0.000000e+00> : vector<2000x64xf32>
    %dot_general3A_16 = tpu.matmul %get3A_1, %get3A_14, %dot_general3A_15 {dimension_numbers = #tpu.dot_dimension_numbers<[1], [0], [0], [1], [0, 0, 1, 1], [], []>, transpose_lhs_hint = false} : vector<2000x64xf32>, vector<64x64xf32>, vector<2000x64xf32> -> vector<2000x64xf32>
    %get3A_17 = arith.constant 0 : index
    %get3A_18 = arith.constant 0 : index
    %get3A_19 = vector.load %arg6[%get3A_17, %get3A_18] : memref<1x64xf32, #tpu.memory_space<vmem>>, vector<1x64xf32>
    %add3A_20 = vector.broadcast %get3A_19 : vector<1x64xf32> to vector<2000x64xf32>
    %add3A_21 = arith.addf %dot_general3A_16, %add3A_20 : vector<2000x64xf32>
    %swap3A_22 = arith.constant 0 : index
    %swap3A_23 = arith.constant 64 : index
    %swap3A_24 = vector.load %arg7[%swap3A_22, %swap3A_23] : memref<2000x128xf32, #tpu.memory_space<vmem>>, vector<2000x64xf32>
    tpu.vector_store %arg7[%swap3A_22, %swap3A_23], %add3A_21 {strides = array<i32>} : memref<2000x128xf32, #tpu.memory_space<vmem>>, vector<2000x64xf32>,
    %get3A_25 = arith.constant 0 : index
    %get3A_26 = arith.constant 0 : index
    %get3A_27 = vector.load %arg3[%get3A_25, %get3A_26] : memref<64x64xf32, #tpu.memory_space<vmem>>, vector<64x64xf32>
    %dot_general3A_28 = arith.constant dense<0.000000e+00> : vector<2000x64xf32>
    %dot_general3A_29 = tpu.matmul %get3A_1, %get3A_27, %dot_general3A_28 {dimension_numbers = #tpu.dot_dimension_numbers<[1], [0], [0], [1], [0, 0, 1, 1], [], []>, transpose_lhs_hint = false} : vector<2000x64xf32>, vector<64x64xf32>, vector<2000x64xf32> -> vector<2000x64xf32>
    %swap3A_30 = arith.constant 0 : index
    %swap3A_31 = arith.constant 0 : index
    %swap3A_32 = vector.load %arg8[%swap3A_30, %swap3A_31] : memref<2000x128xf32, #tpu.memory_space<vmem>>, vector<2000x64xf32>
    tpu.vector_store %arg8[%swap3A_30, %swap3A_31], %dot_general3A_29 {strides = array<i32>} : memref<2000x128xf32, #tpu.memory_space<vmem>>, vector<2000x64xf32>,
    %broadcast_in_dim3A = arith.constant 0.000000e+00 : f32
    %broadcast_in_dim3A_33 = vector.broadcast %broadcast_in_dim3A : f32 to vector<2000x64xf32>
    %swap3A_34 = arith.constant 0 : index
    %swap3A_35 = arith.constant 64 : index
    %swap3A_36 = vector.load %arg8[%swap3A_34, %swap3A_35] : memref<2000x128xf32, #tpu.memory_space<vmem>>, vector<2000x64xf32>
    tpu.vector_store %arg8[%swap3A_34, %swap3A_35], %broadcast_in_dim3A_33 {strides = array<i32>} : memref<2000x128xf32, #tpu.memory_space<vmem>>, vector<2000x64xf32>,
    return
  }
  func.func @transform_0(%arg0: i32) -> (i32, i32) {
    %c0_i32 = arith.constant 0 : i32
    %c0_i32_0 = arith.constant 0 : i32
    return %arg0, %c0_i32 : i32, i32
  }
  func.func @transform_1(%arg0: i32) -> (i32, i32) {
    %c0_i32 = arith.constant 0 : i32
    %c0_i32_0 = arith.constant 0 : i32
    %c0_i32_1 = arith.constant 0 : i32
    return %c0_i32, %c0_i32_0 : i32, i32
  }
  func.func @transform_2(%arg0: i32) -> (i32, i32) {
    %c0_i32 = arith.constant 0 : i32
    %c0_i32_0 = arith.constant 0 : i32
    %c0_i32_1 = arith.constant 0 : i32
    return %c0_i32, %c0_i32_0 : i32, i32
  }
  func.func @transform_3(%arg0: i32) -> (i32, i32) {
    %c0_i32 = arith.constant 0 : i32
    %c0_i32_0 = arith.constant 0 : i32
    %c0_i32_1 = arith.constant 0 : i32
    return %c0_i32, %c0_i32_0 : i32, i32
  }
  func.func @transform_4(%arg0: i32) -> (i32, i32) {
    %c0_i32 = arith.constant 0 : i32
    %c0_i32_0 = arith.constant 0 : i32
    %c0_i32_1 = arith.constant 0 : i32
    return %c0_i32, %c0_i32_0 : i32, i32
  }
  func.func @transform_5(%arg0: i32) -> (i32, i32) {
    %c0_i32 = arith.constant 0 : i32
    %c0_i32_0 = arith.constant 0 : i32
    %c0_i32_1 = arith.constant 0 : i32
    return %c0_i32, %c0_i32_0 : i32, i32
  }
  func.func @transform_6(%arg0: i32) -> (i32, i32) {
    %c0_i32 = arith.constant 0 : i32
    %c0_i32_0 = arith.constant 0 : i32
    return %arg0, %c0_i32 : i32, i32
  }
  func.func @transform_7(%arg0: i32) -> (i32, i32) {
    %c0_i32 = arith.constant 0 : i32
    %c0_i32_0 = arith.constant 0 : i32
    return %arg0, %c0_i32 : i32, i32
  }
}

module attributes {stable_mosaic.version = 14 : i64} {
  func.func @body(%arg0: i32, %arg1: memref<2000x16xf32, #tpu.memory_space<vmem>>, %arg2: memref<16x64xf32, #tpu.memory_space<vmem>>, %arg3: memref<1x64xf32, #tpu.memory_space<vmem>>, %arg4: memref<2000x64xf32, #tpu.memory_space<vmem>>) attributes {dimension_semantics = [#tpu.dimension_semantics<arbitrary>], iteration_bounds = array<i64: 160>, scalar_prefetch = 0 : i64, scratch_operands = 0 : i64, tpu.core_type = #tpu.core_type<tc>, window_params = [{transform_indices = @transform_0, window_bounds = array<i64: 2000, 16>}, {pipeline_mode = #tpu.pipeline_mode<synchronous>, transform_indices = @transform_1, window_bounds = array<i64: 16, 64>}, {pipeline_mode = #tpu.pipeline_mode<synchronous>, transform_indices = @transform_2, window_bounds = array<i64: 1, 64>}, {transform_indices = @transform_3, window_bounds = array<i64: 2000, 64>}]} {
    %get3A = arith.constant 0 : index
    %get3A_0 = arith.constant 0 : index
    %get3A_1 = vector.load %arg1[%get3A, %get3A_0] : memref<2000x16xf32, #tpu.memory_space<vmem>>, vector<2000x16xf32>
    %get3A_2 = arith.constant 0 : index
    %get3A_3 = arith.constant 0 : index
    %get3A_4 = vector.load %arg2[%get3A_2, %get3A_3] : memref<16x64xf32, #tpu.memory_space<vmem>>, vector<16x64xf32>
    %dot_general3A = arith.constant dense<0.000000e+00> : vector<2000x64xf32>
    %dot_general3A_5 = tpu.matmul %get3A_1, %get3A_4, %dot_general3A {dimension_numbers = #tpu.dot_dimension_numbers<[1], [0], [0], [1], [0, 0, 1, 1], [], []>, transpose_lhs_hint = false} : vector<2000x16xf32>, vector<16x64xf32>, vector<2000x64xf32> -> vector<2000x64xf32>
    %get3A_6 = arith.constant 0 : index
    %get3A_7 = arith.constant 0 : index
    %get3A_8 = vector.load %arg3[%get3A_6, %get3A_7] : memref<1x64xf32, #tpu.memory_space<vmem>>, vector<1x64xf32>
    %add3A = vector.broadcast %get3A_8 : vector<1x64xf32> to vector<2000x64xf32>
    %add3A_9 = arith.addf %dot_general3A_5, %add3A : vector<2000x64xf32>
    %swap3A = arith.constant 0 : index
    %swap3A_10 = arith.constant 0 : index
    %swap3A_11 = vector.load %arg4[%swap3A, %swap3A_10] : memref<2000x64xf32, #tpu.memory_space<vmem>>, vector<2000x64xf32>
    tpu.vector_store %arg4[%swap3A, %swap3A_10], %add3A_9 {strides = array<i32>} : memref<2000x64xf32, #tpu.memory_space<vmem>>, vector<2000x64xf32>,
    return
  }
  func.func @transform_0(%arg0: i32) -> (i32, i32) {
    %c0_i32 = arith.constant 0 : i32
    %c0_i32_0 = arith.constant 0 : i32
    return %arg0, %c0_i32 : i32, i32
  }
  func.func @transform_1(%arg0: i32) -> (i32, i32) {
    %c0_i32 = arith.constant 0 : i32
    %c0_i32_0 = arith.constant 0 : i32
    %c0_i32_1 = arith.constant 0 : i32
    return %c0_i32, %c0_i32_0 : i32, i32
  }
  func.func @transform_2(%arg0: i32) -> (i32, i32) {
    %c0_i32 = arith.constant 0 : i32
    %c0_i32_0 = arith.constant 0 : i32
    %c0_i32_1 = arith.constant 0 : i32
    return %c0_i32, %c0_i32_0 : i32, i32
  }
  func.func @transform_3(%arg0: i32) -> (i32, i32) {
    %c0_i32 = arith.constant 0 : i32
    %c0_i32_0 = arith.constant 0 : i32
    return %arg0, %c0_i32 : i32, i32
  }
}

module attributes {stable_mosaic.version = 14 : i64} {
  func.func @body(%arg0: i32, %arg1: memref<2000x128xf32, #tpu.memory_space<vmem>>, %arg2: memref<2000x128xf32, #tpu.memory_space<vmem>>, %arg3: memref<2000x64xf32, #tpu.memory_space<vmem>>, %arg4: memref<64x64xf32, #tpu.memory_space<vmem>>, %arg5: memref<64x64xf32, #tpu.memory_space<vmem>>, %arg6: memref<1x64xf32, #tpu.memory_space<vmem>>, %arg7: memref<64x64xf32, #tpu.memory_space<vmem>>, %arg8: memref<64x64xf32, #tpu.memory_space<vmem>>, %arg9: memref<1x64xf32, #tpu.memory_space<vmem>>, %arg10: memref<2000x64xf32, #tpu.memory_space<vmem>>, %arg11: memref<2000x64xf32, #tpu.memory_space<vmem>>) attributes {dimension_semantics = [#tpu.dimension_semantics<arbitrary>], iteration_bounds = array<i64: 160>, scalar_prefetch = 0 : i64, scratch_operands = 0 : i64, tpu.core_type = #tpu.core_type<tc>, window_params = [{transform_indices = @transform_0, window_bounds = array<i64: 2000, 128>}, {transform_indices = @transform_1, window_bounds = array<i64: 2000, 128>}, {transform_indices = @transform_2, window_bounds = array<i64: 2000, 64>}, {pipeline_mode = #tpu.pipeline_mode<synchronous>, transform_indices = @transform_3, window_bounds = array<i64: 64, 64>}, {pipeline_mode = #tpu.pipeline_mode<synchronous>, transform_indices = @transform_4, window_bounds = array<i64: 64, 64>}, {pipeline_mode = #tpu.pipeline_mode<synchronous>, transform_indices = @transform_5, window_bounds = array<i64: 1, 64>}, {pipeline_mode = #tpu.pipeline_mode<synchronous>, transform_indices = @transform_6, window_bounds = array<i64: 64, 64>}, {pipeline_mode = #tpu.pipeline_mode<synchronous>, transform_indices = @transform_7, window_bounds = array<i64: 64, 64>}, {pipeline_mode = #tpu.pipeline_mode<synchronous>, transform_indices = @transform_8, window_bounds = array<i64: 1, 64>}, {transform_indices = @transform_9, window_bounds = array<i64: 2000, 64>}, {transform_indices = @transform_10, window_bounds = array<i64: 2000, 64>}]} {
    %get3A = arith.constant 0 : index
    %get3A_0 = arith.constant 0 : index
    %get3A_1 = vector.load %arg1[%get3A, %get3A_0] : memref<2000x128xf32, #tpu.memory_space<vmem>>, vector<2000x64xf32>
    %get3A_2 = arith.constant 0 : index
    %get3A_3 = arith.constant 0 : index
    %get3A_4 = vector.load %arg2[%get3A_2, %get3A_3] : memref<2000x128xf32, #tpu.memory_space<vmem>>, vector<2000x64xf32>
    %add3A = arith.addf %get3A_1, %get3A_4 : vector<2000x64xf32>
    %get3A_5 = arith.constant 0 : index
    %get3A_6 = arith.constant 0 : index
    %get3A_7 = vector.load %arg3[%get3A_5, %get3A_6] : memref<2000x64xf32, #tpu.memory_space<vmem>>, vector<2000x64xf32>
    %get3A_8 = arith.constant 0 : index
    %get3A_9 = arith.constant 0 : index
    %get3A_10 = vector.load %arg4[%get3A_8, %get3A_9] : memref<64x64xf32, #tpu.memory_space<vmem>>, vector<64x64xf32>
    %dot_general3A = arith.constant dense<0.000000e+00> : vector<2000x64xf32>
    %dot_general3A_11 = tpu.matmul %get3A_7, %get3A_10, %dot_general3A {dimension_numbers = #tpu.dot_dimension_numbers<[1], [0], [0], [1], [0, 0, 1, 1], [], []>, transpose_lhs_hint = false} : vector<2000x64xf32>, vector<64x64xf32>, vector<2000x64xf32> -> vector<2000x64xf32>
    %add3A_12 = arith.addf %add3A, %dot_general3A_11 : vector<2000x64xf32>
    %max3A = arith.constant 0.000000e+00 : f32
    %max3A_13 = vector.broadcast %max3A : f32 to vector<2000x64xf32>
    %max3A_14 = arith.maximumf %add3A_12, %max3A_13 : vector<2000x64xf32>
    %abs3A = math.absf %add3A_12 : vector<2000x64xf32>
    %neg3A = arith.constant 0.000000e+00 : f32
    %neg3A_15 = vector.broadcast %neg3A : f32 to vector<2000x64xf32>
    %neg3A_16 = arith.subf %neg3A_15, %abs3A : vector<2000x64xf32>
    %exp3A = math.exp %neg3A_16 : vector<2000x64xf32>
    %log1p3A = math.log1p %exp3A : vector<2000x64xf32>
    %add3A_17 = arith.addf %max3A_14, %log1p3A : vector<2000x64xf32>
    %get3A_18 = arith.constant 0 : index
    %get3A_19 = arith.constant 0 : index
    %get3A_20 = vector.load %arg5[%get3A_18, %get3A_19] : memref<64x64xf32, #tpu.memory_space<vmem>>, vector<64x64xf32>
    %dot_general3A_21 = arith.constant dense<0.000000e+00> : vector<2000x64xf32>
    %dot_general3A_22 = tpu.matmul %add3A_17, %get3A_20, %dot_general3A_21 {dimension_numbers = #tpu.dot_dimension_numbers<[1], [0], [0], [1], [0, 0, 1, 1], [], []>, transpose_lhs_hint = false} : vector<2000x64xf32>, vector<64x64xf32>, vector<2000x64xf32> -> vector<2000x64xf32>
    %get3A_23 = arith.constant 0 : index
    %get3A_24 = arith.constant 0 : index
    %get3A_25 = vector.load %arg6[%get3A_23, %get3A_24] : memref<1x64xf32, #tpu.memory_space<vmem>>, vector<1x64xf32>
    %add3A_26 = vector.broadcast %get3A_25 : vector<1x64xf32> to vector<2000x64xf32>
    %add3A_27 = arith.addf %dot_general3A_22, %add3A_26 : vector<2000x64xf32>
    %swap3A = arith.constant 0 : index
    %swap3A_28 = arith.constant 0 : index
    %swap3A_29 = vector.load %arg10[%swap3A, %swap3A_28] : memref<2000x64xf32, #tpu.memory_space<vmem>>, vector<2000x64xf32>
    tpu.vector_store %arg10[%swap3A, %swap3A_28], %add3A_27 {strides = array<i32>} : memref<2000x64xf32, #tpu.memory_space<vmem>>, vector<2000x64xf32>,
    %get3A_30 = arith.constant 0 : index
    %get3A_31 = arith.constant 64 : index
    %get3A_32 = vector.load %arg1[%get3A_30, %get3A_31] : memref<2000x128xf32, #tpu.memory_space<vmem>>, vector<2000x64xf32>
    %get3A_33 = arith.constant 0 : index
    %get3A_34 = arith.constant 0 : index
    %get3A_35 = vector.load %arg7[%get3A_33, %get3A_34] : memref<64x64xf32, #tpu.memory_space<vmem>>, vector<64x64xf32>
    %dot_general3A_36 = arith.constant dense<0.000000e+00> : vector<2000x64xf32>
    %dot_general3A_37 = tpu.matmul %add3A_27, %get3A_35, %dot_general3A_36 {dimension_numbers = #tpu.dot_dimension_numbers<[1], [0], [0], [1], [0, 0, 1, 1], [], []>, transpose_lhs_hint = false} : vector<2000x64xf32>, vector<64x64xf32>, vector<2000x64xf32> -> vector<2000x64xf32>
    %add3A_38 = arith.addf %get3A_32, %dot_general3A_37 : vector<2000x64xf32>
    %max3A_39 = arith.constant 0.000000e+00 : f32
    %max3A_40 = vector.broadcast %max3A_39 : f32 to vector<2000x64xf32>
    %max3A_41 = arith.maximumf %add3A_38, %max3A_40 : vector<2000x64xf32>
    %abs3A_42 = math.absf %add3A_38 : vector<2000x64xf32>
    %neg3A_43 = arith.constant 0.000000e+00 : f32
    %neg3A_44 = vector.broadcast %neg3A_43 : f32 to vector<2000x64xf32>
    %neg3A_45 = arith.subf %neg3A_44, %abs3A_42 : vector<2000x64xf32>
    %exp3A_46 = math.exp %neg3A_45 : vector<2000x64xf32>
    %log1p3A_47 = math.log1p %exp3A_46 : vector<2000x64xf32>
    %add3A_48 = arith.addf %max3A_41, %log1p3A_47 : vector<2000x64xf32>
    %get3A_49 = arith.constant 0 : index
    %get3A_50 = arith.constant 0 : index
    %get3A_51 = vector.load %arg8[%get3A_49, %get3A_50] : memref<64x64xf32, #tpu.memory_space<vmem>>, vector<64x64xf32>
    %dot_general3A_52 = arith.constant dense<0.000000e+00> : vector<2000x64xf32>
    %dot_general3A_53 = tpu.matmul %add3A_48, %get3A_51, %dot_general3A_52 {dimension_numbers = #tpu.dot_dimension_numbers<[1], [0], [0], [1], [0, 0, 1, 1], [], []>, transpose_lhs_hint = false} : vector<2000x64xf32>, vector<64x64xf32>, vector<2000x64xf32> -> vector<2000x64xf32>
    %get3A_54 = arith.constant 0 : index
    %get3A_55 = arith.constant 0 : index
    %get3A_56 = vector.load %arg9[%get3A_54, %get3A_55] : memref<1x64xf32, #tpu.memory_space<vmem>>, vector<1x64xf32>
    %add3A_57 = vector.broadcast %get3A_56 : vector<1x64xf32> to vector<2000x64xf32>
    %add3A_58 = arith.addf %dot_general3A_53, %add3A_57 : vector<2000x64xf32>
    %swap3A_59 = arith.constant 0 : index
    %swap3A_60 = arith.constant 0 : index
    %swap3A_61 = vector.load %arg11[%swap3A_59, %swap3A_60] : memref<2000x64xf32, #tpu.memory_space<vmem>>, vector<2000x64xf32>
    tpu.vector_store %arg11[%swap3A_59, %swap3A_60], %add3A_58 {strides = array<i32>} : memref<2000x64xf32, #tpu.memory_space<vmem>>, vector<2000x64xf32>,
    return
  }
  func.func @transform_0(%arg0: i32) -> (i32, i32) {
    %c0_i32 = arith.constant 0 : i32
    %c0_i32_0 = arith.constant 0 : i32
    return %arg0, %c0_i32 : i32, i32
  }
  func.func @transform_1(%arg0: i32) -> (i32, i32) {
    %c0_i32 = arith.constant 0 : i32
    %c0_i32_0 = arith.constant 0 : i32
    return %arg0, %c0_i32 : i32, i32
  }
  func.func @transform_2(%arg0: i32) -> (i32, i32) {
    %c0_i32 = arith.constant 0 : i32
    %c0_i32_0 = arith.constant 0 : i32
    return %arg0, %c0_i32 : i32, i32
  }
  func.func @transform_3(%arg0: i32) -> (i32, i32) {
    %c0_i32 = arith.constant 0 : i32
    %c0_i32_0 = arith.constant 0 : i32
    %c0_i32_1 = arith.constant 0 : i32
    return %c0_i32, %c0_i32_0 : i32, i32
  }
  func.func @transform_4(%arg0: i32) -> (i32, i32) {
    %c0_i32 = arith.constant 0 : i32
    %c0_i32_0 = arith.constant 0 : i32
    %c0_i32_1 = arith.constant 0 : i32
    return %c0_i32, %c0_i32_0 : i32, i32
  }
  func.func @transform_5(%arg0: i32) -> (i32, i32) {
    %c0_i32 = arith.constant 0 : i32
    %c0_i32_0 = arith.constant 0 : i32
    %c0_i32_1 = arith.constant 0 : i32
    return %c0_i32, %c0_i32_0 : i32, i32
  }
  func.func @transform_6(%arg0: i32) -> (i32, i32) {
    %c0_i32 = arith.constant 0 : i32
    %c0_i32_0 = arith.constant 0 : i32
    %c0_i32_1 = arith.constant 0 : i32
    return %c0_i32, %c0_i32_0 : i32, i32
  }
  func.func @transform_7(%arg0: i32) -> (i32, i32) {
    %c0_i32 = arith.constant 0 : i32
    %c0_i32_0 = arith.constant 0 : i32
    %c0_i32_1 = arith.constant 0 : i32
    return %c0_i32, %c0_i32_0 : i32, i32
  }
  func.func @transform_8(%arg0: i32) -> (i32, i32) {
    %c0_i32 = arith.constant 0 : i32
    %c0_i32_0 = arith.constant 0 : i32
    %c0_i32_1 = arith.constant 0 : i32
    return %c0_i32, %c0_i32_0 : i32, i32
  }
  func.func @transform_9(%arg0: i32) -> (i32, i32) {
    %c0_i32 = arith.constant 0 : i32
    %c0_i32_0 = arith.constant 0 : i32
    return %arg0, %c0_i32 : i32, i32
  }
  func.func @transform_10(%arg0: i32) -> (i32, i32) {
    %c0_i32 = arith.constant 0 : i32
    %c0_i32_0 = arith.constant 0 : i32
    return %arg0, %c0_i32 : i32, i32
  }
}

module attributes {stable_mosaic.version = 14 : i64} {
  func.func @body(%arg0: i32, %arg1: memref<2x10000x64xf32, #tpu.memory_space<vmem>>, %arg2: memref<10000x128xf32, #tpu.memory_space<vmem>>, %arg3: memref<1x64xf32, #tpu.memory_space<vmem>>, %arg4: memref<1x64xf32, #tpu.memory_space<vmem>>, %arg5: memref<10000x128xf32, #tpu.memory_space<vmem>>) attributes {dimension_semantics = [#tpu.dimension_semantics<arbitrary>], iteration_bounds = array<i64: 1>, scalar_prefetch = 0 : i64, scratch_operands = 0 : i64, tpu.core_type = #tpu.core_type<tc>, window_params = [{pipeline_mode = #tpu.pipeline_mode<synchronous>, transform_indices = @transform_0, window_bounds = array<i64: 2, 10000, 64>}, {pipeline_mode = #tpu.pipeline_mode<synchronous>, transform_indices = @transform_1, window_bounds = array<i64: 10000, 128>}, {pipeline_mode = #tpu.pipeline_mode<synchronous>, transform_indices = @transform_2, window_bounds = array<i64: 1, 64>}, {pipeline_mode = #tpu.pipeline_mode<synchronous>, transform_indices = @transform_3, window_bounds = array<i64: 1, 64>}, {pipeline_mode = #tpu.pipeline_mode<synchronous>, transform_indices = @transform_4, window_bounds = array<i64: 10000, 128>}]} {
    %get3A = arith.constant 0 : index
    %get3A_0 = arith.constant 0 : index
    %get3A_1 = arith.constant 0 : index
    %get3A_2 = vector.load %arg1[%get3A, %get3A_0, %get3A_1] : memref<2x10000x64xf32, #tpu.memory_space<vmem>>, vector<1x10000x64xf32>
    %get3A_3 = vector.shape_cast %get3A_2 : vector<1x10000x64xf32> to vector<10000x64xf32>
    %get3A_4 = arith.constant 1 : index
    %get3A_5 = arith.constant 0 : index
    %get3A_6 = arith.constant 0 : index
    %get3A_7 = vector.load %arg1[%get3A_4, %get3A_5, %get3A_6] : memref<2x10000x64xf32, #tpu.memory_space<vmem>>, vector<1x10000x64xf32>
    %get3A_8 = vector.shape_cast %get3A_7 : vector<1x10000x64xf32> to vector<10000x64xf32>
    %add3A = arith.addf %get3A_3, %get3A_8 : vector<10000x64xf32>
    %reduce_sum3A = arith.constant dense<0.000000e+00> : vector<64xf32>
    %reduce_sum3A_9 = vector.multi_reduction <add>, %add3A, %reduce_sum3A [0] : vector<10000x64xf32> to vector<64xf32>
    %broadcast_in_dim3A = vector.shape_cast %reduce_sum3A_9 : vector<64xf32> to vector<1x64xf32>
    %div3A = arith.constant 1.000000e+04 : f32
    %div3A_10 = vector.broadcast %div3A : f32 to vector<1x64xf32>
    %div3A_11 = arith.divf %broadcast_in_dim3A, %div3A_10 : vector<1x64xf32>
    %sub3A = vector.broadcast %div3A_11 : vector<1x64xf32> to vector<10000x64xf32>
    %sub3A_12 = arith.subf %add3A, %sub3A : vector<10000x64xf32>
    %sub3A_13 = vector.broadcast %div3A_11 : vector<1x64xf32> to vector<10000x64xf32>
    %sub3A_14 = arith.subf %add3A, %sub3A_13 : vector<10000x64xf32>
    %mul3A = arith.mulf %sub3A_12, %sub3A_14 : vector<10000x64xf32>
    %reduce_sum3A_15 = arith.constant dense<0.000000e+00> : vector<64xf32>
    %reduce_sum3A_16 = vector.multi_reduction <add>, %mul3A, %reduce_sum3A_15 [0] : vector<10000x64xf32> to vector<64xf32>
    %broadcast_in_dim3A_17 = vector.shape_cast %reduce_sum3A_16 : vector<64xf32> to vector<1x64xf32>
    %div3A_18 = arith.constant 1.000000e+04 : f32
    %div3A_19 = vector.broadcast %div3A_18 : f32 to vector<1x64xf32>
    %div3A_20 = arith.divf %broadcast_in_dim3A_17, %div3A_19 : vector<1x64xf32>
    %sub3A_21 = vector.broadcast %div3A_11 : vector<1x64xf32> to vector<10000x64xf32>
    %sub3A_22 = arith.subf %add3A, %sub3A_21 : vector<10000x64xf32>
    %add3A_23 = arith.constant 9.99999974E-6 : f32
    %add3A_24 = vector.broadcast %add3A_23 : f32 to vector<1x64xf32>
    %add3A_25 = arith.addf %div3A_20, %add3A_24 : vector<1x64xf32>
    %sqrt3A = math.sqrt %add3A_25 : vector<1x64xf32>
    %div3A_26 = vector.broadcast %sqrt3A : vector<1x64xf32> to vector<10000x64xf32>
    %div3A_27 = arith.divf %sub3A_22, %div3A_26 : vector<10000x64xf32>
    %get3A_28 = arith.constant 0 : index
    %get3A_29 = arith.constant 0 : index
    %get3A_30 = vector.load %arg3[%get3A_28, %get3A_29] : memref<1x64xf32, #tpu.memory_space<vmem>>, vector<1x64xf32>
    %mul3A_31 = vector.broadcast %get3A_30 : vector<1x64xf32> to vector<10000x64xf32>
    %mul3A_32 = arith.mulf %div3A_27, %mul3A_31 : vector<10000x64xf32>
    %get3A_33 = arith.constant 0 : index
    %get3A_34 = arith.constant 0 : index
    %get3A_35 = vector.load %arg4[%get3A_33, %get3A_34] : memref<1x64xf32, #tpu.memory_space<vmem>>, vector<1x64xf32>
    %add3A_36 = vector.broadcast %get3A_35 : vector<1x64xf32> to vector<10000x64xf32>
    %add3A_37 = arith.addf %mul3A_32, %add3A_36 : vector<10000x64xf32>
    %get3A_38 = arith.constant 0 : index
    %get3A_39 = arith.constant 0 : index
    %get3A_40 = vector.load %arg2[%get3A_38, %get3A_39] : memref<10000x128xf32, #tpu.memory_space<vmem>>, vector<10000x64xf32>
    %max3A = arith.constant 0.000000e+00 : f32
    %max3A_41 = vector.broadcast %max3A : f32 to vector<10000x64xf32>
    %max3A_42 = arith.maximumf %add3A_37, %max3A_41 : vector<10000x64xf32>
    %abs3A = math.absf %add3A_37 : vector<10000x64xf32>
    %neg3A = arith.constant 0.000000e+00 : f32
    %neg3A_43 = vector.broadcast %neg3A : f32 to vector<10000x64xf32>
    %neg3A_44 = arith.subf %neg3A_43, %abs3A : vector<10000x64xf32>
    %exp3A = math.exp %neg3A_44 : vector<10000x64xf32>
    %log1p3A = math.log1p %exp3A : vector<10000x64xf32>
    %add3A_45 = arith.addf %max3A_42, %log1p3A : vector<10000x64xf32>
    %add3A_46 = arith.addf %add3A_45, %get3A_40 : vector<10000x64xf32>
    %swap3A = arith.constant 0 : index
    %swap3A_47 = arith.constant 0 : index
    %swap3A_48 = vector.load %arg5[%swap3A, %swap3A_47] : memref<10000x128xf32, #tpu.memory_space<vmem>>, vector<10000x64xf32>
    tpu.vector_store %arg5[%swap3A, %swap3A_47], %add3A_46 {strides = array<i32>} : memref<10000x128xf32, #tpu.memory_space<vmem>>, vector<10000x64xf32>,
    %broadcast_in_dim3A_49 = arith.constant 0.000000e+00 : f32
    %broadcast_in_dim3A_50 = vector.broadcast %broadcast_in_dim3A_49 : f32 to vector<10000x64xf32>
    %swap3A_51 = arith.constant 0 : index
    %swap3A_52 = arith.constant 64 : index
    %swap3A_53 = vector.load %arg5[%swap3A_51, %swap3A_52] : memref<10000x128xf32, #tpu.memory_space<vmem>>, vector<10000x64xf32>
    tpu.vector_store %arg5[%swap3A_51, %swap3A_52], %broadcast_in_dim3A_50 {strides = array<i32>} : memref<10000x128xf32, #tpu.memory_space<vmem>>, vector<10000x64xf32>,
    return
  }
  func.func @transform_0(%arg0: i32) -> (i32, i32, i32) {
    %c0_i32 = arith.constant 0 : i32
    %c0_i32_0 = arith.constant 0 : i32
    %c0_i32_1 = arith.constant 0 : i32
    %c0_i32_2 = arith.constant 0 : i32
    return %c0_i32, %c0_i32_0, %c0_i32_1 : i32, i32, i32
  }
  func.func @transform_1(%arg0: i32) -> (i32, i32) {
    %c0_i32 = arith.constant 0 : i32
    %c0_i32_0 = arith.constant 0 : i32
    %c0_i32_1 = arith.constant 0 : i32
    return %c0_i32, %c0_i32_0 : i32, i32
  }
  func.func @transform_2(%arg0: i32) -> (i32, i32) {
    %c0_i32 = arith.constant 0 : i32
    %c0_i32_0 = arith.constant 0 : i32
    %c0_i32_1 = arith.constant 0 : i32
    return %c0_i32, %c0_i32_0 : i32, i32
  }
  func.func @transform_3(%arg0: i32) -> (i32, i32) {
    %c0_i32 = arith.constant 0 : i32
    %c0_i32_0 = arith.constant 0 : i32
    %c0_i32_1 = arith.constant 0 : i32
    return %c0_i32, %c0_i32_0 : i32, i32
  }
  func.func @transform_4(%arg0: i32) -> (i32, i32) {
    %c0_i32 = arith.constant 0 : i32
    %c0_i32_0 = arith.constant 0 : i32
    %c0_i32_1 = arith.constant 0 : i32
    return %c0_i32, %c0_i32_0 : i32, i32
  }
}

module attributes {stable_mosaic.version = 14 : i64} {
  func.func @body(%arg0: i32, %arg1: memref<10000x128xf32, #tpu.memory_space<vmem>>, %arg2: memref<10000x1xi32, #tpu.memory_space<vmem>>, %arg3: memref<64x1xf32, #tpu.memory_space<vmem>>, %arg4: memref<1x16xf32, #tpu.memory_space<vmem>>, %arg5: memref<1x16xf32, #tpu.memory_space<vmem>>, %arg6: memref<80x128xf32, #tpu.memory_space<vmem>>, %arg7: memref<1x128xf32, #tpu.memory_space<vmem>>, %arg8: memref<128x128xf32, #tpu.memory_space<vmem>>, %arg9: memref<1x128xf32, #tpu.memory_space<vmem>>, %arg10: memref<128x1xf32, #tpu.memory_space<vmem>>, %arg11: memref<1x1xf32, #tpu.memory_space<vmem>>, %arg12: memref<64x1xf32, #tpu.memory_space<vmem>>) attributes {dimension_semantics = [#tpu.dimension_semantics<arbitrary>], iteration_bounds = array<i64: 1>, scalar_prefetch = 0 : i64, scratch_operands = 0 : i64, tpu.core_type = #tpu.core_type<tc>, window_params = [{pipeline_mode = #tpu.pipeline_mode<synchronous>, transform_indices = @transform_0, window_bounds = array<i64: 10000, 128>}, {pipeline_mode = #tpu.pipeline_mode<synchronous>, transform_indices = @transform_1, window_bounds = array<i64: 10000, 1>}, {pipeline_mode = #tpu.pipeline_mode<synchronous>, transform_indices = @transform_2, window_bounds = array<i64: 64, 1>}, {pipeline_mode = #tpu.pipeline_mode<synchronous>, transform_indices = @transform_3, window_bounds = array<i64: 1, 16>}, {pipeline_mode = #tpu.pipeline_mode<synchronous>, transform_indices = @transform_4, window_bounds = array<i64: 1, 16>}, {pipeline_mode = #tpu.pipeline_mode<synchronous>, transform_indices = @transform_5, window_bounds = array<i64: 80, 128>}, {pipeline_mode = #tpu.pipeline_mode<synchronous>, transform_indices = @transform_6, window_bounds = array<i64: 1, 128>}, {pipeline_mode = #tpu.pipeline_mode<synchronous>, transform_indices = @transform_7, window_bounds = array<i64: 128, 128>}, {pipeline_mode = #tpu.pipeline_mode<synchronous>, transform_indices = @transform_8, window_bounds = array<i64: 1, 128>}, {pipeline_mode = #tpu.pipeline_mode<synchronous>, transform_indices = @transform_9, window_bounds = array<i64: 128, 1>}, {pipeline_mode = #tpu.pipeline_mode<synchronous>, transform_indices = @transform_10, window_bounds = array<i64: 1, 1>}, {pipeline_mode = #tpu.pipeline_mode<synchronous>, transform_indices = @transform_11, window_bounds = array<i64: 64, 1>}]} {
    %iota3A = tpu.iota {dimensions = array<i32: 1>} : vector<1x64xi32>
    %get3A = arith.constant 0 : index
    %get3A_0 = arith.constant 0 : index
    %get3A_1 = vector.load %arg2[%get3A, %get3A_0] : memref<10000x1xi32, #tpu.memory_space<vmem>>, vector<10000x1xi32>
    %eq3A = vector.broadcast %get3A_1 : vector<10000x1xi32> to vector<10000x64xi32>
    %eq3A_2 = vector.broadcast %iota3A : vector<1x64xi32> to vector<10000x64xi32>
    %eq3A_3 = arith.cmpi eq, %eq3A, %eq3A_2 : vector<10000x64xi32>
    %convert_element_type3A = arith.extui %eq3A_3 : vector<10000x64xi1> to vector<10000x64xi32>
    %convert_element_type3A_4 = arith.sitofp %convert_element_type3A : vector<10000x64xi32> to vector<10000x64xf32>
    %get3A_5 = arith.constant 0 : index
    %get3A_6 = arith.constant 0 : index
    %get3A_7 = vector.load %arg1[%get3A_5, %get3A_6] : memref<10000x128xf32, #tpu.memory_space<vmem>>, vector<10000x64xf32>
    %dot_general3A = arith.constant dense<0.000000e+00> : vector<64x64xf32>
    %dot_general3A_8 = tpu.matmul %convert_element_type3A_4, %get3A_7, %dot_general3A {dimension_numbers = #tpu.dot_dimension_numbers<[0], [0], [1], [1], [0, 1, 1, 1], [], []>, transpose_lhs_hint = false} : vector<10000x64xf32>, vector<10000x64xf32>, vector<64x64xf32> -> vector<64x64xf32>
    %broadcast_in_dim3A = arith.constant 1.000000e+00 : f32
    %broadcast_in_dim3A_9 = vector.broadcast %broadcast_in_dim3A : f32 to vector<10000x1xf32>
    %dot_general3A_10 = arith.constant dense<0.000000e+00> : vector<64x1xf32>
    %dot_general3A_11 = tpu.matmul %convert_element_type3A_4, %broadcast_in_dim3A_9, %dot_general3A_10 {dimension_numbers = #tpu.dot_dimension_numbers<[0], [0], [1], [1], [0, 1, 1, 1], [], []>, transpose_lhs_hint = false} : vector<10000x64xf32>, vector<10000x1xf32>, vector<64x1xf32> -> vector<64x1xf32>
    %max3A = arith.constant 1.000000e+00 : f32
    %max3A_12 = vector.broadcast %max3A : f32 to vector<64x1xf32>
    %max3A_13 = arith.maximumf %dot_general3A_11, %max3A_12 : vector<64x1xf32>
    %div3A = vector.broadcast %max3A_13 : vector<64x1xf32> to vector<64x64xf32>
    %div3A_14 = arith.divf %dot_general3A_8, %div3A : vector<64x64xf32>
    %get3A_15 = arith.constant 0 : index
    %get3A_16 = arith.constant 0 : index
    %get3A_17 = vector.load %arg3[%get3A_15, %get3A_16] : memref<64x1xf32, #tpu.memory_space<vmem>>, vector<64x1xf32>
    %get3A_18 = arith.constant 0 : index
    %get3A_19 = arith.constant 0 : index
    %get3A_20 = vector.load %arg4[%get3A_18, %get3A_19] : memref<1x16xf32, #tpu.memory_space<vmem>>, vector<1x16xf32>
    %mul3A = vector.broadcast %get3A_17 : vector<64x1xf32> to vector<64x16xf32>
    %mul3A_21 = vector.broadcast %get3A_20 : vector<1x16xf32> to vector<64x16xf32>
    %mul3A_22 = arith.mulf %mul3A, %mul3A_21 : vector<64x16xf32>
    %get3A_23 = arith.constant 0 : index
    %get3A_24 = arith.constant 0 : index
    %get3A_25 = vector.load %arg5[%get3A_23, %get3A_24] : memref<1x16xf32, #tpu.memory_space<vmem>>, vector<1x16xf32>
    %add3A = vector.broadcast %get3A_25 : vector<1x16xf32> to vector<64x16xf32>
    %add3A_26 = arith.addf %mul3A_22, %add3A : vector<64x16xf32>
    %concatenate3A = tpu.concatenate %div3A_14, %add3A_26 in 1 : vector<64x64xf32>, vector<64x16xf32> -> vector<64x80xf32>
    %get3A_27 = arith.constant 0 : index
    %get3A_28 = arith.constant 0 : index
    %get3A_29 = vector.load %arg6[%get3A_27, %get3A_28] : memref<80x128xf32, #tpu.memory_space<vmem>>, vector<80x128xf32>
    %dot_general3A_30 = arith.constant dense<0.000000e+00> : vector<64x128xf32>
    %dot_general3A_31 = tpu.matmul %concatenate3A, %get3A_29, %dot_general3A_30 {dimension_numbers = #tpu.dot_dimension_numbers<[1], [0], [0], [1], [0, 0, 1, 1], [], []>, transpose_lhs_hint = false} : vector<64x80xf32>, vector<80x128xf32>, vector<64x128xf32> -> vector<64x128xf32>
    %get3A_32 = arith.constant 0 : index
    %get3A_33 = arith.constant 0 : index
    %get3A_34 = vector.load %arg7[%get3A_32, %get3A_33] : memref<1x128xf32, #tpu.memory_space<vmem>>, vector<1x128xf32>
    %add3A_35 = vector.broadcast %get3A_34 : vector<1x128xf32> to vector<64x128xf32>
    %add3A_36 = arith.addf %dot_general3A_31, %add3A_35 : vector<64x128xf32>
    %max3A_37 = arith.constant 0.000000e+00 : f32
    %max3A_38 = vector.broadcast %max3A_37 : f32 to vector<64x128xf32>
    %max3A_39 = arith.maximumf %add3A_36, %max3A_38 : vector<64x128xf32>
    %abs3A = math.absf %add3A_36 : vector<64x128xf32>
    %neg3A = arith.constant 0.000000e+00 : f32
    %neg3A_40 = vector.broadcast %neg3A : f32 to vector<64x128xf32>
    %neg3A_41 = arith.subf %neg3A_40, %abs3A : vector<64x128xf32>
    %exp3A = math.exp %neg3A_41 : vector<64x128xf32>
    %log1p3A = math.log1p %exp3A : vector<64x128xf32>
    %add3A_42 = arith.addf %max3A_39, %log1p3A : vector<64x128xf32>
    %get3A_43 = arith.constant 0 : index
    %get3A_44 = arith.constant 0 : index
    %get3A_45 = vector.load %arg8[%get3A_43, %get3A_44] : memref<128x128xf32, #tpu.memory_space<vmem>>, vector<128x128xf32>
    %dot_general3A_46 = arith.constant dense<0.000000e+00> : vector<64x128xf32>
    %dot_general3A_47 = tpu.matmul %add3A_42, %get3A_45, %dot_general3A_46 {dimension_numbers = #tpu.dot_dimension_numbers<[1], [0], [0], [1], [0, 0, 1, 1], [], []>, transpose_lhs_hint = false} : vector<64x128xf32>, vector<128x128xf32>, vector<64x128xf32> -> vector<64x128xf32>
    %get3A_48 = arith.constant 0 : index
    %get3A_49 = arith.constant 0 : index
    %get3A_50 = vector.load %arg9[%get3A_48, %get3A_49] : memref<1x128xf32, #tpu.memory_space<vmem>>, vector<1x128xf32>
    %add3A_51 = vector.broadcast %get3A_50 : vector<1x128xf32> to vector<64x128xf32>
    %add3A_52 = arith.addf %dot_general3A_47, %add3A_51 : vector<64x128xf32>
    %max3A_53 = arith.constant 0.000000e+00 : f32
    %max3A_54 = vector.broadcast %max3A_53 : f32 to vector<64x128xf32>
    %max3A_55 = arith.maximumf %add3A_52, %max3A_54 : vector<64x128xf32>
    %abs3A_56 = math.absf %add3A_52 : vector<64x128xf32>
    %neg3A_57 = arith.constant 0.000000e+00 : f32
    %neg3A_58 = vector.broadcast %neg3A_57 : f32 to vector<64x128xf32>
    %neg3A_59 = arith.subf %neg3A_58, %abs3A_56 : vector<64x128xf32>
    %exp3A_60 = math.exp %neg3A_59 : vector<64x128xf32>
    %log1p3A_61 = math.log1p %exp3A_60 : vector<64x128xf32>
    %add3A_62 = arith.addf %max3A_55, %log1p3A_61 : vector<64x128xf32>
    %get3A_63 = arith.constant 0 : index
    %get3A_64 = arith.constant 0 : index
    %get3A_65 = vector.load %arg10[%get3A_63, %get3A_64] : memref<128x1xf32, #tpu.memory_space<vmem>>, vector<128x1xf32>
    %dot_general3A_66 = arith.constant dense<0.000000e+00> : vector<64x1xf32>
    %dot_general3A_67 = tpu.matmul %add3A_62, %get3A_65, %dot_general3A_66 {dimension_numbers = #tpu.dot_dimension_numbers<[1], [0], [0], [1], [0, 0, 1, 1], [], []>, transpose_lhs_hint = false} : vector<64x128xf32>, vector<128x1xf32>, vector<64x1xf32> -> vector<64x1xf32>
    %get3A_68 = arith.constant 0 : index
    %get3A_69 = arith.constant 0 : index
    %get3A_70 = vector.load %arg11[%get3A_68, %get3A_69] : memref<1x1xf32, #tpu.memory_space<vmem>>, vector<1x1xf32>
    %add3A_71 = vector.broadcast %get3A_70 : vector<1x1xf32> to vector<64x1xf32>
    %add3A_72 = arith.addf %dot_general3A_67, %add3A_71 : vector<64x1xf32>
    %swap3A = arith.constant 0 : index
    %swap3A_73 = arith.constant 0 : index
    %swap3A_74 = vector.load %arg12[%swap3A, %swap3A_73] : memref<64x1xf32, #tpu.memory_space<vmem>>, vector<64x1xf32>
    tpu.vector_store %arg12[%swap3A, %swap3A_73], %add3A_72 {strides = array<i32>} : memref<64x1xf32, #tpu.memory_space<vmem>>, vector<64x1xf32>,
    return
  }
  func.func @transform_0(%arg0: i32) -> (i32, i32) {
    %c0_i32 = arith.constant 0 : i32
    %c0_i32_0 = arith.constant 0 : i32
    %c0_i32_1 = arith.constant 0 : i32
    return %c0_i32, %c0_i32_0 : i32, i32
  }
  func.func @transform_1(%arg0: i32) -> (i32, i32) {
    %c0_i32 = arith.constant 0 : i32
    %c0_i32_0 = arith.constant 0 : i32
    %c0_i32_1 = arith.constant 0 : i32
    return %c0_i32, %c0_i32_0 : i32, i32
  }
  func.func @transform_2(%arg0: i32) -> (i32, i32) {
    %c0_i32 = arith.constant 0 : i32
    %c0_i32_0 = arith.constant 0 : i32
    %c0_i32_1 = arith.constant 0 : i32
    return %c0_i32, %c0_i32_0 : i32, i32
  }
  func.func @transform_3(%arg0: i32) -> (i32, i32) {
    %c0_i32 = arith.constant 0 : i32
    %c0_i32_0 = arith.constant 0 : i32
    %c0_i32_1 = arith.constant 0 : i32
    return %c0_i32, %c0_i32_0 : i32, i32
  }
  func.func @transform_4(%arg0: i32) -> (i32, i32) {
    %c0_i32 = arith.constant 0 : i32
    %c0_i32_0 = arith.constant 0 : i32
    %c0_i32_1 = arith.constant 0 : i32
    return %c0_i32, %c0_i32_0 : i32, i32
  }
  func.func @transform_5(%arg0: i32) -> (i32, i32) {
    %c0_i32 = arith.constant 0 : i32
    %c0_i32_0 = arith.constant 0 : i32
    %c0_i32_1 = arith.constant 0 : i32
    return %c0_i32, %c0_i32_0 : i32, i32
  }
  func.func @transform_6(%arg0: i32) -> (i32, i32) {
    %c0_i32 = arith.constant 0 : i32
    %c0_i32_0 = arith.constant 0 : i32
    %c0_i32_1 = arith.constant 0 : i32
    return %c0_i32, %c0_i32_0 : i32, i32
  }
  func.func @transform_7(%arg0: i32) -> (i32, i32) {
    %c0_i32 = arith.constant 0 : i32
    %c0_i32_0 = arith.constant 0 : i32
    %c0_i32_1 = arith.constant 0 : i32
    return %c0_i32, %c0_i32_0 : i32, i32
  }
  func.func @transform_8(%arg0: i32) -> (i32, i32) {
    %c0_i32 = arith.constant 0 : i32
    %c0_i32_0 = arith.constant 0 : i32
    %c0_i32_1 = arith.constant 0 : i32
    return %c0_i32, %c0_i32_0 : i32, i32
  }
  func.func @transform_9(%arg0: i32) -> (i32, i32) {
    %c0_i32 = arith.constant 0 : i32
    %c0_i32_0 = arith.constant 0 : i32
    %c0_i32_1 = arith.constant 0 : i32
    return %c0_i32, %c0_i32_0 : i32, i32
  }
  func.func @transform_10(%arg0: i32) -> (i32, i32) {
    %c0_i32 = arith.constant 0 : i32
    %c0_i32_0 = arith.constant 0 : i32
    %c0_i32_1 = arith.constant 0 : i32
    return %c0_i32, %c0_i32_0 : i32, i32
  }
  func.func @transform_11(%arg0: i32) -> (i32, i32) {
    %c0_i32 = arith.constant 0 : i32
    %c0_i32_0 = arith.constant 0 : i32
    %c0_i32_1 = arith.constant 0 : i32
    return %c0_i32, %c0_i32_0 : i32, i32
  }
}

</mosaic_0001>

<sc_bundles>
// kernel: kernel.20.cloned.1.call-start
scs
__scs_entry_jumppad:
0x0: {  	(pc) =	sbr.rel $0x88, $3  }
0x1: {  	(tag) =	ssettag $0x0;
	lr =	simm.s32 $0x1  }
0x2: {  	[smem:$0x3F72] =	sst lr;
	_ =	strace $0xD0000000  }
0x3: {  	_ = 	snop  }
0x4: {  	_ = 	snop  }
0x5: {  	_ = 	snop  }
0x6: {  	_ = 	snop  }
0x7: {  	_ = 	snop  }
__scs_overlays_trampoline_lowered:
0x8: {  	[smem:$0x3F81] =	sst s0  }
0x9: {  	[smem:$0x3F82] =	sst s1  }
0xa: {  	[smem:$0x3F83] =	sst s2  }
0xb: {  	[smem:$0x3F84] =	sst s3  }
0xc: {  	[smem:$0x3F85] =	sst s4  }
0xd: {  	[smem:$0x3F86] =	sst s5  }
0xe: {  	[smem:$0x3F87] =	sst s6  }
0xf: {  	[smem:$0x3F88] =	sst s7  }
0x10: {  	[smem:$0x3F89] =	sst s8  }
0x11: {  	[smem:$0x3F8A] =	sst s9;
	s0 =	simm.s32 @!p0 $0x0  }
0x12: {  	s1 =	sld [smem:$0x3F70];
	s0 =	simm.s32 @p0 $0x1  }
0x13: {  	[smem:$0x3F8B] =	sst s0;
	s0 =	simm.s32 @!p1 $0x0  }
0x14: {  	s2 =	sld [smem:$0x3F6F];
	s0 =	simm.s32 @p1 $0x1  }
0x15: {  	[smem:$0x3F8C] =	sst s0;
	s0 =	simm.s32 @!p2 $0x0  }
0x16: {  	s3 =	sld [smem:$0x3FDB];
	s0 =	simm.s32 @p2 $0x1  }
0x17: {  	s4 =	simm.s32 $0x1BF5;
	[smem:$0x3F8E] =	sst s0  }
0x18: {  	s0 =	sld [smem:$0x3F71];
	_ =	swait.ge [sflag:s4], $0x0  }
0x19: {  	s7 =	sld [smem:$0x3F72]  }
0x1a: {  	s8 =	sadd.s32 $0xFFFFE003, lr  }
0x1b: {  	s9 =	sadd.s32 $0xFFFFFEF7, lr;
	s5 =	simm.s32 $0xFFFFFFFF;
	p2 =	slt.u32 s8, $0xFFFFF086  }
0x1c: {  	p1 =	slt.u32 s9, $0xF7A;
	s5 =	simm.s32 @!p2 $0x0  }
0x1d: {  	s5 =	simm.s32 @p1 $0x1;
	p0 =	seq.s32 s7, s2  }
0x1e: {  	s7 =	smul.u32 @!p0 $0xF7A, s2;
	p2 =	seq.s32 @!p0 s5, $0x0  }
0x1f: {  	s9 =	smul.u32 $0xF7A, s1;
	s8 =	simm.s32 @!p0 $0x1BF5;
	p2 =	por !p2, p0  }
0x20: {  	[sflag:s8] =	ssyncset.s32 @!p0 $0xFFFFF086;
	s6 =	sadd.s32 @!p0 s3, s7;
	s7 =	simm.s32 @!p0 $0x108  }
0x21: {  	s3 =	sadd.s32 s3, s9;
	s6 =	sadd.s32 @!p0 $0x88, s6;
	s7 =	simm.s32 @p2 $0x1082  }
0x22: {  	[simem:s7], [sflag:s8] =	dma.local @!p0 [hbm:s6], $0xF7A  }
0x23: {  	s9 =	sor.u32 $0xD0000000, s2;
	s6 =	simm.s32 $0x108;
	_ =	swait.ge @!p0 [sflag:s8], $0x0  }
0x24: {  	s3 =	sadd.s32 $0x88, s3;
	s6 =	simm.s32 @!p1 $0x1082;
	[sflag:s4] =	ssyncset.s32 $0xFFFFF086  }
0x25: {  	[simem:s6], [sflag:s4] =	dma.local [hbm:s3], $0xF7A  }
0x26: {  	[smem:$0x3F72] =	sst s1;
	(tag) =	ssettag s2;
	_ =	strace s9  }
0x27: {  	s1 =	sld [smem:$0x3F82]  }
0x28: {  	s2 =	sld [smem:$0x3F83]  }
0x29: {  	s4 =	sld [smem:$0x3F85]  }
0x2a: {  	p0 =	seq.s32 s5, $0x0;
	s5 =	sld [smem:$0x3F86]  }
0x2b: {  	s6 =	sld [smem:$0x3F87]  }
0x2c: {  	s7 =	sld [smem:$0x3F88]  }
0x2d: {  	s3 =	simm.s32 $0x108;
	s8 =	sld [smem:$0x3F89]  }
0x2e: {  	s3 =	simm.s32 @!p0 $0x1082;
	s9 =	sld [smem:$0x3F8A]  }
0x2f: {  	lr =	sadd.s32 s0, s3;
	s0 =	sld [smem:$0x3F81]  }
0x30: {  	s3 =	sld [smem:$0x3F84]  }
0x31: {  	[smem:$0x3F8D] =	sst s10  }
0x32: {  	s10 =	sld [smem:$0x3F8B];
	_ =	sdelay $0x3  }
0x33: {  	p0 =	seq.s32 s10, $0x1;
	s10 =	sld [smem:$0x3F8D];
	_ =	sdelay $0x3  }
0x34: {  	[smem:$0x3F8D] =	sst s10  }
0x35: {  	s10 =	sld [smem:$0x3F8C];
	_ =	sdelay $0x3  }
0x36: {  	p1 =	seq.s32 s10, $0x1;
	s10 =	sld [smem:$0x3F8D];
	_ =	sdelay $0x3  }
0x37: {  	[smem:$0x3F8D] =	sst s10  }
0x38: {  	s10 =	sld [smem:$0x3F8E]  }
0x39: {  	_ = 	snop;
	(pc) =	sbr.ind lr, $3  }
0x3a: {  	_ = 	snop  }
0x3b: {  	_ = 	snop  }
0x3c: {  	p2 =	seq.s32 s10, $0x1;
	s10 =	sld [smem:$0x3F8D]  }
0x3d: {  	_ =	shalt  }
0x3e: {  	_ =	shalt  }
0x3f: {  	_ =	shalt  }
0x40: {  	_ =	shalt  }
0x41: {  	_ =	shalt  }
0x42: {  	_ =	shalt  }
0x43: {  	_ =	shalt  }
0x44: {  	_ =	shalt  }
0x45: {  	_ =	shalt  }
0x46: {  	_ =	shalt  }
0x47: {  	_ =	shalt  }
0x48: {  	_ =	shalt  }
0x49: {  	_ =	shalt  }
0x4a: {  	_ =	shalt  }
0x4b: {  	_ =	shalt  }
0x4c: {  	_ =	shalt  }
0x4d: {  	_ =	shalt  }
0x4e: {  	_ =	shalt  }
0x4f: {  	_ =	shalt  }
0x50: {  	_ =	shalt  }
0x51: {  	_ =	shalt  }
0x52: {  	_ =	shalt  }
0x53: {  	_ =	shalt  }
0x54: {  	_ =	shalt  }
0x55: {  	_ =	shalt  }
0x56: {  	_ =	shalt  }
0x57: {  	_ =	shalt  }
0x58: {  	_ =	shalt  }
0x59: {  	_ =	shalt  }
0x5a: {  	_ =	shalt  }
0x5b: {  	_ =	shalt  }
0x5c: {  	_ =	shalt  }
0x5d: {  	_ =	shalt  }
0x5e: {  	_ =	shalt  }
0x5f: {  	_ =	shalt  }
0x60: {  	_ =	shalt  }
0x61: {  	_ =	shalt  }
0x62: {  	_ =	shalt  }
0x63: {  	_ =	shalt  }
0x64: {  	_ =	shalt  }
0x65: {  	_ =	shalt  }
0x66: {  	_ =	shalt  }
0x67: {  	_ =	shalt  }
0x68: {  	_ =	shalt  }
0x69: {  	_ =	shalt  }
0x6a: {  	_ =	shalt  }
0x6b: {  	_ =	shalt  }
0x6c: {  	_ =	shalt  }
0x6d: {  	_ =	shalt  }
0x6e: {  	_ =	shalt  }
0x6f: {  	_ =	shalt  }
0x70: {  	_ =	shalt  }
0x71: {  	_ =	shalt  }
0x72: {  	_ =	shalt  }
0x73: {  	_ =	shalt  }
0x74: {  	_ =	shalt  }
0x75: {  	_ =	shalt  }
0x76: {  	_ =	shalt  }
0x77: {  	_ =	shalt  }
0x78: {  	_ =	shalt  }
0x79: {  	_ =	shalt  }
0x7a: {  	_ =	shalt  }
0x7b: {  	_ =	shalt  }
0x7c: {  	_ =	shalt  }
0x7d: {  	_ =	shalt  }
0x7e: {  	_ =	shalt  }
0x7f: {  	_ =	shalt  }
0x80: {  	_ =	shalt  }
0x81: {  	_ =	shalt  }
0x82: {  	_ =	shalt  }
0x83: {  	_ =	shalt  }
0x84: {  	_ =	shalt  }
0x85: {  	_ =	shalt  }
0x86: {  	_ =	shalt  }
0x87: {  	_ =	shalt  }
.Lfunc_end0:
.L_simem_size_0:
called_computation_lowered:
.L_overlay_start_0:
0x88: {  	s2 =	sld [smem:$0x3FD9]  }
0x89: {  	s3 =	sld [smem:$0x3FFE];
	_ =	sdelay $0x1  }
0x8a: {  	s1 =	srdreg.scid  }
0x8b: {  	s0 =	sand.u32 $0x1, s1  }
0x8c: {  	s16 =	sshll.u32 s0, $0xA;
	s2 =	sadd.s32 s3, s2  }
0x8d: {  	s2 =	sadd.s32 s2, s16  }
0x8e: {  	[smem:$0x3F99] =	sst s2  }
0x8f: {  	_ = 	snop  }
0x90: {  	(tm) =	ssettm $0x1  }
0x91: {  	s17 =	sld [smem:$0x3FFB];
	_ =	sdelay $0x3  }
0x92: {  	_ =	strace s17  }
0x93: {  	s2 =	sld [smem:$0x3FFC];
	_ =	sdelay $0x3  }
0x94: {  	_ =	strace s2  }
0x95: {  	s2 =	sld [smem:$0x3FFD];
	_ =	sdelay $0x3  }
0x96: {  	_ =	strace s2  }
0x97: {  	_ =	strace $0x8FFFFFFF  }
0x98: {  	s18 =	sld [smem:$0x3FDB];
	_ =	sdelay $0x1  }
0x99: {  	s19 =	simm.s32 $_scs_section_size  }
0x9a: {  	s4 =	simm.s32 $_size__tile_overlayer_lowered;
	s5 =	simm.s32 $_tile_overlayer_lowered  }
0x9b: {  	s22 =	simm.s32 $0x1BFF;
	s21 =	sshll.u32 s5, $0x1;
	s2 =	sadd.s32 s19, s18  }
0x9c: {  	s6 =	simm.s32 $0x0;
	s20 =	sshll.u32 s4, $0x1;
	s4 =	sadd.s32 s21, s2  }
0x9d: {  	[timem:s6], [sflag:s22] =	dma.local [hbm:s4], s20  }
0x9e: {  	_ =	swait.ge [sflag:s22], s20  }
0x9f: {  	s3 =	ssub.s32 $0x0, s20;
	[sflag:s22] =	ssyncset.done $0x0  }
0xa0: {  	[sflag:s22] =	ssyncadd.s32 s3;
	_ =	sdelay $0x1  }
0xa1: {  	s23 =	simm.s32 $0x1B8B  }
0xa2: {  	_ =	swait.ge [sflag:s23], $0x1  }
0xa3: {  	[sflag:s23] =	ssyncset.done $0x0  }
0xa4: {  	s25 =	simm.s32 $0x1B8E;
	s24 =	sld [smem:$0x3FFE];
	[sflag:s23] =	ssyncadd.s32 $0xFFFFFFFF  }
0xa5: {  	s26 =	simm.s32 $execute0_lowered;
	[smem:$0x3FD2] =	sst s25  }
0xa6: {  	s4 =	sshll.u32 s26, $0x1;
	_ =	strace $0x80000046;
	[dreg:$0x1] =	wrdreg $0xFFFFFFFF  }
0xa7: {  	s28 =	simm.s32 $_size_execute0_lowered;
	s2 =	sadd.s32 s2, s4;
	[dreg:$0x0] =	wrdreg $0x0  }
0xa8: {  	s4 =	sshll.u32 s28, $0x1;
	[dreg:$0x2] =	wrdreg s2  }
0xa9: {  	[dreg:$0x3] =	wrdreg s4  }
0xaa: {  	[dreg:$0x4] =	wrdreg $0xC0  }
0xab: {  	_ =	task [dreg:s6], $0x5FFFF  }
0xac: {  	[dreg:$0x1] =	wrdreg $0xFFFFFFFF  }
0xad: {  	[dreg:$0x0] =	wrdreg $0x60  }
0xae: {  	[dreg:$0x2] =	wrdreg s24  }
0xaf: {  	[dreg:$0x3] =	wrdreg $0x9  }
0xb0: {  	_ =	task.clear_ibuf [dreg:s6], $0x4FFFF;
	_ =	strace $0x90000046  }
0xb1: {  	s29 =	simm.s32 $0x9;
	_ =	strace $0x80000048  }
0xb2: {  	_ =	swait.ge [sflag:s29], $0x1  }
0xb3: {  	[sflag:s29] =	ssyncadd.s32 $0xFFFFFFFF  }
0xb4: {  	_ =	strace $0x90000048  }
0xb5: {  	_ =	sfence  }
0xb6: {  	s30 =	sld [smem:$0x0];
	_ =	sdelay $0x2  }
0xb7: {  	s31 =	sshll.u32 s1, $0xD;
	s1 =	sshrl.u32 s1, $0x2  }
0xb8: {  	s3 =	sand.u32 $0x4000, s31;
	s1 =	sadd.s32 s1, s30  }
0xb9: {  	s0 =	sor.u32 s3, s0;
	s1 =	sshll.u32 s1, $0x11  }
0xba: {  	s0 =	sor.u32 s1, s0  }
0xbb: {  	s0 =	sadd.s32 $0x8F2B, s0  }
0xbc: {  	[sflag:s0] =	ssyncadd.remote.s32 $0x1  }
0xbd: {  	_ =	sfence.sel $0xFFFF  }
0xbe: {  	[dreg:$0x0] =	wrdreg $0xFFFFFFFF;
	(pc) =	sbr.abs _section_cstart, $3  }
0xbf: {  	[dreg:$0x1] =	wrdreg $0xFFFFFFFF  }
0xc0: {  	_ =	task.clear_ibuf [dreg:s6], $0x2FFFF;
	_ =	strace $0x9FFFFFFF  }
0xc1: {  	(tm) =	ssettm $0x7FFFFFFF  }
tec
execute0_lowered:
.L_overlay_start_1:
0x0: {  	(tag) =	ssettag $0x1  }
0x1: {  	s5 =	rddreg [dreg:$0x0]  }
0x2: {  	s0 =	rddreg [dreg:$0x1];
	s1 =	simm.s32 $0x0;
	s6 =	srdreg.scid  }
0x3: {  	s2 =	stileid.u32;
	s10 =	simm.s32 $0x3;
	s11 =	simm.s32 $0x4000  }
0x4: {  	s12 =	simm.s32 $0x50;
	s13 =	simm.s32 $0x8000;
	s14 =	simm.s32 $0xA800  }
0x5: {  	s15 =	simm.s32 $0x1;
	s16 =	simm.s32 $0x2;
	s17 =	simm.s32 $0x0  }
0x6: {  	[smem:$0x7FF] =	sst s1;
	s3 =	sadd.s32 $0x52200, s5;
	s4 =	sadd.s32 $0x79400, s5  }
0x7: {  	s6 =	sand.u32 $0x1, s6;
	s7 =	sshll.u32 s2, $0xC;
	s9 =	smul.u32 $0x4E200, s2  }
0x8: {  	_ =	strace $0x80000047;
	s8 =	sshll.u32 s6, $0xB;
	s30 =	ssub.s32 $0x2, s6  }
0x9: {  	s6 =	smul.u32 $0x27100, s6;
	s7 =	sor.u32 s8, s7;
	s31 =	sshrl.u32 s30, $0x1  }
0xa: {  	s9 =	sadd.s32 s9, s5;
	s7 =	sadd.s32 s7, s5;
	s8 =	ssub.s32 s30, s31  }
0xb: {  	s9 =	sadd.s32 s6, s9;
	s5 =	sadd.s32 $0x1B000, s7;
	s6 =	sadd.s32 $0xB000, s7  }
0xc: {  	s7 =	smax.u32 s8, $0x1;
	s8 =	sadd.s32 $0xA0600, s9;
	s9 =	sadd.s32 $0x582600, s9  }
.LBB2_1:
0xd: {  	[tilespmem:s1], [sflag:$0x3] =	stream.linear.gather [hbm4b:s5+s1], $0x3E80, $0x38;
	[tilespmem:$0xD000] =	vst v63  }
0xe: {  	_ =	swait.ge [sflag:s10], $0x3E80  }
0xf: {  	[sflag:s10] =	ssyncset.done $0x0  }
0x10: {  	[sflag:s10] =	ssyncadd.s32 $0xFFFFC180  }
0x11: {  	[tilespmem:s11], [sflag:$0x3] =	stream.linear.gather [hbm4b:s6+s1], $0x3E80, $0x38;
	[tilespmem:$0xD000] =	vst v63  }
0x12: {  	_ =	swait.ge [sflag:s10], $0x3E80  }
0x13: {  	[sflag:s10] =	ssyncset.done $0x0  }
0x14: {  	s18 =	simm.s32 $0x0;
	[sflag:s10] =	ssyncadd.s32 $0xFFFFC180  }
0x15: {  	[tilespmem:s13], [sflag:$0x1] =	stream.indirect.gather [hbm4b:s3+s12], $0x80, s18, s12, $0xb8;
	[tilespmem:$0xD000] =	vst v63  }
0x16: {  	s31 =	simm.s32 $0x4000  }
0x17: {  	[tilespmem:s14], [sflag:$0x2] =	stream.indirect.gather [hbm4b:s4+s12], $0x80, s31, s12, $0xb8;
	[tilespmem:$0xD000] =	vst v63  }
0x18: {  	_ =	swait.ge [sflag:s15], $0x2800  }
0x19: {  	[sflag:s15] =	ssyncset.done $0x0  }
0x1a: {  	[sflag:s15] =	ssyncadd.s32 $0xFFFFD800  }
0x1b: {  	_ =	swait.ge [sflag:s16], $0x2800  }
0x1c: {  	[sflag:s16] =	ssyncset.done $0x0  }
0x1d: {  	[sflag:s16] =	ssyncadd.s32 $0xFFFFD800  }
0x1e: {  	[hbm4b:s8+s1] =	stream.linear.scatter [tilespmem:s13], [sflag:$0x3], $0x2800, $0x38;
	[tilespmem:$0xD000] =	vst v63  }
0x1f: {  	_ =	swait.ge [sflag:s10], $0x2800  }
0x20: {  	[sflag:s10] =	ssyncset.done $0x0  }
0x21: {  	[sflag:s10] =	ssyncadd.s32 $0xFFFFD800  }
0x22: {  	[hbm4b:s9+s1] =	stream.linear.scatter [tilespmem:s14], [sflag:$0x3], $0x2800, $0x38;
	[tilespmem:$0xD000] =	vst v63  }
0x23: {  	s20 =	simm.s32 $0x200;
	s21 =	simm.s32 $0x400;
	_ =	swait.ge [sflag:s10], $0x2800  }
0x24: {  	s19 =	sadd.s32 $0x500, s8;
	s18 =	sadd.s32 $0x500, s9;
	[sflag:s10] =	ssyncset.done $0x0  }
.LBB2_2:
0x25: {  	s22 =	sshra.s32 s20, $0x2  }
0x26: {  	[sflag:s10] =	ssyncadd.s32 $0xFFFFD800;
	s20 =	smov.u32 s21;
	s23 =	sadd.s32 $0x200, s21  }
0x27: {  	[tilespmem:s13], [sflag:$0x1] =	stream.indirect.gather [hbm4b:s3+s12], $0x80, s22, s12, $0xb8;
	[tilespmem:$0xD000] =	vst v63  }
0x28: {  	p0 =	sne.s32 s21, $0xF800;
	s21 =	sadd.s32 $0x4000, s22  }
0x29: {  	[tilespmem:s14], [sflag:$0x2] =	stream.indirect.gather [hbm4b:s4+s12], $0x80, s21, s12, $0xb8;
	[tilespmem:$0xD000] =	vst v63  }
0x2a: {  	_ =	swait.ge [sflag:s15], $0x2800  }
0x2b: {  	[sflag:s15] =	ssyncset.done $0x0  }
0x2c: {  	[sflag:s15] =	ssyncadd.s32 $0xFFFFD800  }
0x2d: {  	_ =	swait.ge [sflag:s16], $0x2800  }
0x2e: {  	[sflag:s16] =	ssyncset.done $0x0  }
0x2f: {  	[sflag:s16] =	ssyncadd.s32 $0xFFFFD800  }
0x30: {  	[hbm4b:s19+s1] =	stream.linear.scatter [tilespmem:s13], [sflag:$0x3], $0x2800, $0x38;
	[tilespmem:$0xD000] =	vst v63  }
0x31: {  	_ =	swait.ge [sflag:s10], $0x2800  }
.Ltmp0:
0x32: {  	[sflag:s10] =	ssyncset.done $0x0;
	(pc) =	sbr.rel @p0 .LBB2_2-.Ltmp0, $4  }
0x33: {  	[sflag:s10] =	ssyncadd.s32 $0xFFFFD800  }
0x34: {  	[hbm4b:s18+s1] =	stream.linear.scatter [tilespmem:s14], [sflag:$0x3], $0x2800, $0x38;
	[tilespmem:$0xD000] =	vst v63  }
0x35: {  	s21 =	smov.u32 s23;
	_ =	swait.ge [sflag:s10], $0x2800  }
0x36: {  	s19 =	sadd.s32 $0x500, s19;
	s18 =	sadd.s32 $0x500, s18;
	[sflag:s10] =	ssyncset.done $0x0  }
0x37: {  	s20 =	sshra.s32 s20, $0x2;
	[sflag:s10] =	ssyncadd.s32 $0xFFFFD800  }
0x38: {  	[tilespmem:s13], [sflag:$0x1] =	stream.indirect.gather [hbm4b:s3+s12], $0x80, s20, s12, $0xb8;
	[tilespmem:$0xD000] =	vst v63  }
0x39: {  	s20 =	sadd.s32 $0x4000, s20  }
0x3a: {  	[tilespmem:s14], [sflag:$0x2] =	stream.indirect.gather [hbm4b:s4+s12], $0x80, s20, s12, $0xb8;
	[tilespmem:$0xD000] =	vst v63  }
0x3b: {  	_ =	swait.ge [sflag:s15], $0x2800  }
0x3c: {  	[sflag:s15] =	ssyncset.done $0x0  }
0x3d: {  	[sflag:s15] =	ssyncadd.s32 $0xFFFFD800  }
0x3e: {  	_ =	swait.ge [sflag:s16], $0x2800  }
0x3f: {  	[sflag:s16] =	ssyncset.done $0x0  }
0x40: {  	[sflag:s16] =	ssyncadd.s32 $0xFFFFD800  }
0x41: {  	[hbm4b:s19+s1] =	stream.linear.scatter [tilespmem:s13], [sflag:$0x3], $0x2800, $0x38;
	[tilespmem:$0xD000] =	vst v63  }
0x42: {  	s17 =	sadd.s32 $0x1, s17;
	_ =	swait.ge [sflag:s10], $0x2800  }
0x43: {  	p0 =	sne.s32 s17, s7;
	[sflag:s10] =	ssyncset.done $0x0  }
.Ltmp1:
0x44: {  	[sflag:s10] =	ssyncadd.s32 $0xFFFFD800;
	(pc) =	sbr.rel @p0 .LBB2_1-.Ltmp1, $4  }
0x45: {  	[hbm4b:s18+s1] =	stream.linear.scatter [tilespmem:s14], [sflag:$0x3], $0x2800, $0x38;
	[tilespmem:$0xD000] =	vst v63  }
0x46: {  	_ =	swait.ge [sflag:s10], $0x2800  }
0x47: {  	[sflag:s10] =	ssyncset.done $0x0  }
0x48: {  	[sflag:s10] =	ssyncadd.s32 $0xFFFFD800  }
0x49: {  	_ =	sfence.sel $0x180000  }
0x4a: {  	[bflag:$0x0] =	sbarrier.arrive $0xFFFF  }
0x4b: {  	p0 =	sne.s32 s2, $0x0;
	_ =	strace $0x90000047  }
0x4c: {  	s0 =	sadd.s32 @!p0 $0x100000, s0;
	[bflag:$0x2] =	sbarrier.arrive $0xFFFF  }
0x4d: {  	[sflag:s0] =	ssyncadd.tile.s32 @!p0 $0x1;
	_ =	shalt  }
.Lfunc_end2:
_tile_overlayer_lowered:
.L_overlay_start_2:
0x4e: {  	(tag) =	ssettag $0x2  }
0x4f: {  	s0 =	rddreg [dreg:$0x0];
	s2 =	stileid.u32  }
0x50: {  	s1 =	rddreg [dreg:$0x1];
	p0 =	sne.s32 s2, $0x0  }
0x51: {  	s3 =	rddreg [dreg:$0x2];
	[bflag:$0x3] =	sbarrier.arrive $0xFFFF;
	s2 =	simm.s32 @!p0 $0x1C03  }
0x52: {  	[timem:s3], [sflag:s2] =	dma.local @!p0 [hbm:s0], s1  }
0x53: {  	s0 =	simm.s32 @!p0 $0x3  }
0x54: {  	_ =	swait.ge @!p0 [sflag:s0], s1  }
0x55: {  	s1 =	ssub.s32 @!p0 $0x0, s1;
	[sflag:s0] =	ssyncset.done @!p0 $0x0  }
0x56: {  	[sflag:s0] =	ssyncadd.s32 @!p0 s1  }
0x57: {  	[bflag:$0x3] =	sbarrier.arrive $0xFFFF  }
0x58: {  	_ =	shalt  }

// kernel: kernel.23.cloned.1.call-start
scs
__scs_entry_jumppad:
0x0: {  	(pc) =	sbr.rel $0x88, $3  }
0x1: {  	(tag) =	ssettag $0x0;
	lr =	simm.s32 $0x1  }
0x2: {  	[smem:$0x3F72] =	sst lr;
	_ =	strace $0xD0000000  }
0x3: {  	_ = 	snop  }
0x4: {  	_ = 	snop  }
0x5: {  	_ = 	snop  }
0x6: {  	_ = 	snop  }
0x7: {  	_ = 	snop  }
__scs_overlays_trampoline_lowered:
0x8: {  	[smem:$0x3F81] =	sst s0  }
0x9: {  	[smem:$0x3F82] =	sst s1  }
0xa: {  	[smem:$0x3F83] =	sst s2  }
0xb: {  	[smem:$0x3F84] =	sst s3  }
0xc: {  	[smem:$0x3F85] =	sst s4  }
0xd: {  	[smem:$0x3F86] =	sst s5  }
0xe: {  	[smem:$0x3F87] =	sst s6  }
0xf: {  	[smem:$0x3F88] =	sst s7  }
0x10: {  	[smem:$0x3F89] =	sst s8  }
0x11: {  	[smem:$0x3F8A] =	sst s9;
	s0 =	simm.s32 @!p0 $0x0  }
0x12: {  	s1 =	sld [smem:$0x3F70];
	s0 =	simm.s32 @p0 $0x1  }
0x13: {  	[smem:$0x3F8B] =	sst s0;
	s0 =	simm.s32 @!p1 $0x0  }
0x14: {  	s2 =	sld [smem:$0x3F6F];
	s0 =	simm.s32 @p1 $0x1  }
0x15: {  	[smem:$0x3F8C] =	sst s0;
	s0 =	simm.s32 @!p2 $0x0  }
0x16: {  	s3 =	sld [smem:$0x3FDB];
	s0 =	simm.s32 @p2 $0x1  }
0x17: {  	s4 =	simm.s32 $0x1BF5;
	[smem:$0x3F8E] =	sst s0  }
0x18: {  	s0 =	sld [smem:$0x3F71];
	_ =	swait.ge [sflag:s4], $0x0  }
0x19: {  	s7 =	sld [smem:$0x3F72]  }
0x1a: {  	s8 =	sadd.s32 $0xFFFFE003, lr  }
0x1b: {  	s9 =	sadd.s32 $0xFFFFFEF7, lr;
	s5 =	simm.s32 $0xFFFFFFFF;
	p2 =	slt.u32 s8, $0xFFFFF086  }
0x1c: {  	p1 =	slt.u32 s9, $0xF7A;
	s5 =	simm.s32 @!p2 $0x0  }
0x1d: {  	s5 =	simm.s32 @p1 $0x1;
	p0 =	seq.s32 s7, s2  }
0x1e: {  	s7 =	smul.u32 @!p0 $0xF7A, s2;
	p2 =	seq.s32 @!p0 s5, $0x0  }
0x1f: {  	s9 =	smul.u32 $0xF7A, s1;
	s8 =	simm.s32 @!p0 $0x1BF5;
	p2 =	por !p2, p0  }
0x20: {  	[sflag:s8] =	ssyncset.s32 @!p0 $0xFFFFF086;
	s6 =	sadd.s32 @!p0 s3, s7;
	s7 =	simm.s32 @!p0 $0x108  }
0x21: {  	s3 =	sadd.s32 s3, s9;
	s6 =	sadd.s32 @!p0 $0x88, s6;
	s7 =	simm.s32 @p2 $0x1082  }
0x22: {  	[simem:s7], [sflag:s8] =	dma.local @!p0 [hbm:s6], $0xF7A  }
0x23: {  	s9 =	sor.u32 $0xD0000000, s2;
	s6 =	simm.s32 $0x108;
	_ =	swait.ge @!p0 [sflag:s8], $0x0  }
0x24: {  	s3 =	sadd.s32 $0x88, s3;
	s6 =	simm.s32 @!p1 $0x1082;
	[sflag:s4] =	ssyncset.s32 $0xFFFFF086  }
0x25: {  	[simem:s6], [sflag:s4] =	dma.local [hbm:s3], $0xF7A  }
0x26: {  	[smem:$0x3F72] =	sst s1;
	(tag) =	ssettag s2;
	_ =	strace s9  }
0x27: {  	s1 =	sld [smem:$0x3F82]  }
0x28: {  	s2 =	sld [smem:$0x3F83]  }
0x29: {  	s4 =	sld [smem:$0x3F85]  }
0x2a: {  	p0 =	seq.s32 s5, $0x0;
	s5 =	sld [smem:$0x3F86]  }
0x2b: {  	s6 =	sld [smem:$0x3F87]  }
0x2c: {  	s7 =	sld [smem:$0x3F88]  }
0x2d: {  	s3 =	simm.s32 $0x108;
	s8 =	sld [smem:$0x3F89]  }
0x2e: {  	s3 =	simm.s32 @!p0 $0x1082;
	s9 =	sld [smem:$0x3F8A]  }
0x2f: {  	lr =	sadd.s32 s0, s3;
	s0 =	sld [smem:$0x3F81]  }
0x30: {  	s3 =	sld [smem:$0x3F84]  }
0x31: {  	[smem:$0x3F8D] =	sst s10  }
0x32: {  	s10 =	sld [smem:$0x3F8B];
	_ =	sdelay $0x3  }
0x33: {  	p0 =	seq.s32 s10, $0x1;
	s10 =	sld [smem:$0x3F8D];
	_ =	sdelay $0x3  }
0x34: {  	[smem:$0x3F8D] =	sst s10  }
0x35: {  	s10 =	sld [smem:$0x3F8C];
	_ =	sdelay $0x3  }
0x36: {  	p1 =	seq.s32 s10, $0x1;
	s10 =	sld [smem:$0x3F8D];
	_ =	sdelay $0x3  }
0x37: {  	[smem:$0x3F8D] =	sst s10  }
0x38: {  	s10 =	sld [smem:$0x3F8E]  }
0x39: {  	_ = 	snop;
	(pc) =	sbr.ind lr, $3  }
0x3a: {  	_ = 	snop  }
0x3b: {  	_ = 	snop  }
0x3c: {  	p2 =	seq.s32 s10, $0x1;
	s10 =	sld [smem:$0x3F8D]  }
0x3d: {  	_ =	shalt  }
0x3e: {  	_ =	shalt  }
0x3f: {  	_ =	shalt  }
0x40: {  	_ =	shalt  }
0x41: {  	_ =	shalt  }
0x42: {  	_ =	shalt  }
0x43: {  	_ =	shalt  }
0x44: {  	_ =	shalt  }
0x45: {  	_ =	shalt  }
0x46: {  	_ =	shalt  }
0x47: {  	_ =	shalt  }
0x48: {  	_ =	shalt  }
0x49: {  	_ =	shalt  }
0x4a: {  	_ =	shalt  }
0x4b: {  	_ =	shalt  }
0x4c: {  	_ =	shalt  }
0x4d: {  	_ =	shalt  }
0x4e: {  	_ =	shalt  }
0x4f: {  	_ =	shalt  }
0x50: {  	_ =	shalt  }
0x51: {  	_ =	shalt  }
0x52: {  	_ =	shalt  }
0x53: {  	_ =	shalt  }
0x54: {  	_ =	shalt  }
0x55: {  	_ =	shalt  }
0x56: {  	_ =	shalt  }
0x57: {  	_ =	shalt  }
0x58: {  	_ =	shalt  }
0x59: {  	_ =	shalt  }
0x5a: {  	_ =	shalt  }
0x5b: {  	_ =	shalt  }
0x5c: {  	_ =	shalt  }
0x5d: {  	_ =	shalt  }
0x5e: {  	_ =	shalt  }
0x5f: {  	_ =	shalt  }
0x60: {  	_ =	shalt  }
0x61: {  	_ =	shalt  }
0x62: {  	_ =	shalt  }
0x63: {  	_ =	shalt  }
0x64: {  	_ =	shalt  }
0x65: {  	_ =	shalt  }
0x66: {  	_ =	shalt  }
0x67: {  	_ =	shalt  }
0x68: {  	_ =	shalt  }
0x69: {  	_ =	shalt  }
0x6a: {  	_ =	shalt  }
0x6b: {  	_ =	shalt  }
0x6c: {  	_ =	shalt  }
0x6d: {  	_ =	shalt  }
0x6e: {  	_ =	shalt  }
0x6f: {  	_ =	shalt  }
0x70: {  	_ =	shalt  }
0x71: {  	_ =	shalt  }
0x72: {  	_ =	shalt  }
0x73: {  	_ =	shalt  }
0x74: {  	_ =	shalt  }
0x75: {  	_ =	shalt  }
0x76: {  	_ =	shalt  }
0x77: {  	_ =	shalt  }
0x78: {  	_ =	shalt  }
0x79: {  	_ =	shalt  }
0x7a: {  	_ =	shalt  }
0x7b: {  	_ =	shalt  }
0x7c: {  	_ =	shalt  }
0x7d: {  	_ =	shalt  }
0x7e: {  	_ =	shalt  }
0x7f: {  	_ =	shalt  }
0x80: {  	_ =	shalt  }
0x81: {  	_ =	shalt  }
0x82: {  	_ =	shalt  }
0x83: {  	_ =	shalt  }
0x84: {  	_ =	shalt  }
0x85: {  	_ =	shalt  }
0x86: {  	_ =	shalt  }
0x87: {  	_ =	shalt  }
.Lfunc_end0:
.L_simem_size_0:
called_computation.1_lowered:
.L_overlay_start_0:
0x88: {  	s2 =	sld [smem:$0x3FD9]  }
0x89: {  	s3 =	sld [smem:$0x3FFE];
	_ =	sdelay $0x1  }
0x8a: {  	s1 =	srdreg.scid  }
0x8b: {  	s0 =	sand.u32 $0x1, s1  }
0x8c: {  	s16 =	sshll.u32 s0, $0xA;
	s2 =	sadd.s32 s3, s2  }
0x8d: {  	s2 =	sadd.s32 s2, s16  }
0x8e: {  	[smem:$0x3F99] =	sst s2  }
0x8f: {  	_ = 	snop  }
0x90: {  	(tm) =	ssettm $0x1  }
0x91: {  	s17 =	sld [smem:$0x3FFB];
	_ =	sdelay $0x3  }
0x92: {  	_ =	strace s17  }
0x93: {  	s2 =	sld [smem:$0x3FFC];
	_ =	sdelay $0x3  }
0x94: {  	_ =	strace s2  }
0x95: {  	s2 =	sld [smem:$0x3FFD];
	_ =	sdelay $0x3  }
0x96: {  	_ =	strace s2  }
0x97: {  	_ =	strace $0x8FFFFFFF  }
0x98: {  	s18 =	sld [smem:$0x3FDB];
	_ =	sdelay $0x1  }
0x99: {  	s19 =	simm.s32 $_scs_section_size  }
0x9a: {  	s4 =	simm.s32 $_size__tile_overlayer_lowered;
	s5 =	simm.s32 $_tile_overlayer_lowered  }
0x9b: {  	s22 =	simm.s32 $0x1BFF;
	s21 =	sshll.u32 s5, $0x1;
	s2 =	sadd.s32 s19, s18  }
0x9c: {  	s6 =	simm.s32 $0x0;
	s20 =	sshll.u32 s4, $0x1;
	s4 =	sadd.s32 s21, s2  }
0x9d: {  	[timem:s6], [sflag:s22] =	dma.local [hbm:s4], s20  }
0x9e: {  	_ =	swait.ge [sflag:s22], s20  }
0x9f: {  	s3 =	ssub.s32 $0x0, s20;
	[sflag:s22] =	ssyncset.done $0x0  }
0xa0: {  	[sflag:s22] =	ssyncadd.s32 s3;
	_ =	sdelay $0x1  }
0xa1: {  	s23 =	simm.s32 $0x1B8B  }
0xa2: {  	_ =	swait.ge [sflag:s23], $0x1  }
0xa3: {  	[sflag:s23] =	ssyncset.done $0x0  }
0xa4: {  	s25 =	simm.s32 $0x1B8E;
	s24 =	sld [smem:$0x3FFE];
	[sflag:s23] =	ssyncadd.s32 $0xFFFFFFFF  }
0xa5: {  	s26 =	simm.s32 $execute0_lowered;
	[smem:$0x3FD2] =	sst s25  }
0xa6: {  	s4 =	sshll.u32 s26, $0x1;
	_ =	strace $0x80000049;
	[dreg:$0x1] =	wrdreg $0xFFFFFFFF  }
0xa7: {  	s28 =	simm.s32 $_size_execute0_lowered;
	s2 =	sadd.s32 s2, s4;
	[dreg:$0x0] =	wrdreg $0x0  }
0xa8: {  	s4 =	sshll.u32 s28, $0x1;
	[dreg:$0x2] =	wrdreg s2  }
0xa9: {  	[dreg:$0x3] =	wrdreg s4  }
0xaa: {  	[dreg:$0x4] =	wrdreg $0xC0  }
0xab: {  	_ =	task [dreg:s6], $0x5FFFF  }
0xac: {  	[dreg:$0x1] =	wrdreg $0xFFFFFFFF  }
0xad: {  	[dreg:$0x0] =	wrdreg $0x60  }
0xae: {  	[dreg:$0x2] =	wrdreg s24  }
0xaf: {  	[dreg:$0x3] =	wrdreg $0x9C000  }
0xb0: {  	[dreg:$0x4] =	wrdreg $0x9  }
0xb1: {  	_ =	task.clear_ibuf [dreg:s6], $0x5FFFF;
	_ =	strace $0x90000049  }
0xb2: {  	s29 =	simm.s32 $0x9;
	_ =	strace $0x8000004B  }
0xb3: {  	_ =	swait.ge [sflag:s29], $0x1  }
0xb4: {  	[sflag:s29] =	ssyncadd.s32 $0xFFFFFFFF  }
0xb5: {  	_ =	strace $0x9000004B  }
0xb6: {  	_ =	sfence  }
0xb7: {  	s30 =	sld [smem:$0x0];
	_ =	sdelay $0x2  }
0xb8: {  	s31 =	sshll.u32 s1, $0xD;
	s1 =	sshrl.u32 s1, $0x2  }
0xb9: {  	s3 =	sand.u32 $0x4000, s31;
	s1 =	sadd.s32 s1, s30  }
0xba: {  	s0 =	sor.u32 s3, s0;
	s1 =	sshll.u32 s1, $0x11  }
0xbb: {  	s0 =	sor.u32 s1, s0  }
0xbc: {  	s0 =	sadd.s32 $0x8F2B, s0  }
0xbd: {  	[sflag:s0] =	ssyncadd.remote.s32 $0x1  }
0xbe: {  	_ =	sfence.sel $0xFFFF  }
0xbf: {  	[dreg:$0x0] =	wrdreg $0xFFFFFFFF;
	(pc) =	sbr.abs _section_cstart, $3  }
0xc0: {  	[dreg:$0x1] =	wrdreg $0xFFFFFFFF  }
0xc1: {  	_ =	task.clear_ibuf [dreg:s6], $0x2FFFF;
	_ =	strace $0x9FFFFFFF  }
0xc2: {  	(tm) =	ssettm $0x7FFFFFFF  }
0xc3: {  	_ =	shalt  }
tec
execute0_lowered:
.L_overlay_start_1:
0x0: {  	(tag) =	ssettag $0x1  }
0x1: {  	s3 =	rddreg [dreg:$0x0]  }
0x2: {  	s1 =	rddreg [dreg:$0x1]  }
0x3: {  	s0 =	rddreg [dreg:$0x2];
	s2 =	simm.s32 $0x0  }
0x4: {  	s18 =	stileid.u32;
	s5 =	srdreg.scid;
	s16 =	simm.s32 $0x1  }
0x5: {  	s17 =	simm.s32 $0x4000;
	s20 =	simm.s32 $0x0;
	s4 =	smul.u32 $0x4E200, s18  }
0x6: {  	[smem:$0x7FF] =	sst s2;
	s9 =	sand.u32 $0x1, s5;
	s8 =	smul.u32 $0x13800, s18  }
0x7: {  	s25 =	sshll.u32 s18, $0xC;
	s10 =	sadd.s32 $0xF46600, s3;
	s28 =	smul.u32 $0x4E000, s18  }
0x8: {  	p0 =	sne.s32 s18, $0x0;
	s19 =	sshll.u32 s18, $0x6;
	_ =	strace $0x8000004A  }
0x9: {  	s18 =	simm.s32 $0x50;
	s5 =	sshll.u32 s9, $0xB;
	s6 =	smul.u32 $0x138800, s9  }
0xa: {  	s26 =	ssub.s32 $0x2, s9;
	s15 =	smul.u32 $0x27100, s9;
	s19 =	sor.u32 $0x1C01, s19  }
0xb: {  	s14 =	sadd.s32 s4, s3;
	s4 =	sor.u32 s5, s25;
	s7 =	sshrl.u32 s26, $0x1  }
0xc: {  	s30 =	sshrl.u32 s28, $0x2;
	s4 =	sadd.s32 s4, s3;
	s11 =	ssub.s32 s26, s7  }
0xd: {  	s3 =	sadd.s32 $0x138000, s1;
	s29 =	sadd.s32 s8, s6;
	s12 =	sshrl.u32 s6, $0x3  }
0xe: {  	s6 =	sadd.s32 s30, s1;
	s14 =	sadd.s32 s15, s14;
	s15 =	simm.s32 $0x6800  }
0xf: {  	s4 =	sadd.s32 $0xB000, s4;
	s7 =	sshrl.u32 s29, $0x3;
	s31 =	sadd.s32 s10, s12  }
0x10: {  	s8 =	smax.u32 s11, $0x1;
	s9 =	sadd.s32 $0x3400, s6;
	s11 =	sadd.s32 $0x9C00, s6  }
0x11: {  	s12 =	sadd.s32 $0xD000, s6;
	s13 =	sadd.s32 $0x10400, s6;
	s14 =	sadd.s32 $0xA64600, s14  }
0x12: {  	v0 =	vimm.f32 $0.0e+00;
	s5 =	sadd.s32 s10, s7;
	s7 =	sadd.s32 $0x27000, s31;
	s10 =	sadd.s32 $0x6800, s6  }
.LBB2_1:
0x13: {  	s22 =	simm.s32 $0x200;
	s21 =	simm.s32 $0x0  }
.LBB2_2:
0x14: {  	p1 =	sne.s32 s22, $0xCE00;
	[tilespmem:s21+$0x6830] =	vst v0;
	s23 =	smov.u32 s22;
	s22 =	sadd.s32 $0x200, s22  }
.Ltmp0:
0x15: {  	[tilespmem:s21+$0x6820] =	vst v0;
	(pc) =	sbr.rel @p1 .LBB2_2-.Ltmp0, $3  }
0x16: {  	[tilespmem:s21+$0x6800] =	vst v0  }
0x17: {  	[tilespmem:s21+$0x6810] =	vst v0;
	_ =	sdelay $0x1  }
0x18: {  	s21 =	sshra.s32 s23, $0x2  }
0x19: {  	[tilespmem:s21+$0x6830] =	vst v0  }
0x1a: {  	[tilespmem:s21+$0x6820] =	vst v0  }
0x1b: {  	[tilespmem:s21+$0x6800] =	vst v0  }
0x1c: {  	[tilespmem:s21+$0x6810] =	vst v0  }
0x1d: {  	[spmem:s6] =	stream.linear.scatter [tilespmem:s15], [sflag:$0x1], $0x3400, $0x38;
	[tilespmem:$0x13840] =	vst v63  }
0x1e: {  	_ =	swait.ge [sflag:s16], $0x3400  }
0x1f: {  	[sflag:s16] =	ssyncset.done $0x0  }
0x20: {  	[sflag:s16] =	ssyncadd.s32 $0xFFFFCC00  }
0x21: {  	[spmem:s9] =	stream.linear.scatter [tilespmem:s15], [sflag:$0x1], $0x3400, $0x38;
	[tilespmem:$0x13840] =	vst v63  }
0x22: {  	_ =	swait.ge [sflag:s16], $0x3400  }
0x23: {  	[sflag:s16] =	ssyncset.done $0x0  }
0x24: {  	[sflag:s16] =	ssyncadd.s32 $0xFFFFCC00  }
0x25: {  	[spmem:s10] =	stream.linear.scatter [tilespmem:s15], [sflag:$0x1], $0x3400, $0x38;
	[tilespmem:$0x13840] =	vst v63  }
0x26: {  	_ =	swait.ge [sflag:s16], $0x3400  }
0x27: {  	[sflag:s16] =	ssyncset.done $0x0  }
0x28: {  	[sflag:s16] =	ssyncadd.s32 $0xFFFFCC00  }
0x29: {  	[spmem:s11] =	stream.linear.scatter [tilespmem:s15], [sflag:$0x1], $0x3400, $0x38;
	[tilespmem:$0x13840] =	vst v63  }
0x2a: {  	_ =	swait.ge [sflag:s16], $0x3400  }
0x2b: {  	[sflag:s16] =	ssyncset.done $0x0  }
0x2c: {  	[sflag:s16] =	ssyncadd.s32 $0xFFFFCC00  }
0x2d: {  	[spmem:s12] =	stream.linear.scatter [tilespmem:s15], [sflag:$0x1], $0x3400, $0x38;
	[tilespmem:$0x13840] =	vst v63  }
0x2e: {  	_ =	swait.ge [sflag:s16], $0x3400  }
0x2f: {  	[sflag:s16] =	ssyncset.done $0x0  }
0x30: {  	[sflag:s16] =	ssyncadd.s32 $0xFFFFCC00  }
0x31: {  	[spmem:s13] =	stream.linear.scatter [tilespmem:s15], [sflag:$0x1], $0x3400, $0x38;
	[tilespmem:$0x13840] =	vst v63  }
0x32: {  	_ =	swait.ge [sflag:s16], $0x3400  }
0x33: {  	[sflag:s16] =	ssyncset.done $0x0  }
0x34: {  	s21 =	simm.s32 @!p0 $0x6800;
	[sflag:s16] =	ssyncadd.s32 $0xFFFFCC00  }
0x35: {  	[spmem:s3] =	stream.linear.scatter @!p0 [tilespmem:s21], [sflag:$0x1], $0x800, $0x38;
	[tilespmem:$0x13840] =	vst v63  }
0x36: {  	s21 =	simm.s32 @!p0 $0x1  }
0x37: {  	_ =	swait.ge @!p0 [sflag:s21], $0x800  }
0x38: {  	[sflag:s21] =	ssyncset.done @!p0 $0x0  }
0x39: {  	[sflag:s21] =	ssyncadd.s32 @!p0 $0xFFFFF800  }
0x3a: {  	s30 =	simm.s32 $0x0;
	[bflag:$0x0] =	sbarrier.arrive $0xFFFF  }
0x3b: {  	[tilespmem:s30], [sflag:$0x1] =	stream.linear.gather [hbm4b:s4+s30], $0x3E80, $0x38;
	[tilespmem:$0x13840] =	vst v63  }
0x3c: {  	_ =	swait.ge [sflag:s16], $0x3E80  }
0x3d: {  	[sflag:s16] =	ssyncset.done $0x0  }
0x3e: {  	[sflag:s16] =	ssyncadd.s32 $0xFFFFC180  }
0x3f: {  	[tilespmem:s17], [sflag:$0x1] =	stream.linear.gather [hbm4b:s14+s2], $0x2800, $0x38;
	[tilespmem:$0x13840] =	vst v63  }
0x40: {  	_ =	swait.ge [sflag:s16], $0x2800  }
0x41: {  	[sflag:s16] =	ssyncset.done $0x0  }
0x42: {  	s31 =	simm.s32 $0x0;
	[sflag:s16] =	ssyncadd.s32 $0xFFFFD800  }
0x43: {  	[spmem:s1] =	stream.indirect.scatter.add.f32 [tilespmem:s17], [sflag:$0x1], $0x40, s31, s18, $0xb8;
	[tilespmem:$0x13840] =	vst v63  }
0x44: {  	_ =	swait.ge [sflag:s16], $0x1400  }
0x45: {  	s22 =	smov.u32 s14;
	s21 =	simm.s32 $0x200;
	[sflag:s16] =	ssyncset.done $0x0  }
.LBB2_4:
0x46: {  	p1 =	sne.s32 s21, $0xF800;
	[sflag:s16] =	ssyncadd.s32 $0xFFFFEC00;
	s22 =	sadd.s32 $0x500, s22  }
0x47: {  	[tilespmem:s17], [sflag:$0x1] =	stream.linear.gather [hbm4b:s22+s2], $0x2800, $0x38;
	[tilespmem:$0x13840] =	vst v63  }
0x48: {  	s23 =	smov.u32 s21;
	s21 =	sadd.s32 $0x200, s21;
	_ =	swait.ge [sflag:s16], $0x2800  }
.Ltmp1:
0x49: {  	[sflag:s16] =	ssyncset.done $0x0;
	(pc) =	sbr.rel @p1 .LBB2_4-.Ltmp1, $4  }
0x4a: {  	s23 =	sshra.s32 s23, $0x2;
	[sflag:s16] =	ssyncadd.s32 $0xFFFFD800  }
0x4b: {  	[spmem:s1] =	stream.indirect.scatter.add.f32 [tilespmem:s17], [sflag:$0x1], $0x40, s23, s18, $0xb8;
	[tilespmem:$0x13840] =	vst v63  }
0x4c: {  	_ =	swait.ge [sflag:s16], $0x1400  }
0x4d: {  	[sflag:s16] =	ssyncset.done $0x0  }
0x4e: {  	[sflag:s16] =	ssyncadd.s32 $0xFFFFEC00  }
0x4f: {  	s21 =	sshrl.u32 s6, $0x3;
	[bflag:$0x0] =	sbarrier.arrive $0xFFFF  }
0x50: {  	[hbm:s5], [sflag:s19] =	dma.local [spmem:s21], $0x2700  }
0x51: {  	_ =	swait.ge [sflag:s16], $0x2700  }
0x52: {  	s20 =	sadd.s32 $0x1, s20;
	[sflag:s16] =	ssyncset.done $0x0  }
0x53: {  	p1 =	sne.s32 s20, s8;
	s21 =	sshrl.u32 @!p0 s3, $0x3;
	[sflag:s16] =	ssyncadd.s32 $0xFFFFD900  }
0x54: {  	[hbm:s7], [sflag:s19] =	dma.local @!p0 [spmem:s21], $0x100  }
.Ltmp2:
0x55: {  	_ = 	snop;
	(pc) =	sbr.rel @p1 .LBB2_1-.Ltmp2, $4  }
0x56: {  	s21 =	simm.s32 @!p0 $0x1  }
0x57: {  	_ =	swait.ge @!p0 [sflag:s21], $0x100  }
0x58: {  	[sflag:s21] =	ssyncset.done @!p0 $0x0  }
0x59: {  	[sflag:s21] =	ssyncadd.s32 @!p0 $0xFFFFFF00  }
0x5a: {  	_ =	sfence.sel $0x180000  }
0x5b: {  	[bflag:$0x0] =	sbarrier.arrive $0xFFFF  }
0x5c: {  	_ =	strace $0x9000004A  }
0x5d: {  	s0 =	sadd.s32 @!p0 $0x100000, s0;
	[bflag:$0x2] =	sbarrier.arrive $0xFFFF  }
0x5e: {  	[sflag:s0] =	ssyncadd.tile.s32 @!p0 $0x1;
	_ =	shalt  }
.Lfunc_end2:
_tile_overlayer_lowered:
.L_overlay_start_2:
0x5f: {  	(tag) =	ssettag $0x2  }
0x60: {  	s0 =	rddreg [dreg:$0x0];
	s2 =	stileid.u32  }
0x61: {  	s1 =	rddreg [dreg:$0x1];
	p0 =	sne.s32 s2, $0x0  }
0x62: {  	s3 =	rddreg [dreg:$0x2];
	[bflag:$0x3] =	sbarrier.arrive $0xFFFF;
	s2 =	simm.s32 @!p0 $0x1C01  }
0x63: {  	[timem:s3], [sflag:s2] =	dma.local @!p0 [hbm:s0], s1  }
0x64: {  	s0 =	simm.s32 @!p0 $0x1  }
0x65: {  	_ =	swait.ge @!p0 [sflag:s0], s1  }
0x66: {  	s1 =	ssub.s32 @!p0 $0x0, s1;
	[sflag:s0] =	ssyncset.done @!p0 $0x0  }
0x67: {  	[sflag:s0] =	ssyncadd.s32 @!p0 s1  }
0x68: {  	[bflag:$0x3] =	sbarrier.arrive $0xFFFF  }
0x69: {  	_ =	shalt  }

// kernel: kernel.26.cloned.1.call-start
scs
__scs_entry_jumppad:
0x0: {  	(pc) =	sbr.rel $0x88, $3  }
0x1: {  	(tag) =	ssettag $0x0;
	lr =	simm.s32 $0x1  }
0x2: {  	[smem:$0x3F72] =	sst lr;
	_ =	strace $0xD0000000  }
0x3: {  	_ = 	snop  }
0x4: {  	_ = 	snop  }
0x5: {  	_ = 	snop  }
0x6: {  	_ = 	snop  }
0x7: {  	_ = 	snop  }
__scs_overlays_trampoline_lowered:
0x8: {  	[smem:$0x3F81] =	sst s0  }
0x9: {  	[smem:$0x3F82] =	sst s1  }
0xa: {  	[smem:$0x3F83] =	sst s2  }
0xb: {  	[smem:$0x3F84] =	sst s3  }
0xc: {  	[smem:$0x3F85] =	sst s4  }
0xd: {  	[smem:$0x3F86] =	sst s5  }
0xe: {  	[smem:$0x3F87] =	sst s6  }
0xf: {  	[smem:$0x3F88] =	sst s7  }
0x10: {  	[smem:$0x3F89] =	sst s8  }
0x11: {  	[smem:$0x3F8A] =	sst s9;
	s0 =	simm.s32 @!p0 $0x0  }
0x12: {  	s1 =	sld [smem:$0x3F70];
	s0 =	simm.s32 @p0 $0x1  }
0x13: {  	[smem:$0x3F8B] =	sst s0;
	s0 =	simm.s32 @!p1 $0x0  }
0x14: {  	s2 =	sld [smem:$0x3F6F];
	s0 =	simm.s32 @p1 $0x1  }
0x15: {  	[smem:$0x3F8C] =	sst s0;
	s0 =	simm.s32 @!p2 $0x0  }
0x16: {  	s3 =	sld [smem:$0x3FDB];
	s0 =	simm.s32 @p2 $0x1  }
0x17: {  	s4 =	simm.s32 $0x1BF5;
	[smem:$0x3F8E] =	sst s0  }
0x18: {  	s0 =	sld [smem:$0x3F71];
	_ =	swait.ge [sflag:s4], $0x0  }
0x19: {  	s7 =	sld [smem:$0x3F72]  }
0x1a: {  	s8 =	sadd.s32 $0xFFFFE003, lr  }
0x1b: {  	s9 =	sadd.s32 $0xFFFFFEF7, lr;
	s5 =	simm.s32 $0xFFFFFFFF;
	p2 =	slt.u32 s8, $0xFFFFF086  }
0x1c: {  	p1 =	slt.u32 s9, $0xF7A;
	s5 =	simm.s32 @!p2 $0x0  }
0x1d: {  	s5 =	simm.s32 @p1 $0x1;
	p0 =	seq.s32 s7, s2  }
0x1e: {  	s7 =	smul.u32 @!p0 $0xF7A, s2;
	p2 =	seq.s32 @!p0 s5, $0x0  }
0x1f: {  	s9 =	smul.u32 $0xF7A, s1;
	s8 =	simm.s32 @!p0 $0x1BF5;
	p2 =	por !p2, p0  }
0x20: {  	[sflag:s8] =	ssyncset.s32 @!p0 $0xFFFFF086;
	s6 =	sadd.s32 @!p0 s3, s7;
	s7 =	simm.s32 @!p0 $0x108  }
0x21: {  	s3 =	sadd.s32 s3, s9;
	s6 =	sadd.s32 @!p0 $0x88, s6;
	s7 =	simm.s32 @p2 $0x1082  }
0x22: {  	[simem:s7], [sflag:s8] =	dma.local @!p0 [hbm:s6], $0xF7A  }
0x23: {  	s9 =	sor.u32 $0xD0000000, s2;
	s6 =	simm.s32 $0x108;
	_ =	swait.ge @!p0 [sflag:s8], $0x0  }
0x24: {  	s3 =	sadd.s32 $0x88, s3;
	s6 =	simm.s32 @!p1 $0x1082;
	[sflag:s4] =	ssyncset.s32 $0xFFFFF086  }
0x25: {  	[simem:s6], [sflag:s4] =	dma.local [hbm:s3], $0xF7A  }
0x26: {  	[smem:$0x3F72] =	sst s1;
	(tag) =	ssettag s2;
	_ =	strace s9  }
0x27: {  	s1 =	sld [smem:$0x3F82]  }
0x28: {  	s2 =	sld [smem:$0x3F83]  }
0x29: {  	s4 =	sld [smem:$0x3F85]  }
0x2a: {  	p0 =	seq.s32 s5, $0x0;
	s5 =	sld [smem:$0x3F86]  }
0x2b: {  	s6 =	sld [smem:$0x3F87]  }
0x2c: {  	s7 =	sld [smem:$0x3F88]  }
0x2d: {  	s3 =	simm.s32 $0x108;
	s8 =	sld [smem:$0x3F89]  }
0x2e: {  	s3 =	simm.s32 @!p0 $0x1082;
	s9 =	sld [smem:$0x3F8A]  }
0x2f: {  	lr =	sadd.s32 s0, s3;
	s0 =	sld [smem:$0x3F81]  }
0x30: {  	s3 =	sld [smem:$0x3F84]  }
0x31: {  	[smem:$0x3F8D] =	sst s10  }
0x32: {  	s10 =	sld [smem:$0x3F8B];
	_ =	sdelay $0x3  }
0x33: {  	p0 =	seq.s32 s10, $0x1;
	s10 =	sld [smem:$0x3F8D];
	_ =	sdelay $0x3  }
0x34: {  	[smem:$0x3F8D] =	sst s10  }
0x35: {  	s10 =	sld [smem:$0x3F8C];
	_ =	sdelay $0x3  }
0x36: {  	p1 =	seq.s32 s10, $0x1;
	s10 =	sld [smem:$0x3F8D];
	_ =	sdelay $0x3  }
0x37: {  	[smem:$0x3F8D] =	sst s10  }
0x38: {  	s10 =	sld [smem:$0x3F8E]  }
0x39: {  	_ = 	snop;
	(pc) =	sbr.ind lr, $3  }
0x3a: {  	_ = 	snop  }
0x3b: {  	_ = 	snop  }
0x3c: {  	p2 =	seq.s32 s10, $0x1;
	s10 =	sld [smem:$0x3F8D]  }
0x3d: {  	_ =	shalt  }
0x3e: {  	_ =	shalt  }
0x3f: {  	_ =	shalt  }
0x40: {  	_ =	shalt  }
0x41: {  	_ =	shalt  }
0x42: {  	_ =	shalt  }
0x43: {  	_ =	shalt  }
0x44: {  	_ =	shalt  }
0x45: {  	_ =	shalt  }
0x46: {  	_ =	shalt  }
0x47: {  	_ =	shalt  }
0x48: {  	_ =	shalt  }
0x49: {  	_ =	shalt  }
0x4a: {  	_ =	shalt  }
0x4b: {  	_ =	shalt  }
0x4c: {  	_ =	shalt  }
0x4d: {  	_ =	shalt  }
0x4e: {  	_ =	shalt  }
0x4f: {  	_ =	shalt  }
0x50: {  	_ =	shalt  }
0x51: {  	_ =	shalt  }
0x52: {  	_ =	shalt  }
0x53: {  	_ =	shalt  }
0x54: {  	_ =	shalt  }
0x55: {  	_ =	shalt  }
0x56: {  	_ =	shalt  }
0x57: {  	_ =	shalt  }
0x58: {  	_ =	shalt  }
0x59: {  	_ =	shalt  }
0x5a: {  	_ =	shalt  }
0x5b: {  	_ =	shalt  }
0x5c: {  	_ =	shalt  }
0x5d: {  	_ =	shalt  }
0x5e: {  	_ =	shalt  }
0x5f: {  	_ =	shalt  }
0x60: {  	_ =	shalt  }
0x61: {  	_ =	shalt  }
0x62: {  	_ =	shalt  }
0x63: {  	_ =	shalt  }
0x64: {  	_ =	shalt  }
0x65: {  	_ =	shalt  }
0x66: {  	_ =	shalt  }
0x67: {  	_ =	shalt  }
0x68: {  	_ =	shalt  }
0x69: {  	_ =	shalt  }
0x6a: {  	_ =	shalt  }
0x6b: {  	_ =	shalt  }
0x6c: {  	_ =	shalt  }
0x6d: {  	_ =	shalt  }
0x6e: {  	_ =	shalt  }
0x6f: {  	_ =	shalt  }
0x70: {  	_ =	shalt  }
0x71: {  	_ =	shalt  }
0x72: {  	_ =	shalt  }
0x73: {  	_ =	shalt  }
0x74: {  	_ =	shalt  }
0x75: {  	_ =	shalt  }
0x76: {  	_ =	shalt  }
0x77: {  	_ =	shalt  }
0x78: {  	_ =	shalt  }
0x79: {  	_ =	shalt  }
0x7a: {  	_ =	shalt  }
0x7b: {  	_ =	shalt  }
0x7c: {  	_ =	shalt  }
0x7d: {  	_ =	shalt  }
0x7e: {  	_ =	shalt  }
0x7f: {  	_ =	shalt  }
0x80: {  	_ =	shalt  }
0x81: {  	_ =	shalt  }
0x82: {  	_ =	shalt  }
0x83: {  	_ =	shalt  }
0x84: {  	_ =	shalt  }
0x85: {  	_ =	shalt  }
0x86: {  	_ =	shalt  }
0x87: {  	_ =	shalt  }
.Lfunc_end0:
.L_simem_size_0:
called_computation.2_lowered:
.L_overlay_start_0:
0x88: {  	s2 =	sld [smem:$0x3FD9]  }
0x89: {  	s3 =	sld [smem:$0x3FFE];
	_ =	sdelay $0x1  }
0x8a: {  	s1 =	srdreg.scid  }
0x8b: {  	s0 =	sand.u32 $0x1, s1  }
0x8c: {  	s16 =	sshll.u32 s0, $0xA;
	s2 =	sadd.s32 s3, s2  }
0x8d: {  	s2 =	sadd.s32 s2, s16  }
0x8e: {  	[smem:$0x3F99] =	sst s2  }
0x8f: {  	_ = 	snop  }
0x90: {  	(tm) =	ssettm $0x1  }
0x91: {  	s17 =	sld [smem:$0x3FFB];
	_ =	sdelay $0x3  }
0x92: {  	_ =	strace s17  }
0x93: {  	s2 =	sld [smem:$0x3FFC];
	_ =	sdelay $0x3  }
0x94: {  	_ =	strace s2  }
0x95: {  	s2 =	sld [smem:$0x3FFD];
	_ =	sdelay $0x3  }
0x96: {  	_ =	strace s2  }
0x97: {  	_ =	strace $0x8FFFFFFF  }
0x98: {  	s18 =	sld [smem:$0x3FDB];
	_ =	sdelay $0x1  }
0x99: {  	s19 =	simm.s32 $_scs_section_size  }
0x9a: {  	s4 =	simm.s32 $_size__tile_overlayer_lowered;
	s5 =	simm.s32 $_tile_overlayer_lowered  }
0x9b: {  	s22 =	simm.s32 $0x1BFF;
	s21 =	sshll.u32 s5, $0x1;
	s2 =	sadd.s32 s19, s18  }
0x9c: {  	s6 =	simm.s32 $0x0;
	s20 =	sshll.u32 s4, $0x1;
	s4 =	sadd.s32 s21, s2  }
0x9d: {  	[timem:s6], [sflag:s22] =	dma.local [hbm:s4], s20  }
0x9e: {  	_ =	swait.ge [sflag:s22], s20  }
0x9f: {  	s3 =	ssub.s32 $0x0, s20;
	[sflag:s22] =	ssyncset.done $0x0  }
0xa0: {  	[sflag:s22] =	ssyncadd.s32 s3;
	_ =	sdelay $0x1  }
0xa1: {  	s23 =	simm.s32 $0x1B8B  }
0xa2: {  	_ =	swait.ge [sflag:s23], $0x1  }
0xa3: {  	[sflag:s23] =	ssyncset.done $0x0  }
0xa4: {  	s25 =	simm.s32 $0x1B8E;
	s24 =	sld [smem:$0x3FFE];
	[sflag:s23] =	ssyncadd.s32 $0xFFFFFFFF  }
0xa5: {  	s26 =	simm.s32 $execute0_lowered;
	[smem:$0x3FD2] =	sst s25  }
0xa6: {  	s4 =	sshll.u32 s26, $0x1;
	_ =	strace $0x8000004C;
	[dreg:$0x1] =	wrdreg $0xFFFFFFFF  }
0xa7: {  	s28 =	simm.s32 $_size_execute0_lowered;
	s2 =	sadd.s32 s2, s4;
	[dreg:$0x0] =	wrdreg $0x0  }
0xa8: {  	s4 =	sshll.u32 s28, $0x1;
	[dreg:$0x2] =	wrdreg s2  }
0xa9: {  	[dreg:$0x3] =	wrdreg s4  }
0xaa: {  	[dreg:$0x4] =	wrdreg $0xC0  }
0xab: {  	_ =	task [dreg:s6], $0x5FFFF  }
0xac: {  	[dreg:$0x1] =	wrdreg $0xFFFFFFFF  }
0xad: {  	[dreg:$0x0] =	wrdreg $0x60  }
0xae: {  	[dreg:$0x2] =	wrdreg s24  }
0xaf: {  	[dreg:$0x3] =	wrdreg $0x9  }
0xb0: {  	_ =	task.clear_ibuf [dreg:s6], $0x4FFFF;
	_ =	strace $0x9000004C  }
0xb1: {  	s29 =	simm.s32 $0x9;
	_ =	strace $0x8000004E  }
0xb2: {  	_ =	swait.ge [sflag:s29], $0x1  }
0xb3: {  	[sflag:s29] =	ssyncadd.s32 $0xFFFFFFFF  }
0xb4: {  	_ =	strace $0x9000004E  }
0xb5: {  	_ =	sfence  }
0xb6: {  	s30 =	sld [smem:$0x0];
	_ =	sdelay $0x2  }
0xb7: {  	s31 =	sshll.u32 s1, $0xD;
	s1 =	sshrl.u32 s1, $0x2  }
0xb8: {  	s3 =	sand.u32 $0x4000, s31;
	s1 =	sadd.s32 s1, s30  }
0xb9: {  	s0 =	sor.u32 s3, s0;
	s1 =	sshll.u32 s1, $0x11  }
0xba: {  	s0 =	sor.u32 s1, s0  }
0xbb: {  	s0 =	sadd.s32 $0x8F2B, s0  }
0xbc: {  	[sflag:s0] =	ssyncadd.remote.s32 $0x1  }
0xbd: {  	_ =	sfence.sel $0xFFFF  }
0xbe: {  	[dreg:$0x0] =	wrdreg $0xFFFFFFFF;
	(pc) =	sbr.abs _section_cstart, $3  }
0xbf: {  	[dreg:$0x1] =	wrdreg $0xFFFFFFFF  }
0xc0: {  	_ =	task.clear_ibuf [dreg:s6], $0x2FFFF;
	_ =	strace $0x9FFFFFFF  }
0xc1: {  	(tm) =	ssettm $0x7FFFFFFF  }
tec
execute0_lowered:
.L_overlay_start_1:
0x0: {  	(tag) =	ssettag $0x1  }
0x1: {  	s5 =	rddreg [dreg:$0x0]  }
0x2: {  	s0 =	rddreg [dreg:$0x1];
	s1 =	simm.s32 $0x0;
	s6 =	srdreg.scid  }
0x3: {  	s2 =	stileid.u32;
	s10 =	simm.s32 $0x3;
	s11 =	simm.s32 $0x4000  }
0x4: {  	s12 =	simm.s32 $0x50;
	s13 =	simm.s32 $0x8000;
	s14 =	simm.s32 $0xA800  }
0x5: {  	s15 =	simm.s32 $0x1;
	s16 =	simm.s32 $0x2;
	s17 =	simm.s32 $0x0  }
0x6: {  	[smem:$0x7FF] =	sst s1;
	s3 =	sadd.s32 $0x52200, s5;
	s4 =	sadd.s32 $0x79400, s5  }
0x7: {  	s6 =	sand.u32 $0x1, s6;
	s7 =	sshll.u32 s2, $0xC;
	s9 =	smul.u32 $0x4E200, s2  }
0x8: {  	_ =	strace $0x8000004D;
	s8 =	sshll.u32 s6, $0xB;
	s30 =	ssub.s32 $0x2, s6  }
0x9: {  	s6 =	smul.u32 $0x27100, s6;
	s7 =	sor.u32 s8, s7;
	s31 =	sshrl.u32 s30, $0x1  }
0xa: {  	s9 =	sadd.s32 s9, s5;
	s7 =	sadd.s32 s7, s5;
	s8 =	ssub.s32 s30, s31  }
0xb: {  	s9 =	sadd.s32 s6, s9;
	s5 =	sadd.s32 $0x1B000, s7;
	s6 =	sadd.s32 $0xB000, s7  }
0xc: {  	s7 =	smax.u32 s8, $0x1;
	s8 =	sadd.s32 $0xA0600, s9;
	s9 =	sadd.s32 $0x582600, s9  }
.LBB2_1:
0xd: {  	[tilespmem:s1], [sflag:$0x3] =	stream.linear.gather [hbm4b:s5+s1], $0x3E80, $0x38;
	[tilespmem:$0xD000] =	vst v63  }
0xe: {  	_ =	swait.ge [sflag:s10], $0x3E80  }
0xf: {  	[sflag:s10] =	ssyncset.done $0x0  }
0x10: {  	[sflag:s10] =	ssyncadd.s32 $0xFFFFC180  }
0x11: {  	[tilespmem:s11], [sflag:$0x3] =	stream.linear.gather [hbm4b:s6+s1], $0x3E80, $0x38;
	[tilespmem:$0xD000] =	vst v63  }
0x12: {  	_ =	swait.ge [sflag:s10], $0x3E80  }
0x13: {  	[sflag:s10] =	ssyncset.done $0x0  }
0x14: {  	s18 =	simm.s32 $0x0;
	[sflag:s10] =	ssyncadd.s32 $0xFFFFC180  }
0x15: {  	[tilespmem:s13], [sflag:$0x1] =	stream.indirect.gather [hbm4b:s3+s12], $0x80, s18, s12, $0xb8;
	[tilespmem:$0xD000] =	vst v63  }
0x16: {  	s31 =	simm.s32 $0x4000  }
0x17: {  	[tilespmem:s14], [sflag:$0x2] =	stream.indirect.gather [hbm4b:s4+s12], $0x80, s31, s12, $0xb8;
	[tilespmem:$0xD000] =	vst v63  }
0x18: {  	_ =	swait.ge [sflag:s15], $0x2800  }
0x19: {  	[sflag:s15] =	ssyncset.done $0x0  }
0x1a: {  	[sflag:s15] =	ssyncadd.s32 $0xFFFFD800  }
0x1b: {  	_ =	swait.ge [sflag:s16], $0x2800  }
0x1c: {  	[sflag:s16] =	ssyncset.done $0x0  }
0x1d: {  	[sflag:s16] =	ssyncadd.s32 $0xFFFFD800  }
0x1e: {  	[hbm4b:s8+s1] =	stream.linear.scatter [tilespmem:s13], [sflag:$0x3], $0x2800, $0x38;
	[tilespmem:$0xD000] =	vst v63  }
0x1f: {  	_ =	swait.ge [sflag:s10], $0x2800  }
0x20: {  	[sflag:s10] =	ssyncset.done $0x0  }
0x21: {  	[sflag:s10] =	ssyncadd.s32 $0xFFFFD800  }
0x22: {  	[hbm4b:s9+s1] =	stream.linear.scatter [tilespmem:s14], [sflag:$0x3], $0x2800, $0x38;
	[tilespmem:$0xD000] =	vst v63  }
0x23: {  	s20 =	simm.s32 $0x200;
	s21 =	simm.s32 $0x400;
	_ =	swait.ge [sflag:s10], $0x2800  }
0x24: {  	s19 =	sadd.s32 $0x500, s8;
	s18 =	sadd.s32 $0x500, s9;
	[sflag:s10] =	ssyncset.done $0x0  }
.LBB2_2:
0x25: {  	s22 =	sshra.s32 s20, $0x2  }
0x26: {  	[sflag:s10] =	ssyncadd.s32 $0xFFFFD800;
	s20 =	smov.u32 s21;
	s23 =	sadd.s32 $0x200, s21  }
0x27: {  	[tilespmem:s13], [sflag:$0x1] =	stream.indirect.gather [hbm4b:s3+s12], $0x80, s22, s12, $0xb8;
	[tilespmem:$0xD000] =	vst v63  }
0x28: {  	p0 =	sne.s32 s21, $0xF800;
	s21 =	sadd.s32 $0x4000, s22  }
0x29: {  	[tilespmem:s14], [sflag:$0x2] =	stream.indirect.gather [hbm4b:s4+s12], $0x80, s21, s12, $0xb8;
	[tilespmem:$0xD000] =	vst v63  }
0x2a: {  	_ =	swait.ge [sflag:s15], $0x2800  }
0x2b: {  	[sflag:s15] =	ssyncset.done $0x0  }
0x2c: {  	[sflag:s15] =	ssyncadd.s32 $0xFFFFD800  }
0x2d: {  	_ =	swait.ge [sflag:s16], $0x2800  }
0x2e: {  	[sflag:s16] =	ssyncset.done $0x0  }
0x2f: {  	[sflag:s16] =	ssyncadd.s32 $0xFFFFD800  }
0x30: {  	[hbm4b:s19+s1] =	stream.linear.scatter [tilespmem:s13], [sflag:$0x3], $0x2800, $0x38;
	[tilespmem:$0xD000] =	vst v63  }
0x31: {  	_ =	swait.ge [sflag:s10], $0x2800  }
.Ltmp0:
0x32: {  	[sflag:s10] =	ssyncset.done $0x0;
	(pc) =	sbr.rel @p0 .LBB2_2-.Ltmp0, $4  }
0x33: {  	[sflag:s10] =	ssyncadd.s32 $0xFFFFD800  }
0x34: {  	[hbm4b:s18+s1] =	stream.linear.scatter [tilespmem:s14], [sflag:$0x3], $0x2800, $0x38;
	[tilespmem:$0xD000] =	vst v63  }
0x35: {  	s21 =	smov.u32 s23;
	_ =	swait.ge [sflag:s10], $0x2800  }
0x36: {  	s19 =	sadd.s32 $0x500, s19;
	s18 =	sadd.s32 $0x500, s18;
	[sflag:s10] =	ssyncset.done $0x0  }
0x37: {  	s20 =	sshra.s32 s20, $0x2;
	[sflag:s10] =	ssyncadd.s32 $0xFFFFD800  }
0x38: {  	[tilespmem:s13], [sflag:$0x1] =	stream.indirect.gather [hbm4b:s3+s12], $0x80, s20, s12, $0xb8;
	[tilespmem:$0xD000] =	vst v63  }
0x39: {  	s20 =	sadd.s32 $0x4000, s20  }
0x3a: {  	[tilespmem:s14], [sflag:$0x2] =	stream.indirect.gather [hbm4b:s4+s12], $0x80, s20, s12, $0xb8;
	[tilespmem:$0xD000] =	vst v63  }
0x3b: {  	_ =	swait.ge [sflag:s15], $0x2800  }
0x3c: {  	[sflag:s15] =	ssyncset.done $0x0  }
0x3d: {  	[sflag:s15] =	ssyncadd.s32 $0xFFFFD800  }
0x3e: {  	_ =	swait.ge [sflag:s16], $0x2800  }
0x3f: {  	[sflag:s16] =	ssyncset.done $0x0  }
0x40: {  	[sflag:s16] =	ssyncadd.s32 $0xFFFFD800  }
0x41: {  	[hbm4b:s19+s1] =	stream.linear.scatter [tilespmem:s13], [sflag:$0x3], $0x2800, $0x38;
	[tilespmem:$0xD000] =	vst v63  }
0x42: {  	s17 =	sadd.s32 $0x1, s17;
	_ =	swait.ge [sflag:s10], $0x2800  }
0x43: {  	p0 =	sne.s32 s17, s7;
	[sflag:s10] =	ssyncset.done $0x0  }
.Ltmp1:
0x44: {  	[sflag:s10] =	ssyncadd.s32 $0xFFFFD800;
	(pc) =	sbr.rel @p0 .LBB2_1-.Ltmp1, $4  }
0x45: {  	[hbm4b:s18+s1] =	stream.linear.scatter [tilespmem:s14], [sflag:$0x3], $0x2800, $0x38;
	[tilespmem:$0xD000] =	vst v63  }
0x46: {  	_ =	swait.ge [sflag:s10], $0x2800  }
0x47: {  	[sflag:s10] =	ssyncset.done $0x0  }
0x48: {  	[sflag:s10] =	ssyncadd.s32 $0xFFFFD800  }
0x49: {  	_ =	sfence.sel $0x180000  }
0x4a: {  	[bflag:$0x0] =	sbarrier.arrive $0xFFFF  }
0x4b: {  	p0 =	sne.s32 s2, $0x0;
	_ =	strace $0x9000004D  }
0x4c: {  	s0 =	sadd.s32 @!p0 $0x100000, s0;
	[bflag:$0x2] =	sbarrier.arrive $0xFFFF  }
0x4d: {  	[sflag:s0] =	ssyncadd.tile.s32 @!p0 $0x1;
	_ =	shalt  }
.Lfunc_end2:
_tile_overlayer_lowered:
.L_overlay_start_2:
0x4e: {  	(tag) =	ssettag $0x2  }
0x4f: {  	s0 =	rddreg [dreg:$0x0];
	s2 =	stileid.u32  }
0x50: {  	s1 =	rddreg [dreg:$0x1];
	p0 =	sne.s32 s2, $0x0  }
0x51: {  	s3 =	rddreg [dreg:$0x2];
	[bflag:$0x3] =	sbarrier.arrive $0xFFFF;
	s2 =	simm.s32 @!p0 $0x1C03  }
0x52: {  	[timem:s3], [sflag:s2] =	dma.local @!p0 [hbm:s0], s1  }
0x53: {  	s0 =	simm.s32 @!p0 $0x3  }
0x54: {  	_ =	swait.ge @!p0 [sflag:s0], s1  }
0x55: {  	s1 =	ssub.s32 @!p0 $0x0, s1;
	[sflag:s0] =	ssyncset.done @!p0 $0x0  }
0x56: {  	[sflag:s0] =	ssyncadd.s32 @!p0 s1  }
0x57: {  	[bflag:$0x3] =	sbarrier.arrive $0xFFFF  }
0x58: {  	_ =	shalt  }

// kernel: kernel.29.cloned.1.call-start
scs
__scs_entry_jumppad:
0x0: {  	(pc) =	sbr.rel $0x88, $3  }
0x1: {  	(tag) =	ssettag $0x0;
	lr =	simm.s32 $0x1  }
0x2: {  	[smem:$0x3F72] =	sst lr;
	_ =	strace $0xD0000000  }
0x3: {  	_ = 	snop  }
0x4: {  	_ = 	snop  }
0x5: {  	_ = 	snop  }
0x6: {  	_ = 	snop  }
0x7: {  	_ = 	snop  }
__scs_overlays_trampoline_lowered:
0x8: {  	[smem:$0x3F81] =	sst s0  }
0x9: {  	[smem:$0x3F82] =	sst s1  }
0xa: {  	[smem:$0x3F83] =	sst s2  }
0xb: {  	[smem:$0x3F84] =	sst s3  }
0xc: {  	[smem:$0x3F85] =	sst s4  }
0xd: {  	[smem:$0x3F86] =	sst s5  }
0xe: {  	[smem:$0x3F87] =	sst s6  }
0xf: {  	[smem:$0x3F88] =	sst s7  }
0x10: {  	[smem:$0x3F89] =	sst s8  }
0x11: {  	[smem:$0x3F8A] =	sst s9;
	s0 =	simm.s32 @!p0 $0x0  }
0x12: {  	s1 =	sld [smem:$0x3F70];
	s0 =	simm.s32 @p0 $0x1  }
0x13: {  	[smem:$0x3F8B] =	sst s0;
	s0 =	simm.s32 @!p1 $0x0  }
0x14: {  	s2 =	sld [smem:$0x3F6F];
	s0 =	simm.s32 @p1 $0x1  }
0x15: {  	[smem:$0x3F8C] =	sst s0;
	s0 =	simm.s32 @!p2 $0x0  }
0x16: {  	s3 =	sld [smem:$0x3FDB];
	s0 =	simm.s32 @p2 $0x1  }
0x17: {  	s4 =	simm.s32 $0x1BF5;
	[smem:$0x3F8E] =	sst s0  }
0x18: {  	s0 =	sld [smem:$0x3F71];
	_ =	swait.ge [sflag:s4], $0x0  }
0x19: {  	s7 =	sld [smem:$0x3F72]  }
0x1a: {  	s8 =	sadd.s32 $0xFFFFE003, lr  }
0x1b: {  	s9 =	sadd.s32 $0xFFFFFEF7, lr;
	s5 =	simm.s32 $0xFFFFFFFF;
	p2 =	slt.u32 s8, $0xFFFFF086  }
0x1c: {  	p1 =	slt.u32 s9, $0xF7A;
	s5 =	simm.s32 @!p2 $0x0  }
0x1d: {  	s5 =	simm.s32 @p1 $0x1;
	p0 =	seq.s32 s7, s2  }
0x1e: {  	s7 =	smul.u32 @!p0 $0xF7A, s2;
	p2 =	seq.s32 @!p0 s5, $0x0  }
0x1f: {  	s9 =	smul.u32 $0xF7A, s1;
	s8 =	simm.s32 @!p0 $0x1BF5;
	p2 =	por !p2, p0  }
0x20: {  	[sflag:s8] =	ssyncset.s32 @!p0 $0xFFFFF086;
	s6 =	sadd.s32 @!p0 s3, s7;
	s7 =	simm.s32 @!p0 $0x108  }
0x21: {  	s3 =	sadd.s32 s3, s9;
	s6 =	sadd.s32 @!p0 $0x88, s6;
	s7 =	simm.s32 @p2 $0x1082  }
0x22: {  	[simem:s7], [sflag:s8] =	dma.local @!p0 [hbm:s6], $0xF7A  }
0x23: {  	s9 =	sor.u32 $0xD0000000, s2;
	s6 =	simm.s32 $0x108;
	_ =	swait.ge @!p0 [sflag:s8], $0x0  }
0x24: {  	s3 =	sadd.s32 $0x88, s3;
	s6 =	simm.s32 @!p1 $0x1082;
	[sflag:s4] =	ssyncset.s32 $0xFFFFF086  }
0x25: {  	[simem:s6], [sflag:s4] =	dma.local [hbm:s3], $0xF7A  }
0x26: {  	[smem:$0x3F72] =	sst s1;
	(tag) =	ssettag s2;
	_ =	strace s9  }
0x27: {  	s1 =	sld [smem:$0x3F82]  }
0x28: {  	s2 =	sld [smem:$0x3F83]  }
0x29: {  	s4 =	sld [smem:$0x3F85]  }
0x2a: {  	p0 =	seq.s32 s5, $0x0;
	s5 =	sld [smem:$0x3F86]  }
0x2b: {  	s6 =	sld [smem:$0x3F87]  }
0x2c: {  	s7 =	sld [smem:$0x3F88]  }
0x2d: {  	s3 =	simm.s32 $0x108;
	s8 =	sld [smem:$0x3F89]  }
0x2e: {  	s3 =	simm.s32 @!p0 $0x1082;
	s9 =	sld [smem:$0x3F8A]  }
0x2f: {  	lr =	sadd.s32 s0, s3;
	s0 =	sld [smem:$0x3F81]  }
0x30: {  	s3 =	sld [smem:$0x3F84]  }
0x31: {  	[smem:$0x3F8D] =	sst s10  }
0x32: {  	s10 =	sld [smem:$0x3F8B];
	_ =	sdelay $0x3  }
0x33: {  	p0 =	seq.s32 s10, $0x1;
	s10 =	sld [smem:$0x3F8D];
	_ =	sdelay $0x3  }
0x34: {  	[smem:$0x3F8D] =	sst s10  }
0x35: {  	s10 =	sld [smem:$0x3F8C];
	_ =	sdelay $0x3  }
0x36: {  	p1 =	seq.s32 s10, $0x1;
	s10 =	sld [smem:$0x3F8D];
	_ =	sdelay $0x3  }
0x37: {  	[smem:$0x3F8D] =	sst s10  }
0x38: {  	s10 =	sld [smem:$0x3F8E]  }
0x39: {  	_ = 	snop;
	(pc) =	sbr.ind lr, $3  }
0x3a: {  	_ = 	snop  }
0x3b: {  	_ = 	snop  }
0x3c: {  	p2 =	seq.s32 s10, $0x1;
	s10 =	sld [smem:$0x3F8D]  }
0x3d: {  	_ =	shalt  }
0x3e: {  	_ =	shalt  }
0x3f: {  	_ =	shalt  }
0x40: {  	_ =	shalt  }
0x41: {  	_ =	shalt  }
0x42: {  	_ =	shalt  }
0x43: {  	_ =	shalt  }
0x44: {  	_ =	shalt  }
0x45: {  	_ =	shalt  }
0x46: {  	_ =	shalt  }
0x47: {  	_ =	shalt  }
0x48: {  	_ =	shalt  }
0x49: {  	_ =	shalt  }
0x4a: {  	_ =	shalt  }
0x4b: {  	_ =	shalt  }
0x4c: {  	_ =	shalt  }
0x4d: {  	_ =	shalt  }
0x4e: {  	_ =	shalt  }
0x4f: {  	_ =	shalt  }
0x50: {  	_ =	shalt  }
0x51: {  	_ =	shalt  }
0x52: {  	_ =	shalt  }
0x53: {  	_ =	shalt  }
0x54: {  	_ =	shalt  }
0x55: {  	_ =	shalt  }
0x56: {  	_ =	shalt  }
0x57: {  	_ =	shalt  }
0x58: {  	_ =	shalt  }
0x59: {  	_ =	shalt  }
0x5a: {  	_ =	shalt  }
0x5b: {  	_ =	shalt  }
0x5c: {  	_ =	shalt  }
0x5d: {  	_ =	shalt  }
0x5e: {  	_ =	shalt  }
0x5f: {  	_ =	shalt  }
0x60: {  	_ =	shalt  }
0x61: {  	_ =	shalt  }
0x62: {  	_ =	shalt  }
0x63: {  	_ =	shalt  }
0x64: {  	_ =	shalt  }
0x65: {  	_ =	shalt  }
0x66: {  	_ =	shalt  }
0x67: {  	_ =	shalt  }
0x68: {  	_ =	shalt  }
0x69: {  	_ =	shalt  }
0x6a: {  	_ =	shalt  }
0x6b: {  	_ =	shalt  }
0x6c: {  	_ =	shalt  }
0x6d: {  	_ =	shalt  }
0x6e: {  	_ =	shalt  }
0x6f: {  	_ =	shalt  }
0x70: {  	_ =	shalt  }
0x71: {  	_ =	shalt  }
0x72: {  	_ =	shalt  }
0x73: {  	_ =	shalt  }
0x74: {  	_ =	shalt  }
0x75: {  	_ =	shalt  }
0x76: {  	_ =	shalt  }
0x77: {  	_ =	shalt  }
0x78: {  	_ =	shalt  }
0x79: {  	_ =	shalt  }
0x7a: {  	_ =	shalt  }
0x7b: {  	_ =	shalt  }
0x7c: {  	_ =	shalt  }
0x7d: {  	_ =	shalt  }
0x7e: {  	_ =	shalt  }
0x7f: {  	_ =	shalt  }
0x80: {  	_ =	shalt  }
0x81: {  	_ =	shalt  }
0x82: {  	_ =	shalt  }
0x83: {  	_ =	shalt  }
0x84: {  	_ =	shalt  }
0x85: {  	_ =	shalt  }
0x86: {  	_ =	shalt  }
0x87: {  	_ =	shalt  }
.Lfunc_end0:
.L_simem_size_0:
called_computation.3_lowered:
.L_overlay_start_0:
0x88: {  	s2 =	sld [smem:$0x3FD9]  }
0x89: {  	s3 =	sld [smem:$0x3FFE];
	_ =	sdelay $0x1  }
0x8a: {  	s1 =	srdreg.scid  }
0x8b: {  	s0 =	sand.u32 $0x1, s1  }
0x8c: {  	s16 =	sshll.u32 s0, $0xA;
	s2 =	sadd.s32 s3, s2  }
0x8d: {  	s2 =	sadd.s32 s2, s16  }
0x8e: {  	[smem:$0x3F99] =	sst s2  }
0x8f: {  	_ = 	snop  }
0x90: {  	(tm) =	ssettm $0x1  }
0x91: {  	s17 =	sld [smem:$0x3FFB];
	_ =	sdelay $0x3  }
0x92: {  	_ =	strace s17  }
0x93: {  	s2 =	sld [smem:$0x3FFC];
	_ =	sdelay $0x3  }
0x94: {  	_ =	strace s2  }
0x95: {  	s2 =	sld [smem:$0x3FFD];
	_ =	sdelay $0x3  }
0x96: {  	_ =	strace s2  }
0x97: {  	_ =	strace $0x8FFFFFFF  }
0x98: {  	s18 =	sld [smem:$0x3FDB];
	_ =	sdelay $0x1  }
0x99: {  	s19 =	simm.s32 $_scs_section_size  }
0x9a: {  	s4 =	simm.s32 $_size__tile_overlayer_lowered;
	s5 =	simm.s32 $_tile_overlayer_lowered  }
0x9b: {  	s22 =	simm.s32 $0x1BFF;
	s21 =	sshll.u32 s5, $0x1;
	s2 =	sadd.s32 s19, s18  }
0x9c: {  	s6 =	simm.s32 $0x0;
	s20 =	sshll.u32 s4, $0x1;
	s4 =	sadd.s32 s21, s2  }
0x9d: {  	[timem:s6], [sflag:s22] =	dma.local [hbm:s4], s20  }
0x9e: {  	_ =	swait.ge [sflag:s22], s20  }
0x9f: {  	s3 =	ssub.s32 $0x0, s20;
	[sflag:s22] =	ssyncset.done $0x0  }
0xa0: {  	[sflag:s22] =	ssyncadd.s32 s3;
	_ =	sdelay $0x1  }
0xa1: {  	s23 =	simm.s32 $0x1B8B  }
0xa2: {  	_ =	swait.ge [sflag:s23], $0x1  }
0xa3: {  	[sflag:s23] =	ssyncset.done $0x0  }
0xa4: {  	s25 =	simm.s32 $0x1B8E;
	s24 =	sld [smem:$0x3FFE];
	[sflag:s23] =	ssyncadd.s32 $0xFFFFFFFF  }
0xa5: {  	s26 =	simm.s32 $execute0_lowered;
	[smem:$0x3FD2] =	sst s25  }
0xa6: {  	s4 =	sshll.u32 s26, $0x1;
	_ =	strace $0x8000004F;
	[dreg:$0x1] =	wrdreg $0xFFFFFFFF  }
0xa7: {  	s28 =	simm.s32 $_size_execute0_lowered;
	s2 =	sadd.s32 s2, s4;
	[dreg:$0x0] =	wrdreg $0x0  }
0xa8: {  	s4 =	sshll.u32 s28, $0x1;
	[dreg:$0x2] =	wrdreg s2  }
0xa9: {  	[dreg:$0x3] =	wrdreg s4  }
0xaa: {  	[dreg:$0x4] =	wrdreg $0xC0  }
0xab: {  	_ =	task [dreg:s6], $0x5FFFF  }
0xac: {  	[dreg:$0x1] =	wrdreg $0xFFFFFFFF  }
0xad: {  	[dreg:$0x0] =	wrdreg $0x60  }
0xae: {  	[dreg:$0x2] =	wrdreg s24  }
0xaf: {  	[dreg:$0x3] =	wrdreg $0x9C000  }
0xb0: {  	[dreg:$0x4] =	wrdreg $0x9  }
0xb1: {  	_ =	task.clear_ibuf [dreg:s6], $0x5FFFF;
	_ =	strace $0x9000004F  }
0xb2: {  	s29 =	simm.s32 $0x9;
	_ =	strace $0x80000051  }
0xb3: {  	_ =	swait.ge [sflag:s29], $0x1  }
0xb4: {  	[sflag:s29] =	ssyncadd.s32 $0xFFFFFFFF  }
0xb5: {  	_ =	strace $0x90000051  }
0xb6: {  	_ =	sfence  }
0xb7: {  	s30 =	sld [smem:$0x0];
	_ =	sdelay $0x2  }
0xb8: {  	s31 =	sshll.u32 s1, $0xD;
	s1 =	sshrl.u32 s1, $0x2  }
0xb9: {  	s3 =	sand.u32 $0x4000, s31;
	s1 =	sadd.s32 s1, s30  }
0xba: {  	s0 =	sor.u32 s3, s0;
	s1 =	sshll.u32 s1, $0x11  }
0xbb: {  	s0 =	sor.u32 s1, s0  }
0xbc: {  	s0 =	sadd.s32 $0x8F2B, s0  }
0xbd: {  	[sflag:s0] =	ssyncadd.remote.s32 $0x1  }
0xbe: {  	_ =	sfence.sel $0xFFFF  }
0xbf: {  	[dreg:$0x0] =	wrdreg $0xFFFFFFFF;
	(pc) =	sbr.abs _section_cstart, $3  }
0xc0: {  	[dreg:$0x1] =	wrdreg $0xFFFFFFFF  }
0xc1: {  	_ =	task.clear_ibuf [dreg:s6], $0x2FFFF;
	_ =	strace $0x9FFFFFFF  }
0xc2: {  	(tm) =	ssettm $0x7FFFFFFF  }
0xc3: {  	_ =	shalt  }
tec
execute0_lowered:
.L_overlay_start_1:
0x0: {  	(tag) =	ssettag $0x1  }
0x1: {  	s3 =	rddreg [dreg:$0x0]  }
0x2: {  	s1 =	rddreg [dreg:$0x1]  }
0x3: {  	s0 =	rddreg [dreg:$0x2];
	s2 =	simm.s32 $0x0  }
0x4: {  	s18 =	stileid.u32;
	s5 =	srdreg.scid;
	s16 =	simm.s32 $0x1  }
0x5: {  	s17 =	simm.s32 $0x4000;
	s20 =	simm.s32 $0x0;
	s4 =	smul.u32 $0x4E200, s18  }
0x6: {  	[smem:$0x7FF] =	sst s2;
	s9 =	sand.u32 $0x1, s5;
	s8 =	smul.u32 $0x13800, s18  }
0x7: {  	s25 =	sshll.u32 s18, $0xC;
	s10 =	sadd.s32 $0x52200, s3;
	s28 =	smul.u32 $0x4E000, s18  }
0x8: {  	p0 =	sne.s32 s18, $0x0;
	s19 =	sshll.u32 s18, $0x6;
	_ =	strace $0x80000050  }
0x9: {  	s18 =	simm.s32 $0x50;
	s5 =	sshll.u32 s9, $0xB;
	s6 =	smul.u32 $0x138800, s9  }
0xa: {  	s26 =	ssub.s32 $0x2, s9;
	s15 =	smul.u32 $0x27100, s9;
	s19 =	sor.u32 $0x1C01, s19  }
0xb: {  	s14 =	sadd.s32 s4, s3;
	s4 =	sor.u32 s5, s25;
	s7 =	sshrl.u32 s26, $0x1  }
0xc: {  	s30 =	sshrl.u32 s28, $0x2;
	s4 =	sadd.s32 s4, s3;
	s11 =	ssub.s32 s26, s7  }
0xd: {  	s3 =	sadd.s32 $0x138000, s1;
	s29 =	sadd.s32 s8, s6;
	s12 =	sshrl.u32 s6, $0x3  }
0xe: {  	s6 =	sadd.s32 s30, s1;
	s14 =	sadd.s32 s15, s14;
	s15 =	simm.s32 $0x6800  }
0xf: {  	s4 =	sadd.s32 $0xB000, s4;
	s7 =	sshrl.u32 s29, $0x3;
	s31 =	sadd.s32 s10, s12  }
0x10: {  	s8 =	smax.u32 s11, $0x1;
	s9 =	sadd.s32 $0x3400, s6;
	s11 =	sadd.s32 $0x9C00, s6  }
0x11: {  	s12 =	sadd.s32 $0xD000, s6;
	s13 =	sadd.s32 $0x10400, s6;
	s14 =	sadd.s32 $0xA64600, s14  }
0x12: {  	v0 =	vimm.f32 $0.0e+00;
	s5 =	sadd.s32 s10, s7;
	s7 =	sadd.s32 $0x27000, s31;
	s10 =	sadd.s32 $0x6800, s6  }
.LBB2_1:
0x13: {  	s22 =	simm.s32 $0x200;
	s21 =	simm.s32 $0x0  }
.LBB2_2:
0x14: {  	p1 =	sne.s32 s22, $0xCE00;
	[tilespmem:s21+$0x6830] =	vst v0;
	s23 =	smov.u32 s22;
	s22 =	sadd.s32 $0x200, s22  }
.Ltmp0:
0x15: {  	[tilespmem:s21+$0x6820] =	vst v0;
	(pc) =	sbr.rel @p1 .LBB2_2-.Ltmp0, $3  }
0x16: {  	[tilespmem:s21+$0x6800] =	vst v0  }
0x17: {  	[tilespmem:s21+$0x6810] =	vst v0;
	_ =	sdelay $0x1  }
0x18: {  	s21 =	sshra.s32 s23, $0x2  }
0x19: {  	[tilespmem:s21+$0x6830] =	vst v0  }
0x1a: {  	[tilespmem:s21+$0x6820] =	vst v0  }
0x1b: {  	[tilespmem:s21+$0x6800] =	vst v0  }
0x1c: {  	[tilespmem:s21+$0x6810] =	vst v0  }
0x1d: {  	[spmem:s6] =	stream.linear.scatter [tilespmem:s15], [sflag:$0x1], $0x3400, $0x38;
	[tilespmem:$0x13840] =	vst v63  }
0x1e: {  	_ =	swait.ge [sflag:s16], $0x3400  }
0x1f: {  	[sflag:s16] =	ssyncset.done $0x0  }
0x20: {  	[sflag:s16] =	ssyncadd.s32 $0xFFFFCC00  }
0x21: {  	[spmem:s9] =	stream.linear.scatter [tilespmem:s15], [sflag:$0x1], $0x3400, $0x38;
	[tilespmem:$0x13840] =	vst v63  }
0x22: {  	_ =	swait.ge [sflag:s16], $0x3400  }
0x23: {  	[sflag:s16] =	ssyncset.done $0x0  }
0x24: {  	[sflag:s16] =	ssyncadd.s32 $0xFFFFCC00  }
0x25: {  	[spmem:s10] =	stream.linear.scatter [tilespmem:s15], [sflag:$0x1], $0x3400, $0x38;
	[tilespmem:$0x13840] =	vst v63  }
0x26: {  	_ =	swait.ge [sflag:s16], $0x3400  }
0x27: {  	[sflag:s16] =	ssyncset.done $0x0  }
0x28: {  	[sflag:s16] =	ssyncadd.s32 $0xFFFFCC00  }
0x29: {  	[spmem:s11] =	stream.linear.scatter [tilespmem:s15], [sflag:$0x1], $0x3400, $0x38;
	[tilespmem:$0x13840] =	vst v63  }
0x2a: {  	_ =	swait.ge [sflag:s16], $0x3400  }
0x2b: {  	[sflag:s16] =	ssyncset.done $0x0  }
0x2c: {  	[sflag:s16] =	ssyncadd.s32 $0xFFFFCC00  }
0x2d: {  	[spmem:s12] =	stream.linear.scatter [tilespmem:s15], [sflag:$0x1], $0x3400, $0x38;
	[tilespmem:$0x13840] =	vst v63  }
0x2e: {  	_ =	swait.ge [sflag:s16], $0x3400  }
0x2f: {  	[sflag:s16] =	ssyncset.done $0x0  }
0x30: {  	[sflag:s16] =	ssyncadd.s32 $0xFFFFCC00  }
0x31: {  	[spmem:s13] =	stream.linear.scatter [tilespmem:s15], [sflag:$0x1], $0x3400, $0x38;
	[tilespmem:$0x13840] =	vst v63  }
0x32: {  	_ =	swait.ge [sflag:s16], $0x3400  }
0x33: {  	[sflag:s16] =	ssyncset.done $0x0  }
0x34: {  	s21 =	simm.s32 @!p0 $0x6800;
	[sflag:s16] =	ssyncadd.s32 $0xFFFFCC00  }
0x35: {  	[spmem:s3] =	stream.linear.scatter @!p0 [tilespmem:s21], [sflag:$0x1], $0x800, $0x38;
	[tilespmem:$0x13840] =	vst v63  }
0x36: {  	s21 =	simm.s32 @!p0 $0x1  }
0x37: {  	_ =	swait.ge @!p0 [sflag:s21], $0x800  }
0x38: {  	[sflag:s21] =	ssyncset.done @!p0 $0x0  }
0x39: {  	[sflag:s21] =	ssyncadd.s32 @!p0 $0xFFFFF800  }
0x3a: {  	s30 =	simm.s32 $0x0;
	[bflag:$0x0] =	sbarrier.arrive $0xFFFF  }
0x3b: {  	[tilespmem:s30], [sflag:$0x1] =	stream.linear.gather [hbm4b:s4+s30], $0x3E80, $0x38;
	[tilespmem:$0x13840] =	vst v63  }
0x3c: {  	_ =	swait.ge [sflag:s16], $0x3E80  }
0x3d: {  	[sflag:s16] =	ssyncset.done $0x0  }
0x3e: {  	[sflag:s16] =	ssyncadd.s32 $0xFFFFC180  }
0x3f: {  	[tilespmem:s17], [sflag:$0x1] =	stream.linear.gather [hbm4b:s14+s2], $0x2800, $0x38;
	[tilespmem:$0x13840] =	vst v63  }
0x40: {  	_ =	swait.ge [sflag:s16], $0x2800  }
0x41: {  	[sflag:s16] =	ssyncset.done $0x0  }
0x42: {  	s31 =	simm.s32 $0x0;
	[sflag:s16] =	ssyncadd.s32 $0xFFFFD800  }
0x43: {  	[spmem:s1] =	stream.indirect.scatter.add.f32 [tilespmem:s17], [sflag:$0x1], $0x40, s31, s18, $0xb8;
	[tilespmem:$0x13840] =	vst v63  }
0x44: {  	_ =	swait.ge [sflag:s16], $0x1400  }
0x45: {  	s22 =	smov.u32 s14;
	s21 =	simm.s32 $0x200;
	[sflag:s16] =	ssyncset.done $0x0  }
.LBB2_4:
0x46: {  	p1 =	sne.s32 s21, $0xF800;
	[sflag:s16] =	ssyncadd.s32 $0xFFFFEC00;
	s22 =	sadd.s32 $0x500, s22  }
0x47: {  	[tilespmem:s17], [sflag:$0x1] =	stream.linear.gather [hbm4b:s22+s2], $0x2800, $0x38;
	[tilespmem:$0x13840] =	vst v63  }
0x48: {  	s23 =	smov.u32 s21;
	s21 =	sadd.s32 $0x200, s21;
	_ =	swait.ge [sflag:s16], $0x2800  }
.Ltmp1:
0x49: {  	[sflag:s16] =	ssyncset.done $0x0;
	(pc) =	sbr.rel @p1 .LBB2_4-.Ltmp1, $4  }
0x4a: {  	s23 =	sshra.s32 s23, $0x2;
	[sflag:s16] =	ssyncadd.s32 $0xFFFFD800  }
0x4b: {  	[spmem:s1] =	stream.indirect.scatter.add.f32 [tilespmem:s17], [sflag:$0x1], $0x40, s23, s18, $0xb8;
	[tilespmem:$0x13840] =	vst v63  }
0x4c: {  	_ =	swait.ge [sflag:s16], $0x1400  }
0x4d: {  	[sflag:s16] =	ssyncset.done $0x0  }
0x4e: {  	[sflag:s16] =	ssyncadd.s32 $0xFFFFEC00  }
0x4f: {  	s21 =	sshrl.u32 s6, $0x3;
	[bflag:$0x0] =	sbarrier.arrive $0xFFFF  }
0x50: {  	[hbm:s5], [sflag:s19] =	dma.local [spmem:s21], $0x2700  }
0x51: {  	_ =	swait.ge [sflag:s16], $0x2700  }
0x52: {  	s20 =	sadd.s32 $0x1, s20;
	[sflag:s16] =	ssyncset.done $0x0  }
0x53: {  	p1 =	sne.s32 s20, s8;
	s21 =	sshrl.u32 @!p0 s3, $0x3;
	[sflag:s16] =	ssyncadd.s32 $0xFFFFD900  }
0x54: {  	[hbm:s7], [sflag:s19] =	dma.local @!p0 [spmem:s21], $0x100  }
.Ltmp2:
0x55: {  	_ = 	snop;
	(pc) =	sbr.rel @p1 .LBB2_1-.Ltmp2, $4  }
0x56: {  	s21 =	simm.s32 @!p0 $0x1  }
0x57: {  	_ =	swait.ge @!p0 [sflag:s21], $0x100  }
0x58: {  	[sflag:s21] =	ssyncset.done @!p0 $0x0  }
0x59: {  	[sflag:s21] =	ssyncadd.s32 @!p0 $0xFFFFFF00  }
0x5a: {  	_ =	sfence.sel $0x180000  }
0x5b: {  	[bflag:$0x0] =	sbarrier.arrive $0xFFFF  }
0x5c: {  	_ =	strace $0x90000050  }
0x5d: {  	s0 =	sadd.s32 @!p0 $0x100000, s0;
	[bflag:$0x2] =	sbarrier.arrive $0xFFFF  }
0x5e: {  	[sflag:s0] =	ssyncadd.tile.s32 @!p0 $0x1;
	_ =	shalt  }
.Lfunc_end2:
_tile_overlayer_lowered:
.L_overlay_start_2:
0x5f: {  	(tag) =	ssettag $0x2  }
0x60: {  	s0 =	rddreg [dreg:$0x0];
	s2 =	stileid.u32  }
0x61: {  	s1 =	rddreg [dreg:$0x1];
	p0 =	sne.s32 s2, $0x0  }
0x62: {  	s3 =	rddreg [dreg:$0x2];
	[bflag:$0x3] =	sbarrier.arrive $0xFFFF;
	s2 =	simm.s32 @!p0 $0x1C01  }
0x63: {  	[timem:s3], [sflag:s2] =	dma.local @!p0 [hbm:s0], s1  }
0x64: {  	s0 =	simm.s32 @!p0 $0x1  }
0x65: {  	_ =	swait.ge @!p0 [sflag:s0], s1  }
0x66: {  	s1 =	ssub.s32 @!p0 $0x0, s1;
	[sflag:s0] =	ssyncset.done @!p0 $0x0  }
0x67: {  	[sflag:s0] =	ssyncadd.s32 @!p0 s1  }
0x68: {  	[bflag:$0x3] =	sbarrier.arrive $0xFFFF  }
0x69: {  	_ =	shalt  }

// kernel: kernel.32.cloned.1.call-start
scs
__scs_entry_jumppad:
0x0: {  	(pc) =	sbr.rel $0x88, $3  }
0x1: {  	(tag) =	ssettag $0x0;
	lr =	simm.s32 $0x1  }
0x2: {  	[smem:$0x3F72] =	sst lr;
	_ =	strace $0xD0000000  }
0x3: {  	_ = 	snop  }
0x4: {  	_ = 	snop  }
0x5: {  	_ = 	snop  }
0x6: {  	_ = 	snop  }
0x7: {  	_ = 	snop  }
__scs_overlays_trampoline_lowered:
0x8: {  	[smem:$0x3F81] =	sst s0  }
0x9: {  	[smem:$0x3F82] =	sst s1  }
0xa: {  	[smem:$0x3F83] =	sst s2  }
0xb: {  	[smem:$0x3F84] =	sst s3  }
0xc: {  	[smem:$0x3F85] =	sst s4  }
0xd: {  	[smem:$0x3F86] =	sst s5  }
0xe: {  	[smem:$0x3F87] =	sst s6  }
0xf: {  	[smem:$0x3F88] =	sst s7  }
0x10: {  	[smem:$0x3F89] =	sst s8  }
0x11: {  	[smem:$0x3F8A] =	sst s9;
	s0 =	simm.s32 @!p0 $0x0  }
0x12: {  	s1 =	sld [smem:$0x3F70];
	s0 =	simm.s32 @p0 $0x1  }
0x13: {  	[smem:$0x3F8B] =	sst s0;
	s0 =	simm.s32 @!p1 $0x0  }
0x14: {  	s2 =	sld [smem:$0x3F6F];
	s0 =	simm.s32 @p1 $0x1  }
0x15: {  	[smem:$0x3F8C] =	sst s0;
	s0 =	simm.s32 @!p2 $0x0  }
0x16: {  	s3 =	sld [smem:$0x3FDB];
	s0 =	simm.s32 @p2 $0x1  }
0x17: {  	s4 =	simm.s32 $0x1BF5;
	[smem:$0x3F8E] =	sst s0  }
0x18: {  	s0 =	sld [smem:$0x3F71];
	_ =	swait.ge [sflag:s4], $0x0  }
0x19: {  	s7 =	sld [smem:$0x3F72]  }
0x1a: {  	s8 =	sadd.s32 $0xFFFFE003, lr  }
0x1b: {  	s9 =	sadd.s32 $0xFFFFFEF7, lr;
	s5 =	simm.s32 $0xFFFFFFFF;
	p2 =	slt.u32 s8, $0xFFFFF086  }
0x1c: {  	p1 =	slt.u32 s9, $0xF7A;
	s5 =	simm.s32 @!p2 $0x0  }
0x1d: {  	s5 =	simm.s32 @p1 $0x1;
	p0 =	seq.s32 s7, s2  }
0x1e: {  	s7 =	smul.u32 @!p0 $0xF7A, s2;
	p2 =	seq.s32 @!p0 s5, $0x0  }
0x1f: {  	s9 =	smul.u32 $0xF7A, s1;
	s8 =	simm.s32 @!p0 $0x1BF5;
	p2 =	por !p2, p0  }
0x20: {  	[sflag:s8] =	ssyncset.s32 @!p0 $0xFFFFF086;
	s6 =	sadd.s32 @!p0 s3, s7;
	s7 =	simm.s32 @!p0 $0x108  }
0x21: {  	s3 =	sadd.s32 s3, s9;
	s6 =	sadd.s32 @!p0 $0x88, s6;
	s7 =	simm.s32 @p2 $0x1082  }
0x22: {  	[simem:s7], [sflag:s8] =	dma.local @!p0 [hbm:s6], $0xF7A  }
0x23: {  	s9 =	sor.u32 $0xD0000000, s2;
	s6 =	simm.s32 $0x108;
	_ =	swait.ge @!p0 [sflag:s8], $0x0  }
0x24: {  	s3 =	sadd.s32 $0x88, s3;
	s6 =	simm.s32 @!p1 $0x1082;
	[sflag:s4] =	ssyncset.s32 $0xFFFFF086  }
0x25: {  	[simem:s6], [sflag:s4] =	dma.local [hbm:s3], $0xF7A  }
0x26: {  	[smem:$0x3F72] =	sst s1;
	(tag) =	ssettag s2;
	_ =	strace s9  }
0x27: {  	s1 =	sld [smem:$0x3F82]  }
0x28: {  	s2 =	sld [smem:$0x3F83]  }
0x29: {  	s4 =	sld [smem:$0x3F85]  }
0x2a: {  	p0 =	seq.s32 s5, $0x0;
	s5 =	sld [smem:$0x3F86]  }
0x2b: {  	s6 =	sld [smem:$0x3F87]  }
0x2c: {  	s7 =	sld [smem:$0x3F88]  }
0x2d: {  	s3 =	simm.s32 $0x108;
	s8 =	sld [smem:$0x3F89]  }
0x2e: {  	s3 =	simm.s32 @!p0 $0x1082;
	s9 =	sld [smem:$0x3F8A]  }
0x2f: {  	lr =	sadd.s32 s0, s3;
	s0 =	sld [smem:$0x3F81]  }
0x30: {  	s3 =	sld [smem:$0x3F84]  }
0x31: {  	[smem:$0x3F8D] =	sst s10  }
0x32: {  	s10 =	sld [smem:$0x3F8B];
	_ =	sdelay $0x3  }
0x33: {  	p0 =	seq.s32 s10, $0x1;
	s10 =	sld [smem:$0x3F8D];
	_ =	sdelay $0x3  }
0x34: {  	[smem:$0x3F8D] =	sst s10  }
0x35: {  	s10 =	sld [smem:$0x3F8C];
	_ =	sdelay $0x3  }
0x36: {  	p1 =	seq.s32 s10, $0x1;
	s10 =	sld [smem:$0x3F8D];
	_ =	sdelay $0x3  }
0x37: {  	[smem:$0x3F8D] =	sst s10  }
0x38: {  	s10 =	sld [smem:$0x3F8E]  }
0x39: {  	_ = 	snop;
	(pc) =	sbr.ind lr, $3  }
0x3a: {  	_ = 	snop  }
0x3b: {  	_ = 	snop  }
0x3c: {  	p2 =	seq.s32 s10, $0x1;
	s10 =	sld [smem:$0x3F8D]  }
0x3d: {  	_ =	shalt  }
0x3e: {  	_ =	shalt  }
0x3f: {  	_ =	shalt  }
0x40: {  	_ =	shalt  }
0x41: {  	_ =	shalt  }
0x42: {  	_ =	shalt  }
0x43: {  	_ =	shalt  }
0x44: {  	_ =	shalt  }
0x45: {  	_ =	shalt  }
0x46: {  	_ =	shalt  }
0x47: {  	_ =	shalt  }
0x48: {  	_ =	shalt  }
0x49: {  	_ =	shalt  }
0x4a: {  	_ =	shalt  }
0x4b: {  	_ =	shalt  }
0x4c: {  	_ =	shalt  }
0x4d: {  	_ =	shalt  }
0x4e: {  	_ =	shalt  }
0x4f: {  	_ =	shalt  }
0x50: {  	_ =	shalt  }
0x51: {  	_ =	shalt  }
0x52: {  	_ =	shalt  }
0x53: {  	_ =	shalt  }
0x54: {  	_ =	shalt  }
0x55: {  	_ =	shalt  }
0x56: {  	_ =	shalt  }
0x57: {  	_ =	shalt  }
0x58: {  	_ =	shalt  }
0x59: {  	_ =	shalt  }
0x5a: {  	_ =	shalt  }
0x5b: {  	_ =	shalt  }
0x5c: {  	_ =	shalt  }
0x5d: {  	_ =	shalt  }
0x5e: {  	_ =	shalt  }
0x5f: {  	_ =	shalt  }
0x60: {  	_ =	shalt  }
0x61: {  	_ =	shalt  }
0x62: {  	_ =	shalt  }
0x63: {  	_ =	shalt  }
0x64: {  	_ =	shalt  }
0x65: {  	_ =	shalt  }
0x66: {  	_ =	shalt  }
0x67: {  	_ =	shalt  }
0x68: {  	_ =	shalt  }
0x69: {  	_ =	shalt  }
0x6a: {  	_ =	shalt  }
0x6b: {  	_ =	shalt  }
0x6c: {  	_ =	shalt  }
0x6d: {  	_ =	shalt  }
0x6e: {  	_ =	shalt  }
0x6f: {  	_ =	shalt  }
0x70: {  	_ =	shalt  }
0x71: {  	_ =	shalt  }
0x72: {  	_ =	shalt  }
0x73: {  	_ =	shalt  }
0x74: {  	_ =	shalt  }
0x75: {  	_ =	shalt  }
0x76: {  	_ =	shalt  }
0x77: {  	_ =	shalt  }
0x78: {  	_ =	shalt  }
0x79: {  	_ =	shalt  }
0x7a: {  	_ =	shalt  }
0x7b: {  	_ =	shalt  }
0x7c: {  	_ =	shalt  }
0x7d: {  	_ =	shalt  }
0x7e: {  	_ =	shalt  }
0x7f: {  	_ =	shalt  }
0x80: {  	_ =	shalt  }
0x81: {  	_ =	shalt  }
0x82: {  	_ =	shalt  }
0x83: {  	_ =	shalt  }
0x84: {  	_ =	shalt  }
0x85: {  	_ =	shalt  }
0x86: {  	_ =	shalt  }
0x87: {  	_ =	shalt  }
.Lfunc_end0:
.L_simem_size_0:
called_computation.4_lowered:
.L_overlay_start_0:
0x88: {  	s2 =	sld [smem:$0x3FD9]  }
0x89: {  	s3 =	sld [smem:$0x3FFE];
	_ =	sdelay $0x1  }
0x8a: {  	s1 =	srdreg.scid  }
0x8b: {  	s0 =	sand.u32 $0x1, s1  }
0x8c: {  	s16 =	sshll.u32 s0, $0xA;
	s2 =	sadd.s32 s3, s2  }
0x8d: {  	s2 =	sadd.s32 s2, s16  }
0x8e: {  	[smem:$0x3F99] =	sst s2  }
0x8f: {  	_ = 	snop  }
0x90: {  	(tm) =	ssettm $0x1  }
0x91: {  	s17 =	sld [smem:$0x3FFB];
	_ =	sdelay $0x3  }
0x92: {  	_ =	strace s17  }
0x93: {  	s2 =	sld [smem:$0x3FFC];
	_ =	sdelay $0x3  }
0x94: {  	_ =	strace s2  }
0x95: {  	s2 =	sld [smem:$0x3FFD];
	_ =	sdelay $0x3  }
0x96: {  	_ =	strace s2  }
0x97: {  	_ =	strace $0x8FFFFFFF  }
0x98: {  	s18 =	sld [smem:$0x3FDB];
	_ =	sdelay $0x1  }
0x99: {  	s19 =	simm.s32 $_scs_section_size  }
0x9a: {  	s4 =	simm.s32 $_size__tile_overlayer_lowered;
	s5 =	simm.s32 $_tile_overlayer_lowered  }
0x9b: {  	s22 =	simm.s32 $0x1BFF;
	s21 =	sshll.u32 s5, $0x1;
	s2 =	sadd.s32 s19, s18  }
0x9c: {  	s6 =	simm.s32 $0x0;
	s20 =	sshll.u32 s4, $0x1;
	s4 =	sadd.s32 s21, s2  }
0x9d: {  	[timem:s6], [sflag:s22] =	dma.local [hbm:s4], s20  }
0x9e: {  	_ =	swait.ge [sflag:s22], s20  }
0x9f: {  	s3 =	ssub.s32 $0x0, s20;
	[sflag:s22] =	ssyncset.done $0x0  }
0xa0: {  	[sflag:s22] =	ssyncadd.s32 s3;
	_ =	sdelay $0x1  }
0xa1: {  	s23 =	simm.s32 $0x1B8B  }
0xa2: {  	_ =	swait.ge [sflag:s23], $0x1  }
0xa3: {  	[sflag:s23] =	ssyncset.done $0x0  }
0xa4: {  	s25 =	simm.s32 $0x1B8E;
	s24 =	sld [smem:$0x3FFE];
	[sflag:s23] =	ssyncadd.s32 $0xFFFFFFFF  }
0xa5: {  	s26 =	simm.s32 $execute0_lowered;
	[smem:$0x3FD2] =	sst s25  }
0xa6: {  	s4 =	sshll.u32 s26, $0x1;
	_ =	strace $0x80000052;
	[dreg:$0x1] =	wrdreg $0xFFFFFFFF  }
0xa7: {  	s28 =	simm.s32 $_size_execute0_lowered;
	s2 =	sadd.s32 s2, s4;
	[dreg:$0x0] =	wrdreg $0x0  }
0xa8: {  	s4 =	sshll.u32 s28, $0x1;
	[dreg:$0x2] =	wrdreg s2  }
0xa9: {  	[dreg:$0x3] =	wrdreg s4  }
0xaa: {  	[dreg:$0x4] =	wrdreg $0xC0  }
0xab: {  	_ =	task [dreg:s6], $0x5FFFF  }
0xac: {  	[dreg:$0x1] =	wrdreg $0xFFFFFFFF  }
0xad: {  	[dreg:$0x0] =	wrdreg $0x60  }
0xae: {  	[dreg:$0x2] =	wrdreg s24  }
0xaf: {  	[dreg:$0x3] =	wrdreg $0x9  }
0xb0: {  	_ =	task.clear_ibuf [dreg:s6], $0x4FFFF;
	_ =	strace $0x90000052  }
0xb1: {  	s29 =	simm.s32 $0x9;
	_ =	strace $0x80000054  }
0xb2: {  	_ =	swait.ge [sflag:s29], $0x1  }
0xb3: {  	[sflag:s29] =	ssyncadd.s32 $0xFFFFFFFF  }
0xb4: {  	_ =	strace $0x90000054  }
0xb5: {  	_ =	sfence  }
0xb6: {  	s30 =	sld [smem:$0x0];
	_ =	sdelay $0x2  }
0xb7: {  	s31 =	sshll.u32 s1, $0xD;
	s1 =	sshrl.u32 s1, $0x2  }
0xb8: {  	s3 =	sand.u32 $0x4000, s31;
	s1 =	sadd.s32 s1, s30  }
0xb9: {  	s0 =	sor.u32 s3, s0;
	s1 =	sshll.u32 s1, $0x11  }
0xba: {  	s0 =	sor.u32 s1, s0  }
0xbb: {  	s0 =	sadd.s32 $0x8F2B, s0  }
0xbc: {  	[sflag:s0] =	ssyncadd.remote.s32 $0x1  }
0xbd: {  	_ =	sfence.sel $0xFFFF  }
0xbe: {  	[dreg:$0x0] =	wrdreg $0xFFFFFFFF;
	(pc) =	sbr.abs _section_cstart, $3  }
0xbf: {  	[dreg:$0x1] =	wrdreg $0xFFFFFFFF  }
0xc0: {  	_ =	task.clear_ibuf [dreg:s6], $0x2FFFF;
	_ =	strace $0x9FFFFFFF  }
0xc1: {  	(tm) =	ssettm $0x7FFFFFFF  }
tec
execute0_lowered:
.L_overlay_start_1:
0x0: {  	(tag) =	ssettag $0x1  }
0x1: {  	s5 =	rddreg [dreg:$0x0]  }
0x2: {  	s0 =	rddreg [dreg:$0x1];
	s1 =	simm.s32 $0x0;
	s6 =	srdreg.scid  }
0x3: {  	s2 =	stileid.u32;
	s10 =	simm.s32 $0x3;
	s11 =	simm.s32 $0x4000  }
0x4: {  	s12 =	simm.s32 $0x50;
	s13 =	simm.s32 $0x8000;
	s14 =	simm.s32 $0xA800  }
0x5: {  	s15 =	simm.s32 $0x1;
	s16 =	simm.s32 $0x2;
	s17 =	simm.s32 $0x0  }
0x6: {  	[smem:$0x7FF] =	sst s1;
	s3 =	sadd.s32 $0x52200, s5;
	s4 =	sadd.s32 $0x79400, s5  }
0x7: {  	s6 =	sand.u32 $0x1, s6;
	s7 =	sshll.u32 s2, $0xC;
	s9 =	smul.u32 $0x4E200, s2  }
0x8: {  	_ =	strace $0x80000053;
	s8 =	sshll.u32 s6, $0xB;
	s30 =	ssub.s32 $0x2, s6  }
0x9: {  	s6 =	smul.u32 $0x27100, s6;
	s7 =	sor.u32 s8, s7;
	s31 =	sshrl.u32 s30, $0x1  }
0xa: {  	s9 =	sadd.s32 s9, s5;
	s7 =	sadd.s32 s7, s5;
	s8 =	ssub.s32 s30, s31  }
0xb: {  	s9 =	sadd.s32 s6, s9;
	s5 =	sadd.s32 $0x1B000, s7;
	s6 =	sadd.s32 $0xB000, s7  }
0xc: {  	s7 =	smax.u32 s8, $0x1;
	s8 =	sadd.s32 $0xA0600, s9;
	s9 =	sadd.s32 $0x582600, s9  }
.LBB2_1:
0xd: {  	[tilespmem:s1], [sflag:$0x3] =	stream.linear.gather [hbm4b:s5+s1], $0x3E80, $0x38;
	[tilespmem:$0xD000] =	vst v63  }
0xe: {  	_ =	swait.ge [sflag:s10], $0x3E80  }
0xf: {  	[sflag:s10] =	ssyncset.done $0x0  }
0x10: {  	[sflag:s10] =	ssyncadd.s32 $0xFFFFC180  }
0x11: {  	[tilespmem:s11], [sflag:$0x3] =	stream.linear.gather [hbm4b:s6+s1], $0x3E80, $0x38;
	[tilespmem:$0xD000] =	vst v63  }
0x12: {  	_ =	swait.ge [sflag:s10], $0x3E80  }
0x13: {  	[sflag:s10] =	ssyncset.done $0x0  }
0x14: {  	s18 =	simm.s32 $0x0;
	[sflag:s10] =	ssyncadd.s32 $0xFFFFC180  }
0x15: {  	[tilespmem:s13], [sflag:$0x1] =	stream.indirect.gather [hbm4b:s3+s12], $0x80, s18, s12, $0xb8;
	[tilespmem:$0xD000] =	vst v63  }
0x16: {  	s31 =	simm.s32 $0x4000  }
0x17: {  	[tilespmem:s14], [sflag:$0x2] =	stream.indirect.gather [hbm4b:s4+s12], $0x80, s31, s12, $0xb8;
	[tilespmem:$0xD000] =	vst v63  }
0x18: {  	_ =	swait.ge [sflag:s15], $0x2800  }
0x19: {  	[sflag:s15] =	ssyncset.done $0x0  }
0x1a: {  	[sflag:s15] =	ssyncadd.s32 $0xFFFFD800  }
0x1b: {  	_ =	swait.ge [sflag:s16], $0x2800  }
0x1c: {  	[sflag:s16] =	ssyncset.done $0x0  }
0x1d: {  	[sflag:s16] =	ssyncadd.s32 $0xFFFFD800  }
0x1e: {  	[hbm4b:s8+s1] =	stream.linear.scatter [tilespmem:s13], [sflag:$0x3], $0x2800, $0x38;
	[tilespmem:$0xD000] =	vst v63  }
0x1f: {  	_ =	swait.ge [sflag:s10], $0x2800  }
0x20: {  	[sflag:s10] =	ssyncset.done $0x0  }
0x21: {  	[sflag:s10] =	ssyncadd.s32 $0xFFFFD800  }
0x22: {  	[hbm4b:s9+s1] =	stream.linear.scatter [tilespmem:s14], [sflag:$0x3], $0x2800, $0x38;
	[tilespmem:$0xD000] =	vst v63  }
0x23: {  	s20 =	simm.s32 $0x200;
	s21 =	simm.s32 $0x400;
	_ =	swait.ge [sflag:s10], $0x2800  }
0x24: {  	s19 =	sadd.s32 $0x500, s8;
	s18 =	sadd.s32 $0x500, s9;
	[sflag:s10] =	ssyncset.done $0x0  }
.LBB2_2:
0x25: {  	s22 =	sshra.s32 s20, $0x2  }
0x26: {  	[sflag:s10] =	ssyncadd.s32 $0xFFFFD800;
	s20 =	smov.u32 s21;
	s23 =	sadd.s32 $0x200, s21  }
0x27: {  	[tilespmem:s13], [sflag:$0x1] =	stream.indirect.gather [hbm4b:s3+s12], $0x80, s22, s12, $0xb8;
	[tilespmem:$0xD000] =	vst v63  }
0x28: {  	p0 =	sne.s32 s21, $0xF800;
	s21 =	sadd.s32 $0x4000, s22  }
0x29: {  	[tilespmem:s14], [sflag:$0x2] =	stream.indirect.gather [hbm4b:s4+s12], $0x80, s21, s12, $0xb8;
	[tilespmem:$0xD000] =	vst v63  }
0x2a: {  	_ =	swait.ge [sflag:s15], $0x2800  }
0x2b: {  	[sflag:s15] =	ssyncset.done $0x0  }
0x2c: {  	[sflag:s15] =	ssyncadd.s32 $0xFFFFD800  }
0x2d: {  	_ =	swait.ge [sflag:s16], $0x2800  }
0x2e: {  	[sflag:s16] =	ssyncset.done $0x0  }
0x2f: {  	[sflag:s16] =	ssyncadd.s32 $0xFFFFD800  }
0x30: {  	[hbm4b:s19+s1] =	stream.linear.scatter [tilespmem:s13], [sflag:$0x3], $0x2800, $0x38;
	[tilespmem:$0xD000] =	vst v63  }
0x31: {  	_ =	swait.ge [sflag:s10], $0x2800  }
.Ltmp0:
0x32: {  	[sflag:s10] =	ssyncset.done $0x0;
	(pc) =	sbr.rel @p0 .LBB2_2-.Ltmp0, $4  }
0x33: {  	[sflag:s10] =	ssyncadd.s32 $0xFFFFD800  }
0x34: {  	[hbm4b:s18+s1] =	stream.linear.scatter [tilespmem:s14], [sflag:$0x3], $0x2800, $0x38;
	[tilespmem:$0xD000] =	vst v63  }
0x35: {  	s21 =	smov.u32 s23;
	_ =	swait.ge [sflag:s10], $0x2800  }
0x36: {  	s19 =	sadd.s32 $0x500, s19;
	s18 =	sadd.s32 $0x500, s18;
	[sflag:s10] =	ssyncset.done $0x0  }
0x37: {  	s20 =	sshra.s32 s20, $0x2;
	[sflag:s10] =	ssyncadd.s32 $0xFFFFD800  }
0x38: {  	[tilespmem:s13], [sflag:$0x1] =	stream.indirect.gather [hbm4b:s3+s12], $0x80, s20, s12, $0xb8;
	[tilespmem:$0xD000] =	vst v63  }
0x39: {  	s20 =	sadd.s32 $0x4000, s20  }
0x3a: {  	[tilespmem:s14], [sflag:$0x2] =	stream.indirect.gather [hbm4b:s4+s12], $0x80, s20, s12, $0xb8;
	[tilespmem:$0xD000] =	vst v63  }
0x3b: {  	_ =	swait.ge [sflag:s15], $0x2800  }
0x3c: {  	[sflag:s15] =	ssyncset.done $0x0  }
0x3d: {  	[sflag:s15] =	ssyncadd.s32 $0xFFFFD800  }
0x3e: {  	_ =	swait.ge [sflag:s16], $0x2800  }
0x3f: {  	[sflag:s16] =	ssyncset.done $0x0  }
0x40: {  	[sflag:s16] =	ssyncadd.s32 $0xFFFFD800  }
0x41: {  	[hbm4b:s19+s1] =	stream.linear.scatter [tilespmem:s13], [sflag:$0x3], $0x2800, $0x38;
	[tilespmem:$0xD000] =	vst v63  }
0x42: {  	s17 =	sadd.s32 $0x1, s17;
	_ =	swait.ge [sflag:s10], $0x2800  }
0x43: {  	p0 =	sne.s32 s17, s7;
	[sflag:s10] =	ssyncset.done $0x0  }
.Ltmp1:
0x44: {  	[sflag:s10] =	ssyncadd.s32 $0xFFFFD800;
	(pc) =	sbr.rel @p0 .LBB2_1-.Ltmp1, $4  }
0x45: {  	[hbm4b:s18+s1] =	stream.linear.scatter [tilespmem:s14], [sflag:$0x3], $0x2800, $0x38;
	[tilespmem:$0xD000] =	vst v63  }
0x46: {  	_ =	swait.ge [sflag:s10], $0x2800  }
0x47: {  	[sflag:s10] =	ssyncset.done $0x0  }
0x48: {  	[sflag:s10] =	ssyncadd.s32 $0xFFFFD800  }
0x49: {  	_ =	sfence.sel $0x180000  }
0x4a: {  	[bflag:$0x0] =	sbarrier.arrive $0xFFFF  }
0x4b: {  	p0 =	sne.s32 s2, $0x0;
	_ =	strace $0x90000053  }
0x4c: {  	s0 =	sadd.s32 @!p0 $0x100000, s0;
	[bflag:$0x2] =	sbarrier.arrive $0xFFFF  }
0x4d: {  	[sflag:s0] =	ssyncadd.tile.s32 @!p0 $0x1;
	_ =	shalt  }
.Lfunc_end2:
_tile_overlayer_lowered:
.L_overlay_start_2:
0x4e: {  	(tag) =	ssettag $0x2  }
0x4f: {  	s0 =	rddreg [dreg:$0x0];
	s2 =	stileid.u32  }
0x50: {  	s1 =	rddreg [dreg:$0x1];
	p0 =	sne.s32 s2, $0x0  }
0x51: {  	s3 =	rddreg [dreg:$0x2];
	[bflag:$0x3] =	sbarrier.arrive $0xFFFF;
	s2 =	simm.s32 @!p0 $0x1C03  }
0x52: {  	[timem:s3], [sflag:s2] =	dma.local @!p0 [hbm:s0], s1  }
0x53: {  	s0 =	simm.s32 @!p0 $0x3  }
0x54: {  	_ =	swait.ge @!p0 [sflag:s0], s1  }
0x55: {  	s1 =	ssub.s32 @!p0 $0x0, s1;
	[sflag:s0] =	ssyncset.done @!p0 $0x0  }
0x56: {  	[sflag:s0] =	ssyncadd.s32 @!p0 s1  }
0x57: {  	[bflag:$0x3] =	sbarrier.arrive $0xFFFF  }
0x58: {  	_ =	shalt  }

// kernel: kernel.35.cloned.1.call-start
scs
__scs_entry_jumppad:
0x0: {  	(pc) =	sbr.rel $0x88, $3  }
0x1: {  	(tag) =	ssettag $0x0;
	lr =	simm.s32 $0x1  }
0x2: {  	[smem:$0x3F72] =	sst lr;
	_ =	strace $0xD0000000  }
0x3: {  	_ = 	snop  }
0x4: {  	_ = 	snop  }
0x5: {  	_ = 	snop  }
0x6: {  	_ = 	snop  }
0x7: {  	_ = 	snop  }
__scs_overlays_trampoline_lowered:
0x8: {  	[smem:$0x3F81] =	sst s0  }
0x9: {  	[smem:$0x3F82] =	sst s1  }
0xa: {  	[smem:$0x3F83] =	sst s2  }
0xb: {  	[smem:$0x3F84] =	sst s3  }
0xc: {  	[smem:$0x3F85] =	sst s4  }
0xd: {  	[smem:$0x3F86] =	sst s5  }
0xe: {  	[smem:$0x3F87] =	sst s6  }
0xf: {  	[smem:$0x3F88] =	sst s7  }
0x10: {  	[smem:$0x3F89] =	sst s8  }
0x11: {  	[smem:$0x3F8A] =	sst s9;
	s0 =	simm.s32 @!p0 $0x0  }
0x12: {  	s1 =	sld [smem:$0x3F70];
	s0 =	simm.s32 @p0 $0x1  }
0x13: {  	[smem:$0x3F8B] =	sst s0;
	s0 =	simm.s32 @!p1 $0x0  }
0x14: {  	s2 =	sld [smem:$0x3F6F];
	s0 =	simm.s32 @p1 $0x1  }
0x15: {  	[smem:$0x3F8C] =	sst s0;
	s0 =	simm.s32 @!p2 $0x0  }
0x16: {  	s3 =	sld [smem:$0x3FDB];
	s0 =	simm.s32 @p2 $0x1  }
0x17: {  	s4 =	simm.s32 $0x1BF5;
	[smem:$0x3F8E] =	sst s0  }
0x18: {  	s0 =	sld [smem:$0x3F71];
	_ =	swait.ge [sflag:s4], $0x0  }
0x19: {  	s7 =	sld [smem:$0x3F72]  }
0x1a: {  	s8 =	sadd.s32 $0xFFFFE003, lr  }
0x1b: {  	s9 =	sadd.s32 $0xFFFFFEF7, lr;
	s5 =	simm.s32 $0xFFFFFFFF;
	p2 =	slt.u32 s8, $0xFFFFF086  }
0x1c: {  	p1 =	slt.u32 s9, $0xF7A;
	s5 =	simm.s32 @!p2 $0x0  }
0x1d: {  	s5 =	simm.s32 @p1 $0x1;
	p0 =	seq.s32 s7, s2  }
0x1e: {  	s7 =	smul.u32 @!p0 $0xF7A, s2;
	p2 =	seq.s32 @!p0 s5, $0x0  }
0x1f: {  	s9 =	smul.u32 $0xF7A, s1;
	s8 =	simm.s32 @!p0 $0x1BF5;
	p2 =	por !p2, p0  }
0x20: {  	[sflag:s8] =	ssyncset.s32 @!p0 $0xFFFFF086;
	s6 =	sadd.s32 @!p0 s3, s7;
	s7 =	simm.s32 @!p0 $0x108  }
0x21: {  	s3 =	sadd.s32 s3, s9;
	s6 =	sadd.s32 @!p0 $0x88, s6;
	s7 =	simm.s32 @p2 $0x1082  }
0x22: {  	[simem:s7], [sflag:s8] =	dma.local @!p0 [hbm:s6], $0xF7A  }
0x23: {  	s9 =	sor.u32 $0xD0000000, s2;
	s6 =	simm.s32 $0x108;
	_ =	swait.ge @!p0 [sflag:s8], $0x0  }
0x24: {  	s3 =	sadd.s32 $0x88, s3;
	s6 =	simm.s32 @!p1 $0x1082;
	[sflag:s4] =	ssyncset.s32 $0xFFFFF086  }
0x25: {  	[simem:s6], [sflag:s4] =	dma.local [hbm:s3], $0xF7A  }
0x26: {  	[smem:$0x3F72] =	sst s1;
	(tag) =	ssettag s2;
	_ =	strace s9  }
0x27: {  	s1 =	sld [smem:$0x3F82]  }
0x28: {  	s2 =	sld [smem:$0x3F83]  }
0x29: {  	s4 =	sld [smem:$0x3F85]  }
0x2a: {  	p0 =	seq.s32 s5, $0x0;
	s5 =	sld [smem:$0x3F86]  }
0x2b: {  	s6 =	sld [smem:$0x3F87]  }
0x2c: {  	s7 =	sld [smem:$0x3F88]  }
0x2d: {  	s3 =	simm.s32 $0x108;
	s8 =	sld [smem:$0x3F89]  }
0x2e: {  	s3 =	simm.s32 @!p0 $0x1082;
	s9 =	sld [smem:$0x3F8A]  }
0x2f: {  	lr =	sadd.s32 s0, s3;
	s0 =	sld [smem:$0x3F81]  }
0x30: {  	s3 =	sld [smem:$0x3F84]  }
0x31: {  	[smem:$0x3F8D] =	sst s10  }
0x32: {  	s10 =	sld [smem:$0x3F8B];
	_ =	sdelay $0x3  }
0x33: {  	p0 =	seq.s32 s10, $0x1;
	s10 =	sld [smem:$0x3F8D];
	_ =	sdelay $0x3  }
0x34: {  	[smem:$0x3F8D] =	sst s10  }
0x35: {  	s10 =	sld [smem:$0x3F8C];
	_ =	sdelay $0x3  }
0x36: {  	p1 =	seq.s32 s10, $0x1;
	s10 =	sld [smem:$0x3F8D];
	_ =	sdelay $0x3  }
0x37: {  	[smem:$0x3F8D] =	sst s10  }
0x38: {  	s10 =	sld [smem:$0x3F8E]  }
0x39: {  	_ = 	snop;
	(pc) =	sbr.ind lr, $3  }
0x3a: {  	_ = 	snop  }
0x3b: {  	_ = 	snop  }
0x3c: {  	p2 =	seq.s32 s10, $0x1;
	s10 =	sld [smem:$0x3F8D]  }
0x3d: {  	_ =	shalt  }
0x3e: {  	_ =	shalt  }
0x3f: {  	_ =	shalt  }
0x40: {  	_ =	shalt  }
0x41: {  	_ =	shalt  }
0x42: {  	_ =	shalt  }
0x43: {  	_ =	shalt  }
0x44: {  	_ =	shalt  }
0x45: {  	_ =	shalt  }
0x46: {  	_ =	shalt  }
0x47: {  	_ =	shalt  }
0x48: {  	_ =	shalt  }
0x49: {  	_ =	shalt  }
0x4a: {  	_ =	shalt  }
0x4b: {  	_ =	shalt  }
0x4c: {  	_ =	shalt  }
0x4d: {  	_ =	shalt  }
0x4e: {  	_ =	shalt  }
0x4f: {  	_ =	shalt  }
0x50: {  	_ =	shalt  }
0x51: {  	_ =	shalt  }
0x52: {  	_ =	shalt  }
0x53: {  	_ =	shalt  }
0x54: {  	_ =	shalt  }
0x55: {  	_ =	shalt  }
0x56: {  	_ =	shalt  }
0x57: {  	_ =	shalt  }
0x58: {  	_ =	shalt  }
0x59: {  	_ =	shalt  }
0x5a: {  	_ =	shalt  }
0x5b: {  	_ =	shalt  }
0x5c: {  	_ =	shalt  }
0x5d: {  	_ =	shalt  }
0x5e: {  	_ =	shalt  }
0x5f: {  	_ =	shalt  }
0x60: {  	_ =	shalt  }
0x61: {  	_ =	shalt  }
0x62: {  	_ =	shalt  }
0x63: {  	_ =	shalt  }
0x64: {  	_ =	shalt  }
0x65: {  	_ =	shalt  }
0x66: {  	_ =	shalt  }
0x67: {  	_ =	shalt  }
0x68: {  	_ =	shalt  }
0x69: {  	_ =	shalt  }
0x6a: {  	_ =	shalt  }
0x6b: {  	_ =	shalt  }
0x6c: {  	_ =	shalt  }
0x6d: {  	_ =	shalt  }
0x6e: {  	_ =	shalt  }
0x6f: {  	_ =	shalt  }
0x70: {  	_ =	shalt  }
0x71: {  	_ =	shalt  }
0x72: {  	_ =	shalt  }
0x73: {  	_ =	shalt  }
0x74: {  	_ =	shalt  }
0x75: {  	_ =	shalt  }
0x76: {  	_ =	shalt  }
0x77: {  	_ =	shalt  }
0x78: {  	_ =	shalt  }
0x79: {  	_ =	shalt  }
0x7a: {  	_ =	shalt  }
0x7b: {  	_ =	shalt  }
0x7c: {  	_ =	shalt  }
0x7d: {  	_ =	shalt  }
0x7e: {  	_ =	shalt  }
0x7f: {  	_ =	shalt  }
0x80: {  	_ =	shalt  }
0x81: {  	_ =	shalt  }
0x82: {  	_ =	shalt  }
0x83: {  	_ =	shalt  }
0x84: {  	_ =	shalt  }
0x85: {  	_ =	shalt  }
0x86: {  	_ =	shalt  }
0x87: {  	_ =	shalt  }
.Lfunc_end0:
.L_simem_size_0:
called_computation.5_lowered:
.L_overlay_start_0:
0x88: {  	s2 =	sld [smem:$0x3FD9]  }
0x89: {  	s3 =	sld [smem:$0x3FFE];
	_ =	sdelay $0x1  }
0x8a: {  	s1 =	srdreg.scid  }
0x8b: {  	s0 =	sand.u32 $0x1, s1  }
0x8c: {  	s16 =	sshll.u32 s0, $0xA;
	s2 =	sadd.s32 s3, s2  }
0x8d: {  	s2 =	sadd.s32 s2, s16  }
0x8e: {  	[smem:$0x3F99] =	sst s2  }
0x8f: {  	_ = 	snop  }
0x90: {  	(tm) =	ssettm $0x1  }
0x91: {  	s17 =	sld [smem:$0x3FFB];
	_ =	sdelay $0x3  }
0x92: {  	_ =	strace s17  }
0x93: {  	s2 =	sld [smem:$0x3FFC];
	_ =	sdelay $0x3  }
0x94: {  	_ =	strace s2  }
0x95: {  	s2 =	sld [smem:$0x3FFD];
	_ =	sdelay $0x3  }
0x96: {  	_ =	strace s2  }
0x97: {  	_ =	strace $0x8FFFFFFF  }
0x98: {  	s18 =	sld [smem:$0x3FDB];
	_ =	sdelay $0x1  }
0x99: {  	s19 =	simm.s32 $_scs_section_size  }
0x9a: {  	s4 =	simm.s32 $_size__tile_overlayer_lowered;
	s5 =	simm.s32 $_tile_overlayer_lowered  }
0x9b: {  	s22 =	simm.s32 $0x1BFF;
	s21 =	sshll.u32 s5, $0x1;
	s2 =	sadd.s32 s19, s18  }
0x9c: {  	s6 =	simm.s32 $0x0;
	s20 =	sshll.u32 s4, $0x1;
	s4 =	sadd.s32 s21, s2  }
0x9d: {  	[timem:s6], [sflag:s22] =	dma.local [hbm:s4], s20  }
0x9e: {  	_ =	swait.ge [sflag:s22], s20  }
0x9f: {  	s3 =	ssub.s32 $0x0, s20;
	[sflag:s22] =	ssyncset.done $0x0  }
0xa0: {  	[sflag:s22] =	ssyncadd.s32 s3;
	_ =	sdelay $0x1  }
0xa1: {  	s23 =	simm.s32 $0x1B8B  }
0xa2: {  	_ =	swait.ge [sflag:s23], $0x1  }
0xa3: {  	[sflag:s23] =	ssyncset.done $0x0  }
0xa4: {  	s25 =	simm.s32 $0x1B8E;
	s24 =	sld [smem:$0x3FFE];
	[sflag:s23] =	ssyncadd.s32 $0xFFFFFFFF  }
0xa5: {  	s26 =	simm.s32 $execute0_lowered;
	[smem:$0x3FD2] =	sst s25  }
0xa6: {  	s4 =	sshll.u32 s26, $0x1;
	_ =	strace $0x80000055;
	[dreg:$0x1] =	wrdreg $0xFFFFFFFF  }
0xa7: {  	s28 =	simm.s32 $_size_execute0_lowered;
	s2 =	sadd.s32 s2, s4;
	[dreg:$0x0] =	wrdreg $0x0  }
0xa8: {  	s4 =	sshll.u32 s28, $0x1;
	[dreg:$0x2] =	wrdreg s2  }
0xa9: {  	[dreg:$0x3] =	wrdreg s4  }
0xaa: {  	[dreg:$0x4] =	wrdreg $0xC0  }
0xab: {  	_ =	task [dreg:s6], $0x5FFFF  }
0xac: {  	[dreg:$0x1] =	wrdreg $0xFFFFFFFF  }
0xad: {  	[dreg:$0x0] =	wrdreg $0x60  }
0xae: {  	[dreg:$0x2] =	wrdreg s24  }
0xaf: {  	[dreg:$0x3] =	wrdreg $0x9C000  }
0xb0: {  	[dreg:$0x4] =	wrdreg $0x9  }
0xb1: {  	_ =	task.clear_ibuf [dreg:s6], $0x5FFFF;
	_ =	strace $0x90000055  }
0xb2: {  	s29 =	simm.s32 $0x9;
	_ =	strace $0x80000057  }
0xb3: {  	_ =	swait.ge [sflag:s29], $0x1  }
0xb4: {  	[sflag:s29] =	ssyncadd.s32 $0xFFFFFFFF  }
0xb5: {  	_ =	strace $0x90000057  }
0xb6: {  	_ =	sfence  }
0xb7: {  	s30 =	sld [smem:$0x0];
	_ =	sdelay $0x2  }
0xb8: {  	s31 =	sshll.u32 s1, $0xD;
	s1 =	sshrl.u32 s1, $0x2  }
0xb9: {  	s3 =	sand.u32 $0x4000, s31;
	s1 =	sadd.s32 s1, s30  }
0xba: {  	s0 =	sor.u32 s3, s0;
	s1 =	sshll.u32 s1, $0x11  }
0xbb: {  	s0 =	sor.u32 s1, s0  }
0xbc: {  	s0 =	sadd.s32 $0x8F2B, s0  }
0xbd: {  	[sflag:s0] =	ssyncadd.remote.s32 $0x1  }
0xbe: {  	_ =	sfence.sel $0xFFFF  }
0xbf: {  	[dreg:$0x0] =	wrdreg $0xFFFFFFFF;
	(pc) =	sbr.abs _section_cstart, $3  }
0xc0: {  	[dreg:$0x1] =	wrdreg $0xFFFFFFFF  }
0xc1: {  	_ =	task.clear_ibuf [dreg:s6], $0x2FFFF;
	_ =	strace $0x9FFFFFFF  }
0xc2: {  	(tm) =	ssettm $0x7FFFFFFF  }
0xc3: {  	_ =	shalt  }
tec
execute0_lowered:
.L_overlay_start_1:
0x0: {  	(tag) =	ssettag $0x1  }
0x1: {  	s3 =	rddreg [dreg:$0x0]  }
0x2: {  	s1 =	rddreg [dreg:$0x1]  }
0x3: {  	s0 =	rddreg [dreg:$0x2];
	s2 =	simm.s32 $0x0  }
0x4: {  	s18 =	stileid.u32;
	s5 =	srdreg.scid;
	s16 =	simm.s32 $0x1  }
0x5: {  	s17 =	simm.s32 $0x4000;
	s20 =	simm.s32 $0x0;
	s4 =	smul.u32 $0x4E200, s18  }
0x6: {  	[smem:$0x7FF] =	sst s2;
	s9 =	sand.u32 $0x1, s5;
	s8 =	smul.u32 $0x13800, s18  }
0x7: {  	s25 =	sshll.u32 s18, $0xC;
	s10 =	sadd.s32 $0x52200, s3;
	s28 =	smul.u32 $0x4E000, s18  }
0x8: {  	p0 =	sne.s32 s18, $0x0;
	s19 =	sshll.u32 s18, $0x6;
	_ =	strace $0x80000056  }
0x9: {  	s18 =	simm.s32 $0x50;
	s5 =	sshll.u32 s9, $0xB;
	s6 =	smul.u32 $0x138800, s9  }
0xa: {  	s26 =	ssub.s32 $0x2, s9;
	s15 =	smul.u32 $0x27100, s9;
	s19 =	sor.u32 $0x1C01, s19  }
0xb: {  	s14 =	sadd.s32 s4, s3;
	s4 =	sor.u32 s5, s25;
	s7 =	sshrl.u32 s26, $0x1  }
0xc: {  	s30 =	sshrl.u32 s28, $0x2;
	s4 =	sadd.s32 s4, s3;
	s11 =	ssub.s32 s26, s7  }
0xd: {  	s3 =	sadd.s32 $0x138000, s1;
	s29 =	sadd.s32 s8, s6;
	s12 =	sshrl.u32 s6, $0x3  }
0xe: {  	s6 =	sadd.s32 s30, s1;
	s14 =	sadd.s32 s15, s14;
	s15 =	simm.s32 $0x6800  }
0xf: {  	s4 =	sadd.s32 $0xB000, s4;
	s7 =	sshrl.u32 s29, $0x3;
	s31 =	sadd.s32 s10, s12  }
0x10: {  	s8 =	smax.u32 s11, $0x1;
	s9 =	sadd.s32 $0x3400, s6;
	s11 =	sadd.s32 $0x9C00, s6  }
0x11: {  	s12 =	sadd.s32 $0xD000, s6;
	s13 =	sadd.s32 $0x10400, s6;
	s14 =	sadd.s32 $0x1428600, s14  }
0x12: {  	v0 =	vimm.f32 $0.0e+00;
	s5 =	sadd.s32 s10, s7;
	s7 =	sadd.s32 $0x27000, s31;
	s10 =	sadd.s32 $0x6800, s6  }
.LBB2_1:
0x13: {  	s22 =	simm.s32 $0x200;
	s21 =	simm.s32 $0x0  }
.LBB2_2:
0x14: {  	p1 =	sne.s32 s22, $0xCE00;
	[tilespmem:s21+$0x6830] =	vst v0;
	s23 =	smov.u32 s22;
	s22 =	sadd.s32 $0x200, s22  }
.Ltmp0:
0x15: {  	[tilespmem:s21+$0x6820] =	vst v0;
	(pc) =	sbr.rel @p1 .LBB2_2-.Ltmp0, $3  }
0x16: {  	[tilespmem:s21+$0x6800] =	vst v0  }
0x17: {  	[tilespmem:s21+$0x6810] =	vst v0;
	_ =	sdelay $0x1  }
0x18: {  	s21 =	sshra.s32 s23, $0x2  }
0x19: {  	[tilespmem:s21+$0x6830] =	vst v0  }
0x1a: {  	[tilespmem:s21+$0x6820] =	vst v0  }
0x1b: {  	[tilespmem:s21+$0x6800] =	vst v0  }
0x1c: {  	[tilespmem:s21+$0x6810] =	vst v0  }
0x1d: {  	[spmem:s6] =	stream.linear.scatter [tilespmem:s15], [sflag:$0x1], $0x3400, $0x38;
	[tilespmem:$0x13840] =	vst v63  }
0x1e: {  	_ =	swait.ge [sflag:s16], $0x3400  }
0x1f: {  	[sflag:s16] =	ssyncset.done $0x0  }
0x20: {  	[sflag:s16] =	ssyncadd.s32 $0xFFFFCC00  }
0x21: {  	[spmem:s9] =	stream.linear.scatter [tilespmem:s15], [sflag:$0x1], $0x3400, $0x38;
	[tilespmem:$0x13840] =	vst v63  }
0x22: {  	_ =	swait.ge [sflag:s16], $0x3400  }
0x23: {  	[sflag:s16] =	ssyncset.done $0x0  }
0x24: {  	[sflag:s16] =	ssyncadd.s32 $0xFFFFCC00  }
0x25: {  	[spmem:s10] =	stream.linear.scatter [tilespmem:s15], [sflag:$0x1], $0x3400, $0x38;
	[tilespmem:$0x13840] =	vst v63  }
0x26: {  	_ =	swait.ge [sflag:s16], $0x3400  }
0x27: {  	[sflag:s16] =	ssyncset.done $0x0  }
0x28: {  	[sflag:s16] =	ssyncadd.s32 $0xFFFFCC00  }
0x29: {  	[spmem:s11] =	stream.linear.scatter [tilespmem:s15], [sflag:$0x1], $0x3400, $0x38;
	[tilespmem:$0x13840] =	vst v63  }
0x2a: {  	_ =	swait.ge [sflag:s16], $0x3400  }
0x2b: {  	[sflag:s16] =	ssyncset.done $0x0  }
0x2c: {  	[sflag:s16] =	ssyncadd.s32 $0xFFFFCC00  }
0x2d: {  	[spmem:s12] =	stream.linear.scatter [tilespmem:s15], [sflag:$0x1], $0x3400, $0x38;
	[tilespmem:$0x13840] =	vst v63  }
0x2e: {  	_ =	swait.ge [sflag:s16], $0x3400  }
0x2f: {  	[sflag:s16] =	ssyncset.done $0x0  }
0x30: {  	[sflag:s16] =	ssyncadd.s32 $0xFFFFCC00  }
0x31: {  	[spmem:s13] =	stream.linear.scatter [tilespmem:s15], [sflag:$0x1], $0x3400, $0x38;
	[tilespmem:$0x13840] =	vst v63  }
0x32: {  	_ =	swait.ge [sflag:s16], $0x3400  }
0x33: {  	[sflag:s16] =	ssyncset.done $0x0  }
0x34: {  	s21 =	simm.s32 @!p0 $0x6800;
	[sflag:s16] =	ssyncadd.s32 $0xFFFFCC00  }
0x35: {  	[spmem:s3] =	stream.linear.scatter @!p0 [tilespmem:s21], [sflag:$0x1], $0x800, $0x38;
	[tilespmem:$0x13840] =	vst v63  }
0x36: {  	s21 =	simm.s32 @!p0 $0x1  }
0x37: {  	_ =	swait.ge @!p0 [sflag:s21], $0x800  }
0x38: {  	[sflag:s21] =	ssyncset.done @!p0 $0x0  }
0x39: {  	[sflag:s21] =	ssyncadd.s32 @!p0 $0xFFFFF800  }
0x3a: {  	s30 =	simm.s32 $0x0;
	[bflag:$0x0] =	sbarrier.arrive $0xFFFF  }
0x3b: {  	[tilespmem:s30], [sflag:$0x1] =	stream.linear.gather [hbm4b:s4+s30], $0x3E80, $0x38;
	[tilespmem:$0x13840] =	vst v63  }
0x3c: {  	_ =	swait.ge [sflag:s16], $0x3E80  }
0x3d: {  	[sflag:s16] =	ssyncset.done $0x0  }
0x3e: {  	[sflag:s16] =	ssyncadd.s32 $0xFFFFC180  }
0x3f: {  	[tilespmem:s17], [sflag:$0x1] =	stream.linear.gather [hbm4b:s14+s2], $0x2800, $0x38;
	[tilespmem:$0x13840] =	vst v63  }
0x40: {  	_ =	swait.ge [sflag:s16], $0x2800  }
0x41: {  	[sflag:s16] =	ssyncset.done $0x0  }
0x42: {  	s31 =	simm.s32 $0x0;
	[sflag:s16] =	ssyncadd.s32 $0xFFFFD800  }
0x43: {  	[spmem:s1] =	stream.indirect.scatter.add.f32 [tilespmem:s17], [sflag:$0x1], $0x40, s31, s18, $0xb8;
	[tilespmem:$0x13840] =	vst v63  }
0x44: {  	_ =	swait.ge [sflag:s16], $0x1400  }
0x45: {  	s22 =	smov.u32 s14;
	s21 =	simm.s32 $0x200;
	[sflag:s16] =	ssyncset.done $0x0  }
.LBB2_4:
0x46: {  	p1 =	sne.s32 s21, $0xF800;
	[sflag:s16] =	ssyncadd.s32 $0xFFFFEC00;
	s22 =	sadd.s32 $0x500, s22  }
0x47: {  	[tilespmem:s17], [sflag:$0x1] =	stream.linear.gather [hbm4b:s22+s2], $0x2800, $0x38;
	[tilespmem:$0x13840] =	vst v63  }
0x48: {  	s23 =	smov.u32 s21;
	s21 =	sadd.s32 $0x200, s21;
	_ =	swait.ge [sflag:s16], $0x2800  }
.Ltmp1:
0x49: {  	[sflag:s16] =	ssyncset.done $0x0;
	(pc) =	sbr.rel @p1 .LBB2_4-.Ltmp1, $4  }
0x4a: {  	s23 =	sshra.s32 s23, $0x2;
	[sflag:s16] =	ssyncadd.s32 $0xFFFFD800  }
0x4b: {  	[spmem:s1] =	stream.indirect.scatter.add.f32 [tilespmem:s17], [sflag:$0x1], $0x40, s23, s18, $0xb8;
	[tilespmem:$0x13840] =	vst v63  }
0x4c: {  	_ =	swait.ge [sflag:s16], $0x1400  }
0x4d: {  	[sflag:s16] =	ssyncset.done $0x0  }
0x4e: {  	[sflag:s16] =	ssyncadd.s32 $0xFFFFEC00  }
0x4f: {  	s21 =	sshrl.u32 s6, $0x3;
	[bflag:$0x0] =	sbarrier.arrive $0xFFFF  }
0x50: {  	[hbm:s5], [sflag:s19] =	dma.local [spmem:s21], $0x2700  }
0x51: {  	_ =	swait.ge [sflag:s16], $0x2700  }
0x52: {  	s20 =	sadd.s32 $0x1, s20;
	[sflag:s16] =	ssyncset.done $0x0  }
0x53: {  	p1 =	sne.s32 s20, s8;
	s21 =	sshrl.u32 @!p0 s3, $0x3;
	[sflag:s16] =	ssyncadd.s32 $0xFFFFD900  }
0x54: {  	[hbm:s7], [sflag:s19] =	dma.local @!p0 [spmem:s21], $0x100  }
.Ltmp2:
0x55: {  	_ = 	snop;
	(pc) =	sbr.rel @p1 .LBB2_1-.Ltmp2, $4  }
0x56: {  	s21 =	simm.s32 @!p0 $0x1  }
0x57: {  	_ =	swait.ge @!p0 [sflag:s21], $0x100  }
0x58: {  	[sflag:s21] =	ssyncset.done @!p0 $0x0  }
0x59: {  	[sflag:s21] =	ssyncadd.s32 @!p0 $0xFFFFFF00  }
0x5a: {  	_ =	sfence.sel $0x180000  }
0x5b: {  	[bflag:$0x0] =	sbarrier.arrive $0xFFFF  }
0x5c: {  	_ =	strace $0x90000056  }
0x5d: {  	s0 =	sadd.s32 @!p0 $0x100000, s0;
	[bflag:$0x2] =	sbarrier.arrive $0xFFFF  }
0x5e: {  	[sflag:s0] =	ssyncadd.tile.s32 @!p0 $0x1;
	_ =	shalt  }
.Lfunc_end2:
_tile_overlayer_lowered:
.L_overlay_start_2:
0x5f: {  	(tag) =	ssettag $0x2  }
0x60: {  	s0 =	rddreg [dreg:$0x0];
	s2 =	stileid.u32  }
0x61: {  	s1 =	rddreg [dreg:$0x1];
	p0 =	sne.s32 s2, $0x0  }
0x62: {  	s3 =	rddreg [dreg:$0x2];
	[bflag:$0x3] =	sbarrier.arrive $0xFFFF;
	s2 =	simm.s32 @!p0 $0x1C01  }
0x63: {  	[timem:s3], [sflag:s2] =	dma.local @!p0 [hbm:s0], s1  }
0x64: {  	s0 =	simm.s32 @!p0 $0x1  }
0x65: {  	_ =	swait.ge @!p0 [sflag:s0], s1  }
0x66: {  	s1 =	ssub.s32 @!p0 $0x0, s1;
	[sflag:s0] =	ssyncset.done @!p0 $0x0  }
0x67: {  	[sflag:s0] =	ssyncadd.s32 @!p0 s1  }
0x68: {  	[bflag:$0x3] =	sbarrier.arrive $0xFFFF  }
0x69: {  	_ =	shalt  }

</sc_bundles>
